<compile_context>
chip_gen: v7x
topology: tpu7x:2x2x1
jax: 0.10.2.dev20260603
libtpu: 0.0.44.dev20260713+nightly
codegen_flags: <defaults>
</compile_context>

<pallas_src>
import jax
import jax.numpy as jnp
from jax import lax
from jax.experimental import pallas as pl
from jax.experimental.pallas import tpu as pltpu
from jax.experimental.pallas import tpu_sc as plsc

_OUT = 192
_HALF = 96
_WIN = _HALF + 8
_H = 224
_W = 224
_NC = 2
_NS = 16
_NW = _NC * _NS
_LANES = 16
_GROUPS = _OUT // _LANES


def _sc_body(in_hbm, i_hbm, j_hbm, out_hbm,
             ij_buf, in_buf0, in_buf1, out_buf0, out_buf1,
             isem0, isem1, osem0, osem1):
    N, C, H, W = in_hbm.shape
    items = (N * C * 2) // _NW
    wid = lax.axis_index("s") * _NC + lax.axis_index("c")
    base = wid * items
    pltpu.sync_copy(i_hbm, ij_buf.at[0])
    pltpu.sync_copy(j_hbm, ij_buf.at[1])
    lane = lax.iota(jnp.int32, _LANES)

    def params(t):
        item = base + t
        pair = item // 2
        h = item % 2
        n = pair // C
        cc = pair % C
        sel = lane == n
        i0 = jnp.sum(jnp.where(sel, ij_buf[0, :], 0))
        j0 = jnp.sum(jnp.where(sel, ij_buf[1, :], 0))
        row0 = i0 + h * _HALF
        ibase = pl.multiple_of(jnp.minimum((row0 // 8) * 8, H - _WIN), 8)
        rsub = row0 - ibase
        return n, cc, h, ibase, rsub, j0

    def start_in(t, buf, sem):
        n, cc, h, ibase, rsub, j0 = params(t)
        pltpu.async_copy(in_hbm.at[n, cc, pl.ds(ibase, _WIN), :], buf, sem)

    def wait_in(buf, sem):
        pltpu.make_async_copy(in_hbm.at[0, 0, pl.ds(0, _WIN), :], buf, sem).wait()

    def start_out(t, buf, sem):
        n, cc, h, _, _, _ = params(t)
        pltpu.async_copy(
            buf, out_hbm.at[n, cc, pl.ds(h * _HALF, _HALF), :], sem)

    def wait_out(buf, sem):
        pltpu.make_async_copy(
            buf, out_hbm.at[0, 0, pl.ds(0, _HALF), :], sem).wait()

    def compute(t, in_buf, out_buf):
        _, _, _, _, rsub, j0 = params(t)
        cols = [g * _LANES + j0 + lane for g in range(_GROUPS)]

        @plsc.parallel_loop(0, _HALF, step=1, unroll=2)
        def row_body(row):
            rowvec = jnp.full((_LANES,), row + rsub, jnp.int32)
            for g in range(_GROUPS):
                v = plsc.load_gather(in_buf, [rowvec, cols[g]])
                out_buf[row, pl.ds(g * _LANES, _LANES)] = v

    start_in(0, in_buf0, isem0)
    nq = items // 2

    def q_body(q, carry):
        t0 = 2 * q
        t1 = t0 + 1
        start_in(t1, in_buf1, isem1)
        wait_in(in_buf0, isem0)

        @pl.when(q > 0)
        def _():
            wait_out(out_buf0, osem0)

        compute(t0, in_buf0, out_buf0)
        start_out(t0, out_buf0, osem0)

        @pl.when(q < nq - 1)
        def _():
            start_in(t0 + 2, in_buf0, isem0)

        wait_in(in_buf1, isem1)

        @pl.when(q > 0)
        def _():
            wait_out(out_buf1, osem1)

        compute(t1, in_buf1, out_buf1)
        start_out(t1, out_buf1, osem1)
        return carry

    lax.fori_loop(0, nq, q_body, 0)
    wait_out(out_buf0, osem0)
    wait_out(out_buf1, osem1)


def kernel(tensor, i, j):
    N, C, H, W = tensor.shape
    mesh = plsc.VectorSubcoreMesh(core_axis_name="c", subcore_axis_name="s")
    run = pl.kernel(
        _sc_body,
        out_type=jax.ShapeDtypeStruct((N, C, _OUT, _OUT), tensor.dtype),
        mesh=mesh,
        scratch_types=[
            pltpu.VMEM((2, _LANES), jnp.int32),
            pltpu.VMEM((_WIN, _W), jnp.float32),
            pltpu.VMEM((_WIN, _W), jnp.float32),
            pltpu.VMEM((_HALF, _OUT), jnp.float32),
            pltpu.VMEM((_HALF, _OUT), jnp.float32),
            pltpu.SemaphoreType.DMA,
            pltpu.SemaphoreType.DMA,
            pltpu.SemaphoreType.DMA,
            pltpu.SemaphoreType.DMA,
        ],
        compiler_params=pltpu.CompilerParams(
            use_tc_tiling_on_sc=True, needs_layout_passes=False),
    )
    return run(tensor, i, j)

# --- scband reference (transcript-rebuilt; emitter-appended) ---
"""Pipeline reference for scband-random-crop-44676249813556 (READ-ONLY COPY).

The authoritative reference and input builder live on the scoring server;
editing this copy changes nothing except your own understanding.
"""

import jax, jax.numpy as jnp
import numpy as np

SIZE = 192

def setup_inputs(seed: int = 0) -> dict:
    key = jax.random.key(seed)
    k1, k2, k3 = jax.random.split(key, 3)
    N, C, H, W = 16, 96, 224, 224
    tensor = jax.random.normal(k1, (N, C, H, W), dtype=jnp.float32)
    # RandomCrop draws per-sample offsets internally via torch.randint; we
    # materialize them here so the reference is deterministic.
    i = jax.random.randint(k2, (N,), 0, H - SIZE + 1, dtype=jnp.int32)
    j = jax.random.randint(k3, (N,), 0, W - SIZE + 1, dtype=jnp.int32)
    return {"tensor": tensor, "i": i, "j": j}

def reference(tensor, i, j):
    # padding=None path: no zero-padding, crop directly from the input.
    th = tw = SIZE
    N, C, H, W = tensor.shape
    rows = jnp.arange(th, dtype=jnp.int32)[None, :] + i[:, None]      # (N, th)
    cols = jnp.arange(tw, dtype=jnp.int32)[None, :] + j[:, None]      # (N, tw)
    n_idx = jnp.arange(N)[:, None, None, None]
    c_idx = jnp.arange(C)[None, :, None, None]
    r_idx = rows[:, None, :, None]
    w_idx = cols[:, None, None, :]
    # out[n, c, a, b] = tensor[n, c, rows[n, a], cols[n, b]]
    out = tensor[n_idx, c_idx, r_idx, w_idx]
    return out

if __name__ == "__main__":
    import jax
    _d = setup_inputs()
    print(jax.jit(kernel)(*tuple(_d.values())))

</pallas_src>

<mosaic_0001>
#map = affine_map<(d0, d1) -> (0, 0, 0, 0)>
#map1 = affine_map<(d0, d1) -> (0)>
module attributes {stable_mosaic.version = 14 : i64} {
  func.func @_sc_body(%arg0: i32, %arg1: i32, %arg2: memref<16x96x224x224xf32, #tpu.memory_space<hbm>>, %arg3: memref<16xi32, #tpu.memory_space<hbm>>, %arg4: memref<16xi32, #tpu.memory_space<hbm>>, %arg5: memref<16x96x192x192xf32, #tpu.memory_space<hbm>>, %arg6: memref<2x16xi32, #tpu.memory_space<vmem>>, %arg7: memref<104x224xf32, #tpu.memory_space<vmem>>, %arg8: memref<104x224xf32, #tpu.memory_space<vmem>>, %arg9: memref<96x192xf32, #tpu.memory_space<vmem>>, %arg10: memref<96x192xf32, #tpu.memory_space<vmem>>, %arg11: memref<!tpu.dma_semaphore, #tpu.memory_space<semaphore_mem>>, %arg12: memref<!tpu.dma_semaphore, #tpu.memory_space<semaphore_mem>>, %arg13: memref<!tpu.dma_semaphore, #tpu.memory_space<semaphore_mem>>, %arg14: memref<!tpu.dma_semaphore, #tpu.memory_space<semaphore_mem>>) attributes {dimension_semantics = [#tpu.dimension_semantics<core_parallel>, #tpu.dimension_semantics<subcore_parallel>], iteration_bounds = array<i64: 2, 16>, scalar_prefetch = 0 : i64, scratch_operands = 9 : i64, tpu.core_type = #tpu.core_type<sc_vector_subcore>, window_params = [{transform_indices = #map}, {transform_indices = #map1}, {transform_indices = #map1}, {transform_indices = #map}]} {
    %mul3A = arith.constant 2 : i32
    %mul3A_0 = arith.muli %arg1, %mul3A : i32
    %add3A = arith.addi %mul3A_0, %arg0 : i32
    %mul3A_1 = arith.constant 96 : i32
    %mul3A_2 = arith.muli %add3A, %mul3A_1 : i32
    %run_scoped3A = arith.constant 0 : i32
    "tpu.region"() ({
      %run_scoped3A_157 = tpu.sem_alloc : memref<!tpu.dma_semaphore, #tpu.memory_space<semaphore_mem>>
      %dma_start3A_158 = arith.constant 0 : i32
      %dma_start3A_159 = tpu.memref_slice %arg6[%run_scoped3A, %dma_start3A_158] : memref<2x16xi32, #tpu.memory_space<vmem>> -> memref<1x16xi32, #tpu.memory_space<vmem>>
      %dma_start3A_160 = tpu.memref_squeeze %dma_start3A_159 : memref<1x16xi32, #tpu.memory_space<vmem>> -> memref<16xi32, #tpu.memory_space<vmem>>
      %dma_start3A_161 = arith.constant 0 : i32
      %dma_start3A_162 = tpu.memref_slice %arg6[%run_scoped3A, %dma_start3A_161] : memref<2x16xi32, #tpu.memory_space<vmem>> -> memref<1x16xi32, #tpu.memory_space<vmem>>
      %dma_start3A_163 = tpu.memref_squeeze %dma_start3A_162 : memref<1x16xi32, #tpu.memory_space<vmem>> -> memref<16xi32, #tpu.memory_space<vmem>>
      tpu.enqueue_dma source(%arg3 : memref<16xi32, #tpu.memory_space<hbm>>) target(%dma_start3A_163 : memref<16xi32, #tpu.memory_space<vmem>>) target_semaphore(%run_scoped3A_157 : memref<!tpu.dma_semaphore, #tpu.memory_space<semaphore_mem>>)
      %dma_wait3A_164 = arith.constant 0 : i32
      %dma_wait3A_165 = tpu.memref_slice %arg6[%run_scoped3A, %dma_wait3A_164] : memref<2x16xi32, #tpu.memory_space<vmem>> -> memref<1x16xi32, #tpu.memory_space<vmem>>
      %dma_wait3A_166 = tpu.memref_squeeze %dma_wait3A_165 : memref<1x16xi32, #tpu.memory_space<vmem>> -> memref<16xi32, #tpu.memory_space<vmem>>
      %dma_wait3A_167 = arith.constant 0 : i32
      %dma_wait3A_168 = tpu.memref_slice %arg6[%run_scoped3A, %dma_wait3A_167] : memref<2x16xi32, #tpu.memory_space<vmem>> -> memref<1x16xi32, #tpu.memory_space<vmem>>
      %dma_wait3A_169 = tpu.memref_squeeze %dma_wait3A_168 : memref<1x16xi32, #tpu.memory_space<vmem>> -> memref<16xi32, #tpu.memory_space<vmem>>
      tpu.wait_dma2 semaphore(%run_scoped3A_157 : memref<!tpu.dma_semaphore, #tpu.memory_space<semaphore_mem>>) src(%arg3 : memref<16xi32, #tpu.memory_space<hbm>>) dst(%dma_wait3A_169 : memref<16xi32, #tpu.memory_space<vmem>>)
      tpu.yield
    }) : () -> ()
    %run_scoped3A_3 = arith.constant 1 : i32
    "tpu.region"() ({
      %run_scoped3A_157 = tpu.sem_alloc : memref<!tpu.dma_semaphore, #tpu.memory_space<semaphore_mem>>
      %dma_start3A_158 = arith.constant 0 : i32
      %dma_start3A_159 = tpu.memref_slice %arg6[%run_scoped3A_3, %dma_start3A_158] : memref<2x16xi32, #tpu.memory_space<vmem>> -> memref<1x16xi32, #tpu.memory_space<vmem>>
      %dma_start3A_160 = tpu.memref_squeeze %dma_start3A_159 : memref<1x16xi32, #tpu.memory_space<vmem>> -> memref<16xi32, #tpu.memory_space<vmem>>
      %dma_start3A_161 = arith.constant 0 : i32
      %dma_start3A_162 = tpu.memref_slice %arg6[%run_scoped3A_3, %dma_start3A_161] : memref<2x16xi32, #tpu.memory_space<vmem>> -> memref<1x16xi32, #tpu.memory_space<vmem>>
      %dma_start3A_163 = tpu.memref_squeeze %dma_start3A_162 : memref<1x16xi32, #tpu.memory_space<vmem>> -> memref<16xi32, #tpu.memory_space<vmem>>
      tpu.enqueue_dma source(%arg4 : memref<16xi32, #tpu.memory_space<hbm>>) target(%dma_start3A_163 : memref<16xi32, #tpu.memory_space<vmem>>) target_semaphore(%run_scoped3A_157 : memref<!tpu.dma_semaphore, #tpu.memory_space<semaphore_mem>>)
      %dma_wait3A_164 = arith.constant 0 : i32
      %dma_wait3A_165 = tpu.memref_slice %arg6[%run_scoped3A_3, %dma_wait3A_164] : memref<2x16xi32, #tpu.memory_space<vmem>> -> memref<1x16xi32, #tpu.memory_space<vmem>>
      %dma_wait3A_166 = tpu.memref_squeeze %dma_wait3A_165 : memref<1x16xi32, #tpu.memory_space<vmem>> -> memref<16xi32, #tpu.memory_space<vmem>>
      %dma_wait3A_167 = arith.constant 0 : i32
      %dma_wait3A_168 = tpu.memref_slice %arg6[%run_scoped3A_3, %dma_wait3A_167] : memref<2x16xi32, #tpu.memory_space<vmem>> -> memref<1x16xi32, #tpu.memory_space<vmem>>
      %dma_wait3A_169 = tpu.memref_squeeze %dma_wait3A_168 : memref<1x16xi32, #tpu.memory_space<vmem>> -> memref<16xi32, #tpu.memory_space<vmem>>
      tpu.wait_dma2 semaphore(%run_scoped3A_157 : memref<!tpu.dma_semaphore, #tpu.memory_space<semaphore_mem>>) src(%arg4 : memref<16xi32, #tpu.memory_space<hbm>>) dst(%dma_wait3A_169 : memref<16xi32, #tpu.memory_space<vmem>>)
      tpu.yield
    }) : () -> ()
    %iota3A = tpu.iota {dimensions = array<i32: 0>} : vector<16xi32>
    %add3A_4 = arith.constant 0 : i32
    %add3A_5 = arith.addi %mul3A_2, %add3A_4 : i32
    %jit3A = arith.constant 2 : i32
    %div3A = arith.divsi %add3A_5, %jit3A : i32
    %sign3A = arith.constant 0 : i32
    %sign3A_6 = arith.cmpi sgt, %add3A_5, %sign3A : i32
    %sign3A_7 = arith.extui %sign3A_6 : i1 to i32
    %sign3A_8 = arith.constant 0 : i32
    %sign3A_9 = arith.cmpi slt, %add3A_5, %sign3A_8 : i32
    %sign3A_10 = arith.extui %sign3A_9 : i1 to i32
    %sign3A_11 = arith.subi %sign3A_7, %sign3A_10 : i32
    %sign3A_12 = arith.constant 0 : i32
    %sign3A_13 = arith.cmpi sgt, %jit3A, %sign3A_12 : i32
    %sign3A_14 = arith.extui %sign3A_13 : i1 to i32
    %sign3A_15 = arith.constant 0 : i32
    %sign3A_16 = arith.cmpi slt, %jit3A, %sign3A_15 : i32
    %sign3A_17 = arith.extui %sign3A_16 : i1 to i32
    %sign3A_18 = arith.subi %sign3A_14, %sign3A_17 : i32
    %ne3A = arith.cmpi ne, %sign3A_11, %sign3A_18 : i32
    %rem3A = arith.remsi %add3A_5, %jit3A : i32
    %ne3A_19 = arith.constant 0 : i32
    %ne3A_20 = arith.cmpi ne, %rem3A, %ne3A_19 : i32
    %and3A = arith.andi %ne3A, %ne3A_20 : i1
    %sub3A = arith.constant 1 : i32
    %sub3A_21 = arith.subi %div3A, %sub3A : i32
    %select_n3A = arith.select %and3A, %sub3A_21, %div3A : i32
    %jit3A_22 = arith.constant 2 : i32
    %eq3A = arith.constant 0 : i32
    %eq3A_23 = arith.cmpi eq, %jit3A_22, %eq3A : i32
    %jit3A_24 = arith.constant 1 : i32
    %select_n3A_25 = arith.select %eq3A_23, %jit3A_24, %jit3A_22 : i32
    %rem3A_26 = arith.remsi %add3A_5, %select_n3A_25 : i32
    %ne3A_27 = arith.constant 0 : i32
    %ne3A_28 = arith.cmpi ne, %rem3A_26, %ne3A_27 : i32
    %lt3A = arith.constant 0 : i32
    %lt3A_29 = arith.cmpi slt, %rem3A_26, %lt3A : i32
    %lt3A_30 = arith.constant 0 : i32
    %lt3A_31 = arith.cmpi slt, %select_n3A_25, %lt3A_30 : i32
    %ne3A_32 = arith.xori %lt3A_29, %lt3A_31 : i1
    %and3A_33 = arith.andi %ne3A_32, %ne3A_28 : i1
    %add3A_34 = arith.addi %rem3A_26, %select_n3A_25 : i32
    %select_n3A_35 = arith.select %and3A_33, %add3A_34, %rem3A_26 : i32
    %jit3A_36 = arith.constant 96 : i32
    %div3A_37 = arith.divsi %select_n3A, %jit3A_36 : i32
    %sign3A_38 = arith.constant 0 : i32
    %sign3A_39 = arith.cmpi sgt, %select_n3A, %sign3A_38 : i32
    %sign3A_40 = arith.extui %sign3A_39 : i1 to i32
    %sign3A_41 = arith.constant 0 : i32
    %sign3A_42 = arith.cmpi slt, %select_n3A, %sign3A_41 : i32
    %sign3A_43 = arith.extui %sign3A_42 : i1 to i32
    %sign3A_44 = arith.subi %sign3A_40, %sign3A_43 : i32
    %sign3A_45 = arith.constant 0 : i32
    %sign3A_46 = arith.cmpi sgt, %jit3A_36, %sign3A_45 : i32
    %sign3A_47 = arith.extui %sign3A_46 : i1 to i32
    %sign3A_48 = arith.constant 0 : i32
    %sign3A_49 = arith.cmpi slt, %jit3A_36, %sign3A_48 : i32
    %sign3A_50 = arith.extui %sign3A_49 : i1 to i32
    %sign3A_51 = arith.subi %sign3A_47, %sign3A_50 : i32
    %ne3A_52 = arith.cmpi ne, %sign3A_44, %sign3A_51 : i32
    %rem3A_53 = arith.remsi %select_n3A, %jit3A_36 : i32
    %ne3A_54 = arith.constant 0 : i32
    %ne3A_55 = arith.cmpi ne, %rem3A_53, %ne3A_54 : i32
    %and3A_56 = arith.andi %ne3A_52, %ne3A_55 : i1
    %sub3A_57 = arith.constant 1 : i32
    %sub3A_58 = arith.subi %div3A_37, %sub3A_57 : i32
    %select_n3A_59 = arith.select %and3A_56, %sub3A_58, %div3A_37 : i32
    %jit3A_60 = arith.constant 96 : i32
    %eq3A_61 = arith.constant 0 : i32
    %eq3A_62 = arith.cmpi eq, %jit3A_60, %eq3A_61 : i32
    %jit3A_63 = arith.constant 1 : i32
    %select_n3A_64 = arith.select %eq3A_62, %jit3A_63, %jit3A_60 : i32
    %rem3A_65 = arith.remsi %select_n3A, %select_n3A_64 : i32
    %ne3A_66 = arith.constant 0 : i32
    %ne3A_67 = arith.cmpi ne, %rem3A_65, %ne3A_66 : i32
    %lt3A_68 = arith.constant 0 : i32
    %lt3A_69 = arith.cmpi slt, %rem3A_65, %lt3A_68 : i32
    %lt3A_70 = arith.constant 0 : i32
    %lt3A_71 = arith.cmpi slt, %select_n3A_64, %lt3A_70 : i32
    %ne3A_72 = arith.xori %lt3A_69, %lt3A_71 : i1
    %and3A_73 = arith.andi %ne3A_72, %ne3A_67 : i1
    %add3A_74 = arith.addi %rem3A_65, %select_n3A_64 : i32
    %select_n3A_75 = arith.select %and3A_73, %add3A_74, %rem3A_65 : i32
    %eq3A_76 = vector.broadcast %select_n3A_59 : i32 to vector<16xi32>
    %eq3A_77 = arith.cmpi eq, %iota3A, %eq3A_76 : vector<16xi32>
    %get3A = arith.constant 0 : i32
    %get3A_78 = arith.index_cast %get3A : i32 to index
    %get3A_79 = arith.constant 0 : index
    %get3A_80 = tpu.vector_load %arg6[%get3A_78, %get3A_79] {strides = array<i32>} : memref<2x16xi32, #tpu.memory_space<vmem>>, vector<16xi32>,
    %jit3A_81 = arith.constant 0 : i32
    %broadcast_in_dim3A = vector.broadcast %jit3A_81 : i32 to vector<16xi32>
    %select_n3A_82 = arith.select %eq3A_77, %get3A_80, %broadcast_in_dim3A : vector<16xi1>, vector<16xi32>
    %reduce_sum3A = arith.constant true
    %reduce_sum3A_83 = vector.broadcast %reduce_sum3A : i1 to vector<16xi1>
    %reduce_sum3A_84 = tpu.scan <sum>, %select_n3A_82 masked %reduce_sum3A_83 : vector<16xi32>, vector<16xi1> -> vector<16xi32>
    %reduce_sum3A_85 = vector.extract %reduce_sum3A_84[15] : i32 from vector<16xi32>
    %get3A_86 = arith.constant 1 : i32
    %get3A_87 = arith.index_cast %get3A_86 : i32 to index
    %get3A_88 = arith.constant 0 : index
    %get3A_89 = tpu.vector_load %arg6[%get3A_87, %get3A_88] {strides = array<i32>} : memref<2x16xi32, #tpu.memory_space<vmem>>, vector<16xi32>,
    %jit3A_90 = arith.constant 0 : i32
    %broadcast_in_dim3A_91 = vector.broadcast %jit3A_90 : i32 to vector<16xi32>
    %select_n3A_92 = arith.select %eq3A_77, %get3A_89, %broadcast_in_dim3A_91 : vector<16xi1>, vector<16xi32>
    %reduce_sum3A_93 = arith.constant true
    %reduce_sum3A_94 = vector.broadcast %reduce_sum3A_93 : i1 to vector<16xi1>
    %reduce_sum3A_95 = tpu.scan <sum>, %select_n3A_92 masked %reduce_sum3A_94 : vector<16xi32>, vector<16xi1> -> vector<16xi32>
    %reduce_sum3A_96 = vector.extract %reduce_sum3A_95[15] : i32 from vector<16xi32>
    %mul3A_97 = arith.constant 96 : i32
    %mul3A_98 = arith.muli %select_n3A_35, %mul3A_97 : i32
    %add3A_99 = arith.addi %reduce_sum3A_85, %mul3A_98 : i32
    %jit3A_100 = arith.constant 8 : i32
    %div3A_101 = arith.divsi %add3A_99, %jit3A_100 : i32
    %sign3A_102 = arith.constant 0 : i32
    %sign3A_103 = arith.cmpi sgt, %add3A_99, %sign3A_102 : i32
    %sign3A_104 = arith.extui %sign3A_103 : i1 to i32
    %sign3A_105 = arith.constant 0 : i32
    %sign3A_106 = arith.cmpi slt, %add3A_99, %sign3A_105 : i32
    %sign3A_107 = arith.extui %sign3A_106 : i1 to i32
    %sign3A_108 = arith.subi %sign3A_104, %sign3A_107 : i32
    %sign3A_109 = arith.constant 0 : i32
    %sign3A_110 = arith.cmpi sgt, %jit3A_100, %sign3A_109 : i32
    %sign3A_111 = arith.extui %sign3A_110 : i1 to i32
    %sign3A_112 = arith.constant 0 : i32
    %sign3A_113 = arith.cmpi slt, %jit3A_100, %sign3A_112 : i32
    %sign3A_114 = arith.extui %sign3A_113 : i1 to i32
    %sign3A_115 = arith.subi %sign3A_111, %sign3A_114 : i32
    %ne3A_116 = arith.cmpi ne, %sign3A_108, %sign3A_115 : i32
    %rem3A_117 = arith.remsi %add3A_99, %jit3A_100 : i32
    %ne3A_118 = arith.constant 0 : i32
    %ne3A_119 = arith.cmpi ne, %rem3A_117, %ne3A_118 : i32
    %and3A_120 = arith.andi %ne3A_116, %ne3A_119 : i1
    %sub3A_121 = arith.constant 1 : i32
    %sub3A_122 = arith.subi %div3A_101, %sub3A_121 : i32
    %select_n3A_123 = arith.select %and3A_120, %sub3A_122, %div3A_101 : i32
    %mul3A_124 = arith.constant 8 : i32
    %mul3A_125 = arith.muli %select_n3A_123, %mul3A_124 : i32
    %min3A = arith.constant 120 : i32
    %min3A_126 = arith.minsi %mul3A_125, %min3A : i32
    %multiple_of3A = tpu.assume_multiple %min3A_126, 8 : i32
    %sub3A_127 = arith.subi %add3A_99, %multiple_of3A : i32
    %dma_start3A = arith.constant 0 : i32
    %dma_start3A_128 = tpu.memref_slice %arg2[%select_n3A_59, %select_n3A_75, %multiple_of3A, %dma_start3A] : memref<16x96x224x224xf32, #tpu.memory_space<hbm>> -> memref<1x1x104x224xf32, #tpu.memory_space<hbm>>
    %dma_start3A_129 = tpu.memref_squeeze %dma_start3A_128 : memref<1x1x104x224xf32, #tpu.memory_space<hbm>> -> memref<104x224xf32, #tpu.memory_space<hbm>>
    %dma_start3A_130 = arith.constant 0 : i32
    %dma_start3A_131 = tpu.memref_slice %arg2[%select_n3A_59, %select_n3A_75, %multiple_of3A, %dma_start3A_130] : memref<16x96x224x224xf32, #tpu.memory_space<hbm>> -> memref<1x1x104x224xf32, #tpu.memory_space<hbm>>
    %dma_start3A_132 = tpu.memref_squeeze %dma_start3A_131 : memref<1x1x104x224xf32, #tpu.memory_space<hbm>> -> memref<104x224xf32, #tpu.memory_space<hbm>>
    tpu.enqueue_dma source(%dma_start3A_132 : memref<104x224xf32, #tpu.memory_space<hbm>>) target(%arg7 : memref<104x224xf32, #tpu.memory_space<vmem>>) target_semaphore(%arg11 : memref<!tpu.dma_semaphore, #tpu.memory_space<semaphore_mem>>)
    %scan3A = arith.constant 0 : i32
    %scan3A_133 = arith.constant 0 : i32
    %scan3A_134 = arith.constant 48 : i32
    %scan3A_135 = arith.addi %scan3A_133, %scan3A_134 : i32
    %scan3A_136 = arith.constant 1 : i32
    scf.for %scan3A_157 = %scan3A_133 to %scan3A_135 step %scan3A_136  : i32 {
      %mul3A_158 = arith.constant 2 : i32
      %mul3A_159 = arith.muli %mul3A_158, %scan3A_157 : i32
      %add3A_160 = arith.constant 1 : i32
      %add3A_161 = arith.addi %mul3A_159, %add3A_160 : i32
      %add3A_162 = arith.addi %mul3A_2, %add3A_161 : i32
      %jit3A_163 = arith.constant 2 : i32
      %div3A_164 = arith.divsi %add3A_162, %jit3A_163 : i32
      %sign3A_165 = arith.constant 0 : i32
      %sign3A_166 = arith.cmpi sgt, %add3A_162, %sign3A_165 : i32
      %sign3A_167 = arith.extui %sign3A_166 : i1 to i32
      %sign3A_168 = arith.constant 0 : i32
      %sign3A_169 = arith.cmpi slt, %add3A_162, %sign3A_168 : i32
      %sign3A_170 = arith.extui %sign3A_169 : i1 to i32
      %sign3A_171 = arith.subi %sign3A_167, %sign3A_170 : i32
      %sign3A_172 = arith.constant 0 : i32
      %sign3A_173 = arith.cmpi sgt, %jit3A_163, %sign3A_172 : i32
      %sign3A_174 = arith.extui %sign3A_173 : i1 to i32
      %sign3A_175 = arith.constant 0 : i32
      %sign3A_176 = arith.cmpi slt, %jit3A_163, %sign3A_175 : i32
      %sign3A_177 = arith.extui %sign3A_176 : i1 to i32
      %sign3A_178 = arith.subi %sign3A_174, %sign3A_177 : i32
      %ne3A_179 = arith.cmpi ne, %sign3A_171, %sign3A_178 : i32
      %rem3A_180 = arith.remsi %add3A_162, %jit3A_163 : i32
      %ne3A_181 = arith.constant 0 : i32
      %ne3A_182 = arith.cmpi ne, %rem3A_180, %ne3A_181 : i32
      %and3A_183 = arith.andi %ne3A_179, %ne3A_182 : i1
      %sub3A_184 = arith.constant 1 : i32
      %sub3A_185 = arith.subi %div3A_164, %sub3A_184 : i32
      %select_n3A_186 = arith.select %and3A_183, %sub3A_185, %div3A_164 : i32
      %jit3A_187 = arith.constant 2 : i32
      %eq3A_188 = arith.constant 0 : i32
      %eq3A_189 = arith.cmpi eq, %jit3A_187, %eq3A_188 : i32
      %jit3A_190 = arith.constant 1 : i32
      %select_n3A_191 = arith.select %eq3A_189, %jit3A_190, %jit3A_187 : i32
      %rem3A_192 = arith.remsi %add3A_162, %select_n3A_191 : i32
      %ne3A_193 = arith.constant 0 : i32
      %ne3A_194 = arith.cmpi ne, %rem3A_192, %ne3A_193 : i32
      %lt3A_195 = arith.constant 0 : i32
      %lt3A_196 = arith.cmpi slt, %rem3A_192, %lt3A_195 : i32
      %lt3A_197 = arith.constant 0 : i32
      %lt3A_198 = arith.cmpi slt, %select_n3A_191, %lt3A_197 : i32
      %ne3A_199 = arith.xori %lt3A_196, %lt3A_198 : i1
      %and3A_200 = arith.andi %ne3A_199, %ne3A_194 : i1
      %add3A_201 = arith.addi %rem3A_192, %select_n3A_191 : i32
      %select_n3A_202 = arith.select %and3A_200, %add3A_201, %rem3A_192 : i32
      %jit3A_203 = arith.constant 96 : i32
      %div3A_204 = arith.divsi %select_n3A_186, %jit3A_203 : i32
      %sign3A_205 = arith.constant 0 : i32
      %sign3A_206 = arith.cmpi sgt, %select_n3A_186, %sign3A_205 : i32
      %sign3A_207 = arith.extui %sign3A_206 : i1 to i32
      %sign3A_208 = arith.constant 0 : i32
      %sign3A_209 = arith.cmpi slt, %select_n3A_186, %sign3A_208 : i32
      %sign3A_210 = arith.extui %sign3A_209 : i1 to i32
      %sign3A_211 = arith.subi %sign3A_207, %sign3A_210 : i32
      %sign3A_212 = arith.constant 0 : i32
      %sign3A_213 = arith.cmpi sgt, %jit3A_203, %sign3A_212 : i32
      %sign3A_214 = arith.extui %sign3A_213 : i1 to i32
      %sign3A_215 = arith.constant 0 : i32
      %sign3A_216 = arith.cmpi slt, %jit3A_203, %sign3A_215 : i32
      %sign3A_217 = arith.extui %sign3A_216 : i1 to i32
      %sign3A_218 = arith.subi %sign3A_214, %sign3A_217 : i32
      %ne3A_219 = arith.cmpi ne, %sign3A_211, %sign3A_218 : i32
      %rem3A_220 = arith.remsi %select_n3A_186, %jit3A_203 : i32
      %ne3A_221 = arith.constant 0 : i32
      %ne3A_222 = arith.cmpi ne, %rem3A_220, %ne3A_221 : i32
      %and3A_223 = arith.andi %ne3A_219, %ne3A_222 : i1
      %sub3A_224 = arith.constant 1 : i32
      %sub3A_225 = arith.subi %div3A_204, %sub3A_224 : i32
      %select_n3A_226 = arith.select %and3A_223, %sub3A_225, %div3A_204 : i32
      %jit3A_227 = arith.constant 96 : i32
      %eq3A_228 = arith.constant 0 : i32
      %eq3A_229 = arith.cmpi eq, %jit3A_227, %eq3A_228 : i32
      %jit3A_230 = arith.constant 1 : i32
      %select_n3A_231 = arith.select %eq3A_229, %jit3A_230, %jit3A_227 : i32
      %rem3A_232 = arith.remsi %select_n3A_186, %select_n3A_231 : i32
      %ne3A_233 = arith.constant 0 : i32
      %ne3A_234 = arith.cmpi ne, %rem3A_232, %ne3A_233 : i32
      %lt3A_235 = arith.constant 0 : i32
      %lt3A_236 = arith.cmpi slt, %rem3A_232, %lt3A_235 : i32
      %lt3A_237 = arith.constant 0 : i32
      %lt3A_238 = arith.cmpi slt, %select_n3A_231, %lt3A_237 : i32
      %ne3A_239 = arith.xori %lt3A_236, %lt3A_238 : i1
      %and3A_240 = arith.andi %ne3A_239, %ne3A_234 : i1
      %add3A_241 = arith.addi %rem3A_232, %select_n3A_231 : i32
      %select_n3A_242 = arith.select %and3A_240, %add3A_241, %rem3A_232 : i32
      %eq3A_243 = vector.broadcast %select_n3A_226 : i32 to vector<16xi32>
      %eq3A_244 = arith.cmpi eq, %iota3A, %eq3A_243 : vector<16xi32>
      %get3A_245 = arith.constant 0 : i32
      %get3A_246 = arith.index_cast %get3A_245 : i32 to index
      %get3A_247 = arith.constant 0 : index
      %get3A_248 = tpu.vector_load %arg6[%get3A_246, %get3A_247] {strides = array<i32>} : memref<2x16xi32, #tpu.memory_space<vmem>>, vector<16xi32>,
      %jit3A_249 = arith.constant 0 : i32
      %broadcast_in_dim3A_250 = vector.broadcast %jit3A_249 : i32 to vector<16xi32>
      %select_n3A_251 = arith.select %eq3A_244, %get3A_248, %broadcast_in_dim3A_250 : vector<16xi1>, vector<16xi32>
      %reduce_sum3A_252 = arith.constant true
      %reduce_sum3A_253 = vector.broadcast %reduce_sum3A_252 : i1 to vector<16xi1>
      %reduce_sum3A_254 = tpu.scan <sum>, %select_n3A_251 masked %reduce_sum3A_253 : vector<16xi32>, vector<16xi1> -> vector<16xi32>
      %reduce_sum3A_255 = vector.extract %reduce_sum3A_254[15] : i32 from vector<16xi32>
      %get3A_256 = arith.constant 1 : i32
      %get3A_257 = arith.index_cast %get3A_256 : i32 to index
      %get3A_258 = arith.constant 0 : index
      %get3A_259 = tpu.vector_load %arg6[%get3A_257, %get3A_258] {strides = array<i32>} : memref<2x16xi32, #tpu.memory_space<vmem>>, vector<16xi32>,
      %jit3A_260 = arith.constant 0 : i32
      %broadcast_in_dim3A_261 = vector.broadcast %jit3A_260 : i32 to vector<16xi32>
      %select_n3A_262 = arith.select %eq3A_244, %get3A_259, %broadcast_in_dim3A_261 : vector<16xi1>, vector<16xi32>
      %reduce_sum3A_263 = arith.constant true
      %reduce_sum3A_264 = vector.broadcast %reduce_sum3A_263 : i1 to vector<16xi1>
      %reduce_sum3A_265 = tpu.scan <sum>, %select_n3A_262 masked %reduce_sum3A_264 : vector<16xi32>, vector<16xi1> -> vector<16xi32>
      %reduce_sum3A_266 = vector.extract %reduce_sum3A_265[15] : i32 from vector<16xi32>
      %mul3A_267 = arith.constant 96 : i32
      %mul3A_268 = arith.muli %select_n3A_202, %mul3A_267 : i32
      %add3A_269 = arith.addi %reduce_sum3A_255, %mul3A_268 : i32
      %jit3A_270 = arith.constant 8 : i32
      %div3A_271 = arith.divsi %add3A_269, %jit3A_270 : i32
      %sign3A_272 = arith.constant 0 : i32
      %sign3A_273 = arith.cmpi sgt, %add3A_269, %sign3A_272 : i32
      %sign3A_274 = arith.extui %sign3A_273 : i1 to i32
      %sign3A_275 = arith.constant 0 : i32
      %sign3A_276 = arith.cmpi slt, %add3A_269, %sign3A_275 : i32
      %sign3A_277 = arith.extui %sign3A_276 : i1 to i32
      %sign3A_278 = arith.subi %sign3A_274, %sign3A_277 : i32
      %sign3A_279 = arith.constant 0 : i32
      %sign3A_280 = arith.cmpi sgt, %jit3A_270, %sign3A_279 : i32
      %sign3A_281 = arith.extui %sign3A_280 : i1 to i32
      %sign3A_282 = arith.constant 0 : i32
      %sign3A_283 = arith.cmpi slt, %jit3A_270, %sign3A_282 : i32
      %sign3A_284 = arith.extui %sign3A_283 : i1 to i32
      %sign3A_285 = arith.subi %sign3A_281, %sign3A_284 : i32
      %ne3A_286 = arith.cmpi ne, %sign3A_278, %sign3A_285 : i32
      %rem3A_287 = arith.remsi %add3A_269, %jit3A_270 : i32
      %ne3A_288 = arith.constant 0 : i32
      %ne3A_289 = arith.cmpi ne, %rem3A_287, %ne3A_288 : i32
      %and3A_290 = arith.andi %ne3A_286, %ne3A_289 : i1
      %sub3A_291 = arith.constant 1 : i32
      %sub3A_292 = arith.subi %div3A_271, %sub3A_291 : i32
      %select_n3A_293 = arith.select %and3A_290, %sub3A_292, %div3A_271 : i32
      %mul3A_294 = arith.constant 8 : i32
      %mul3A_295 = arith.muli %select_n3A_293, %mul3A_294 : i32
      %min3A_296 = arith.constant 120 : i32
      %min3A_297 = arith.minsi %mul3A_295, %min3A_296 : i32
      %multiple_of3A_298 = tpu.assume_multiple %min3A_297, 8 : i32
      %sub3A_299 = arith.subi %add3A_269, %multiple_of3A_298 : i32
      %dma_start3A_300 = arith.constant 0 : i32
      %dma_start3A_301 = tpu.memref_slice %arg2[%select_n3A_226, %select_n3A_242, %multiple_of3A_298, %dma_start3A_300] : memref<16x96x224x224xf32, #tpu.memory_space<hbm>> -> memref<1x1x104x224xf32, #tpu.memory_space<hbm>>
      %dma_start3A_302 = tpu.memref_squeeze %dma_start3A_301 : memref<1x1x104x224xf32, #tpu.memory_space<hbm>> -> memref<104x224xf32, #tpu.memory_space<hbm>>
      %dma_start3A_303 = arith.constant 0 : i32
      %dma_start3A_304 = tpu.memref_slice %arg2[%select_n3A_226, %select_n3A_242, %multiple_of3A_298, %dma_start3A_303] : memref<16x96x224x224xf32, #tpu.memory_space<hbm>> -> memref<1x1x104x224xf32, #tpu.memory_space<hbm>>
      %dma_start3A_305 = tpu.memref_squeeze %dma_start3A_304 : memref<1x1x104x224xf32, #tpu.memory_space<hbm>> -> memref<104x224xf32, #tpu.memory_space<hbm>>
      tpu.enqueue_dma source(%dma_start3A_305 : memref<104x224xf32, #tpu.memory_space<hbm>>) target(%arg8 : memref<104x224xf32, #tpu.memory_space<vmem>>) target_semaphore(%arg12 : memref<!tpu.dma_semaphore, #tpu.memory_space<semaphore_mem>>)
      %dma_wait3A_306 = arith.constant 0 : i32
      %dma_wait3A_307 = arith.constant 0 : i32
      %dma_wait3A_308 = arith.constant 0 : i32
      %dma_wait3A_309 = arith.constant 0 : i32
      %dma_wait3A_310 = tpu.memref_slice %arg2[%dma_wait3A_306, %dma_wait3A_307, %dma_wait3A_308, %dma_wait3A_309] : memref<16x96x224x224xf32, #tpu.memory_space<hbm>> -> memref<1x1x104x224xf32, #tpu.memory_space<hbm>>
      %dma_wait3A_311 = tpu.memref_squeeze %dma_wait3A_310 : memref<1x1x104x224xf32, #tpu.memory_space<hbm>> -> memref<104x224xf32, #tpu.memory_space<hbm>>
      %dma_wait3A_312 = arith.constant 0 : i32
      %dma_wait3A_313 = arith.constant 0 : i32
      %dma_wait3A_314 = tpu.memref_slice %arg2[%dma_wait3A_306, %dma_wait3A_307, %dma_wait3A_312, %dma_wait3A_313] : memref<16x96x224x224xf32, #tpu.memory_space<hbm>> -> memref<1x1x104x224xf32, #tpu.memory_space<hbm>>
      %dma_wait3A_315 = tpu.memref_squeeze %dma_wait3A_314 : memref<1x1x104x224xf32, #tpu.memory_space<hbm>> -> memref<104x224xf32, #tpu.memory_space<hbm>>
      tpu.wait_dma2 semaphore(%arg11 : memref<!tpu.dma_semaphore, #tpu.memory_space<semaphore_mem>>) src(%dma_wait3A_315 : memref<104x224xf32, #tpu.memory_space<hbm>>) dst(%arg7 : memref<104x224xf32, #tpu.memory_space<vmem>>)
      %gt3A = arith.constant 0 : i32
      %gt3A_316 = arith.cmpi sgt, %scan3A_157, %gt3A : i32
      %convert_element_type3A = arith.extui %gt3A_316 : i1 to i32
      %cond3A = arith.constant 0 : i32
      %cond3A_317 = arith.cmpi ne, %convert_element_type3A, %cond3A : i32
      scf.if %cond3A_317 {
        %dma_wait3A_1007 = arith.constant 0 : i32
        %dma_wait3A_1008 = arith.constant 0 : i32
        %dma_wait3A_1009 = arith.constant 0 : i32
        %dma_wait3A_1010 = arith.constant 0 : i32
        %dma_wait3A_1011 = tpu.memref_slice %arg5[%dma_wait3A_1007, %dma_wait3A_1008, %dma_wait3A_1009, %dma_wait3A_1010] : memref<16x96x192x192xf32, #tpu.memory_space<hbm>> -> memref<1x1x96x192xf32, #tpu.memory_space<hbm>>
        %dma_wait3A_1012 = tpu.memref_squeeze %dma_wait3A_1011 : memref<1x1x96x192xf32, #tpu.memory_space<hbm>> -> memref<96x192xf32, #tpu.memory_space<hbm>>
        %dma_wait3A_1013 = arith.constant 0 : i32
        %dma_wait3A_1014 = arith.constant 0 : i32
        %dma_wait3A_1015 = tpu.memref_slice %arg5[%dma_wait3A_1007, %dma_wait3A_1008, %dma_wait3A_1013, %dma_wait3A_1014] : memref<16x96x192x192xf32, #tpu.memory_space<hbm>> -> memref<1x1x96x192xf32, #tpu.memory_space<hbm>>
        %dma_wait3A_1016 = tpu.memref_squeeze %dma_wait3A_1015 : memref<1x1x96x192xf32, #tpu.memory_space<hbm>> -> memref<96x192xf32, #tpu.memory_space<hbm>>
        tpu.wait_dma2 semaphore(%arg13 : memref<!tpu.dma_semaphore, #tpu.memory_space<semaphore_mem>>) src(%arg9 : memref<96x192xf32, #tpu.memory_space<vmem>>) dst(%dma_wait3A_1016 : memref<96x192xf32, #tpu.memory_space<hbm>>)
      } else {
      }
      %add3A_318 = arith.addi %mul3A_2, %mul3A_159 : i32
      %jit3A_319 = arith.constant 2 : i32
      %div3A_320 = arith.divsi %add3A_318, %jit3A_319 : i32
      %sign3A_321 = arith.constant 0 : i32
      %sign3A_322 = arith.cmpi sgt, %add3A_318, %sign3A_321 : i32
      %sign3A_323 = arith.extui %sign3A_322 : i1 to i32
      %sign3A_324 = arith.constant 0 : i32
      %sign3A_325 = arith.cmpi slt, %add3A_318, %sign3A_324 : i32
      %sign3A_326 = arith.extui %sign3A_325 : i1 to i32
      %sign3A_327 = arith.subi %sign3A_323, %sign3A_326 : i32
      %sign3A_328 = arith.constant 0 : i32
      %sign3A_329 = arith.cmpi sgt, %jit3A_319, %sign3A_328 : i32
      %sign3A_330 = arith.extui %sign3A_329 : i1 to i32
      %sign3A_331 = arith.constant 0 : i32
      %sign3A_332 = arith.cmpi slt, %jit3A_319, %sign3A_331 : i32
      %sign3A_333 = arith.extui %sign3A_332 : i1 to i32
      %sign3A_334 = arith.subi %sign3A_330, %sign3A_333 : i32
      %ne3A_335 = arith.cmpi ne, %sign3A_327, %sign3A_334 : i32
      %rem3A_336 = arith.remsi %add3A_318, %jit3A_319 : i32
      %ne3A_337 = arith.constant 0 : i32
      %ne3A_338 = arith.cmpi ne, %rem3A_336, %ne3A_337 : i32
      %and3A_339 = arith.andi %ne3A_335, %ne3A_338 : i1
      %sub3A_340 = arith.constant 1 : i32
      %sub3A_341 = arith.subi %div3A_320, %sub3A_340 : i32
      %select_n3A_342 = arith.select %and3A_339, %sub3A_341, %div3A_320 : i32
      %jit3A_343 = arith.constant 2 : i32
      %eq3A_344 = arith.constant 0 : i32
      %eq3A_345 = arith.cmpi eq, %jit3A_343, %eq3A_344 : i32
      %jit3A_346 = arith.constant 1 : i32
      %select_n3A_347 = arith.select %eq3A_345, %jit3A_346, %jit3A_343 : i32
      %rem3A_348 = arith.remsi %add3A_318, %select_n3A_347 : i32
      %ne3A_349 = arith.constant 0 : i32
      %ne3A_350 = arith.cmpi ne, %rem3A_348, %ne3A_349 : i32
      %lt3A_351 = arith.constant 0 : i32
      %lt3A_352 = arith.cmpi slt, %rem3A_348, %lt3A_351 : i32
      %lt3A_353 = arith.constant 0 : i32
      %lt3A_354 = arith.cmpi slt, %select_n3A_347, %lt3A_353 : i32
      %ne3A_355 = arith.xori %lt3A_352, %lt3A_354 : i1
      %and3A_356 = arith.andi %ne3A_355, %ne3A_350 : i1
      %add3A_357 = arith.addi %rem3A_348, %select_n3A_347 : i32
      %select_n3A_358 = arith.select %and3A_356, %add3A_357, %rem3A_348 : i32
      %jit3A_359 = arith.constant 96 : i32
      %div3A_360 = arith.divsi %select_n3A_342, %jit3A_359 : i32
      %sign3A_361 = arith.constant 0 : i32
      %sign3A_362 = arith.cmpi sgt, %select_n3A_342, %sign3A_361 : i32
      %sign3A_363 = arith.extui %sign3A_362 : i1 to i32
      %sign3A_364 = arith.constant 0 : i32
      %sign3A_365 = arith.cmpi slt, %select_n3A_342, %sign3A_364 : i32
      %sign3A_366 = arith.extui %sign3A_365 : i1 to i32
      %sign3A_367 = arith.subi %sign3A_363, %sign3A_366 : i32
      %sign3A_368 = arith.constant 0 : i32
      %sign3A_369 = arith.cmpi sgt, %jit3A_359, %sign3A_368 : i32
      %sign3A_370 = arith.extui %sign3A_369 : i1 to i32
      %sign3A_371 = arith.constant 0 : i32
      %sign3A_372 = arith.cmpi slt, %jit3A_359, %sign3A_371 : i32
      %sign3A_373 = arith.extui %sign3A_372 : i1 to i32
      %sign3A_374 = arith.subi %sign3A_370, %sign3A_373 : i32
      %ne3A_375 = arith.cmpi ne, %sign3A_367, %sign3A_374 : i32
      %rem3A_376 = arith.remsi %select_n3A_342, %jit3A_359 : i32
      %ne3A_377 = arith.constant 0 : i32
      %ne3A_378 = arith.cmpi ne, %rem3A_376, %ne3A_377 : i32
      %and3A_379 = arith.andi %ne3A_375, %ne3A_378 : i1
      %sub3A_380 = arith.constant 1 : i32
      %sub3A_381 = arith.subi %div3A_360, %sub3A_380 : i32
      %select_n3A_382 = arith.select %and3A_379, %sub3A_381, %div3A_360 : i32
      %jit3A_383 = arith.constant 96 : i32
      %eq3A_384 = arith.constant 0 : i32
      %eq3A_385 = arith.cmpi eq, %jit3A_383, %eq3A_384 : i32
      %jit3A_386 = arith.constant 1 : i32
      %select_n3A_387 = arith.select %eq3A_385, %jit3A_386, %jit3A_383 : i32
      %rem3A_388 = arith.remsi %select_n3A_342, %select_n3A_387 : i32
      %ne3A_389 = arith.constant 0 : i32
      %ne3A_390 = arith.cmpi ne, %rem3A_388, %ne3A_389 : i32
      %lt3A_391 = arith.constant 0 : i32
      %lt3A_392 = arith.cmpi slt, %rem3A_388, %lt3A_391 : i32
      %lt3A_393 = arith.constant 0 : i32
      %lt3A_394 = arith.cmpi slt, %select_n3A_387, %lt3A_393 : i32
      %ne3A_395 = arith.xori %lt3A_392, %lt3A_394 : i1
      %and3A_396 = arith.andi %ne3A_395, %ne3A_390 : i1
      %add3A_397 = arith.addi %rem3A_388, %select_n3A_387 : i32
      %select_n3A_398 = arith.select %and3A_396, %add3A_397, %rem3A_388 : i32
      %eq3A_399 = vector.broadcast %select_n3A_382 : i32 to vector<16xi32>
      %eq3A_400 = arith.cmpi eq, %iota3A, %eq3A_399 : vector<16xi32>
      %get3A_401 = arith.constant 0 : i32
      %get3A_402 = arith.index_cast %get3A_401 : i32 to index
      %get3A_403 = arith.constant 0 : index
      %get3A_404 = tpu.vector_load %arg6[%get3A_402, %get3A_403] {strides = array<i32>} : memref<2x16xi32, #tpu.memory_space<vmem>>, vector<16xi32>,
      %jit3A_405 = arith.constant 0 : i32
      %broadcast_in_dim3A_406 = vector.broadcast %jit3A_405 : i32 to vector<16xi32>
      %select_n3A_407 = arith.select %eq3A_400, %get3A_404, %broadcast_in_dim3A_406 : vector<16xi1>, vector<16xi32>
      %reduce_sum3A_408 = arith.constant true
      %reduce_sum3A_409 = vector.broadcast %reduce_sum3A_408 : i1 to vector<16xi1>
      %reduce_sum3A_410 = tpu.scan <sum>, %select_n3A_407 masked %reduce_sum3A_409 : vector<16xi32>, vector<16xi1> -> vector<16xi32>
      %reduce_sum3A_411 = vector.extract %reduce_sum3A_410[15] : i32 from vector<16xi32>
      %get3A_412 = arith.constant 1 : i32
      %get3A_413 = arith.index_cast %get3A_412 : i32 to index
      %get3A_414 = arith.constant 0 : index
      %get3A_415 = tpu.vector_load %arg6[%get3A_413, %get3A_414] {strides = array<i32>} : memref<2x16xi32, #tpu.memory_space<vmem>>, vector<16xi32>,
      %jit3A_416 = arith.constant 0 : i32
      %broadcast_in_dim3A_417 = vector.broadcast %jit3A_416 : i32 to vector<16xi32>
      %select_n3A_418 = arith.select %eq3A_400, %get3A_415, %broadcast_in_dim3A_417 : vector<16xi1>, vector<16xi32>
      %reduce_sum3A_419 = arith.constant true
      %reduce_sum3A_420 = vector.broadcast %reduce_sum3A_419 : i1 to vector<16xi1>
      %reduce_sum3A_421 = tpu.scan <sum>, %select_n3A_418 masked %reduce_sum3A_420 : vector<16xi32>, vector<16xi1> -> vector<16xi32>
      %reduce_sum3A_422 = vector.extract %reduce_sum3A_421[15] : i32 from vector<16xi32>
      %mul3A_423 = arith.constant 96 : i32
      %mul3A_424 = arith.muli %select_n3A_358, %mul3A_423 : i32
      %add3A_425 = arith.addi %reduce_sum3A_411, %mul3A_424 : i32
      %jit3A_426 = arith.constant 8 : i32
      %div3A_427 = arith.divsi %add3A_425, %jit3A_426 : i32
      %sign3A_428 = arith.constant 0 : i32
      %sign3A_429 = arith.cmpi sgt, %add3A_425, %sign3A_428 : i32
      %sign3A_430 = arith.extui %sign3A_429 : i1 to i32
      %sign3A_431 = arith.constant 0 : i32
      %sign3A_432 = arith.cmpi slt, %add3A_425, %sign3A_431 : i32
      %sign3A_433 = arith.extui %sign3A_432 : i1 to i32
      %sign3A_434 = arith.subi %sign3A_430, %sign3A_433 : i32
      %sign3A_435 = arith.constant 0 : i32
      %sign3A_436 = arith.cmpi sgt, %jit3A_426, %sign3A_435 : i32
      %sign3A_437 = arith.extui %sign3A_436 : i1 to i32
      %sign3A_438 = arith.constant 0 : i32
      %sign3A_439 = arith.cmpi slt, %jit3A_426, %sign3A_438 : i32
      %sign3A_440 = arith.extui %sign3A_439 : i1 to i32
      %sign3A_441 = arith.subi %sign3A_437, %sign3A_440 : i32
      %ne3A_442 = arith.cmpi ne, %sign3A_434, %sign3A_441 : i32
      %rem3A_443 = arith.remsi %add3A_425, %jit3A_426 : i32
      %ne3A_444 = arith.constant 0 : i32
      %ne3A_445 = arith.cmpi ne, %rem3A_443, %ne3A_444 : i32
      %and3A_446 = arith.andi %ne3A_442, %ne3A_445 : i1
      %sub3A_447 = arith.constant 1 : i32
      %sub3A_448 = arith.subi %div3A_427, %sub3A_447 : i32
      %select_n3A_449 = arith.select %and3A_446, %sub3A_448, %div3A_427 : i32
      %mul3A_450 = arith.constant 8 : i32
      %mul3A_451 = arith.muli %select_n3A_449, %mul3A_450 : i32
      %min3A_452 = arith.constant 120 : i32
      %min3A_453 = arith.minsi %mul3A_451, %min3A_452 : i32
      %multiple_of3A_454 = tpu.assume_multiple %min3A_453, 8 : i32
      %sub3A_455 = arith.subi %add3A_425, %multiple_of3A_454 : i32
      %add3A_456 = arith.constant 0 : i32
      %add3A_457 = arith.addi %add3A_456, %reduce_sum3A_422 : i32
      %add3A_458 = vector.broadcast %add3A_457 : i32 to vector<16xi32>
      %add3A_459 = arith.addi %add3A_458, %iota3A : vector<16xi32>
      %add3A_460 = arith.constant 16 : i32
      %add3A_461 = arith.addi %add3A_460, %reduce_sum3A_422 : i32
      %add3A_462 = vector.broadcast %add3A_461 : i32 to vector<16xi32>
      %add3A_463 = arith.addi %add3A_462, %iota3A : vector<16xi32>
      %add3A_464 = arith.constant 32 : i32
      %add3A_465 = arith.addi %add3A_464, %reduce_sum3A_422 : i32
      %add3A_466 = vector.broadcast %add3A_465 : i32 to vector<16xi32>
      %add3A_467 = arith.addi %add3A_466, %iota3A : vector<16xi32>
      %add3A_468 = arith.constant 48 : i32
      %add3A_469 = arith.addi %add3A_468, %reduce_sum3A_422 : i32
      %add3A_470 = vector.broadcast %add3A_469 : i32 to vector<16xi32>
      %add3A_471 = arith.addi %add3A_470, %iota3A : vector<16xi32>
      %add3A_472 = arith.constant 64 : i32
      %add3A_473 = arith.addi %add3A_472, %reduce_sum3A_422 : i32
      %add3A_474 = vector.broadcast %add3A_473 : i32 to vector<16xi32>
      %add3A_475 = arith.addi %add3A_474, %iota3A : vector<16xi32>
      %add3A_476 = arith.constant 80 : i32
      %add3A_477 = arith.addi %add3A_476, %reduce_sum3A_422 : i32
      %add3A_478 = vector.broadcast %add3A_477 : i32 to vector<16xi32>
      %add3A_479 = arith.addi %add3A_478, %iota3A : vector<16xi32>
      %add3A_480 = arith.constant 96 : i32
      %add3A_481 = arith.addi %add3A_480, %reduce_sum3A_422 : i32
      %add3A_482 = vector.broadcast %add3A_481 : i32 to vector<16xi32>
      %add3A_483 = arith.addi %add3A_482, %iota3A : vector<16xi32>
      %add3A_484 = arith.constant 112 : i32
      %add3A_485 = arith.addi %add3A_484, %reduce_sum3A_422 : i32
      %add3A_486 = vector.broadcast %add3A_485 : i32 to vector<16xi32>
      %add3A_487 = arith.addi %add3A_486, %iota3A : vector<16xi32>
      %add3A_488 = arith.constant 128 : i32
      %add3A_489 = arith.addi %add3A_488, %reduce_sum3A_422 : i32
      %add3A_490 = vector.broadcast %add3A_489 : i32 to vector<16xi32>
      %add3A_491 = arith.addi %add3A_490, %iota3A : vector<16xi32>
      %add3A_492 = arith.constant 144 : i32
      %add3A_493 = arith.addi %add3A_492, %reduce_sum3A_422 : i32
      %add3A_494 = vector.broadcast %add3A_493 : i32 to vector<16xi32>
      %add3A_495 = arith.addi %add3A_494, %iota3A : vector<16xi32>
      %add3A_496 = arith.constant 160 : i32
      %add3A_497 = arith.addi %add3A_496, %reduce_sum3A_422 : i32
      %add3A_498 = vector.broadcast %add3A_497 : i32 to vector<16xi32>
      %add3A_499 = arith.addi %add3A_498, %iota3A : vector<16xi32>
      %add3A_500 = arith.constant 176 : i32
      %add3A_501 = arith.addi %add3A_500, %reduce_sum3A_422 : i32
      %add3A_502 = vector.broadcast %add3A_501 : i32 to vector<16xi32>
      %add3A_503 = arith.addi %add3A_502, %iota3A : vector<16xi32>
      %parallel_loop3A = arith.constant 0 : i32
      %parallel_loop3A_504 = arith.constant 96 : i32
      %parallel_loop3A_505 = arith.constant 1 : i32
      scf.for %parallel_loop3A_1007 = %parallel_loop3A to %parallel_loop3A_504 step %parallel_loop3A_505  : i32 {
        %parallel_loop3A_1008 = arith.addi %parallel_loop3A_1007, %sub3A_455 : i32
        %parallel_loop3A_1009 = vector.broadcast %parallel_loop3A_1008 : i32 to vector<16xi32>
        %parallel_loop3A_1010 = tpu.vector_load_idx %arg7[%parallel_loop3A_1009, %add3A_459] : memref<104x224xf32, #tpu.memory_space<vmem>>[vector<16xi32>, vector<16xi32>], vector<16xf32>,
        %parallel_loop3A_1011 = arith.index_cast %parallel_loop3A_1007 : i32 to index
        %parallel_loop3A_1012 = arith.constant 0 : index
        %parallel_loop3A_1013 = tpu.vector_load %arg9[%parallel_loop3A_1011, %parallel_loop3A_1012] {strides = array<i32>} : memref<96x192xf32, #tpu.memory_space<vmem>>, vector<16xf32>,
        tpu.vector_store %arg9[%parallel_loop3A_1011, %parallel_loop3A_1012], %parallel_loop3A_1010 {strides = array<i32>} : memref<96x192xf32, #tpu.memory_space<vmem>>, vector<16xf32>,
        %parallel_loop3A_1014 = tpu.vector_load_idx %arg7[%parallel_loop3A_1009, %add3A_463] : memref<104x224xf32, #tpu.memory_space<vmem>>[vector<16xi32>, vector<16xi32>], vector<16xf32>,
        %parallel_loop3A_1015 = arith.index_cast %parallel_loop3A_1007 : i32 to index
        %parallel_loop3A_1016 = arith.constant 16 : index
        %parallel_loop3A_1017 = tpu.vector_load %arg9[%parallel_loop3A_1015, %parallel_loop3A_1016] {strides = array<i32>} : memref<96x192xf32, #tpu.memory_space<vmem>>, vector<16xf32>,
        tpu.vector_store %arg9[%parallel_loop3A_1015, %parallel_loop3A_1016], %parallel_loop3A_1014 {strides = array<i32>} : memref<96x192xf32, #tpu.memory_space<vmem>>, vector<16xf32>,
        %parallel_loop3A_1018 = tpu.vector_load_idx %arg7[%parallel_loop3A_1009, %add3A_467] : memref<104x224xf32, #tpu.memory_space<vmem>>[vector<16xi32>, vector<16xi32>], vector<16xf32>,
        %parallel_loop3A_1019 = arith.index_cast %parallel_loop3A_1007 : i32 to index
        %parallel_loop3A_1020 = arith.constant 32 : index
        %parallel_loop3A_1021 = tpu.vector_load %arg9[%parallel_loop3A_1019, %parallel_loop3A_1020] {strides = array<i32>} : memref<96x192xf32, #tpu.memory_space<vmem>>, vector<16xf32>,
        tpu.vector_store %arg9[%parallel_loop3A_1019, %parallel_loop3A_1020], %parallel_loop3A_1018 {strides = array<i32>} : memref<96x192xf32, #tpu.memory_space<vmem>>, vector<16xf32>,
        %parallel_loop3A_1022 = tpu.vector_load_idx %arg7[%parallel_loop3A_1009, %add3A_471] : memref<104x224xf32, #tpu.memory_space<vmem>>[vector<16xi32>, vector<16xi32>], vector<16xf32>,
        %parallel_loop3A_1023 = arith.index_cast %parallel_loop3A_1007 : i32 to index
        %parallel_loop3A_1024 = arith.constant 48 : index
        %parallel_loop3A_1025 = tpu.vector_load %arg9[%parallel_loop3A_1023, %parallel_loop3A_1024] {strides = array<i32>} : memref<96x192xf32, #tpu.memory_space<vmem>>, vector<16xf32>,
        tpu.vector_store %arg9[%parallel_loop3A_1023, %parallel_loop3A_1024], %parallel_loop3A_1022 {strides = array<i32>} : memref<96x192xf32, #tpu.memory_space<vmem>>, vector<16xf32>,
        %parallel_loop3A_1026 = tpu.vector_load_idx %arg7[%parallel_loop3A_1009, %add3A_475] : memref<104x224xf32, #tpu.memory_space<vmem>>[vector<16xi32>, vector<16xi32>], vector<16xf32>,
        %parallel_loop3A_1027 = arith.index_cast %parallel_loop3A_1007 : i32 to index
        %parallel_loop3A_1028 = arith.constant 64 : index
        %parallel_loop3A_1029 = tpu.vector_load %arg9[%parallel_loop3A_1027, %parallel_loop3A_1028] {strides = array<i32>} : memref<96x192xf32, #tpu.memory_space<vmem>>, vector<16xf32>,
        tpu.vector_store %arg9[%parallel_loop3A_1027, %parallel_loop3A_1028], %parallel_loop3A_1026 {strides = array<i32>} : memref<96x192xf32, #tpu.memory_space<vmem>>, vector<16xf32>,
        %parallel_loop3A_1030 = tpu.vector_load_idx %arg7[%parallel_loop3A_1009, %add3A_479] : memref<104x224xf32, #tpu.memory_space<vmem>>[vector<16xi32>, vector<16xi32>], vector<16xf32>,
        %parallel_loop3A_1031 = arith.index_cast %parallel_loop3A_1007 : i32 to index
        %parallel_loop3A_1032 = arith.constant 80 : index
        %parallel_loop3A_1033 = tpu.vector_load %arg9[%parallel_loop3A_1031, %parallel_loop3A_1032] {strides = array<i32>} : memref<96x192xf32, #tpu.memory_space<vmem>>, vector<16xf32>,
        tpu.vector_store %arg9[%parallel_loop3A_1031, %parallel_loop3A_1032], %parallel_loop3A_1030 {strides = array<i32>} : memref<96x192xf32, #tpu.memory_space<vmem>>, vector<16xf32>,
        %parallel_loop3A_1034 = tpu.vector_load_idx %arg7[%parallel_loop3A_1009, %add3A_483] : memref<104x224xf32, #tpu.memory_space<vmem>>[vector<16xi32>, vector<16xi32>], vector<16xf32>,
        %parallel_loop3A_1035 = arith.index_cast %parallel_loop3A_1007 : i32 to index
        %parallel_loop3A_1036 = arith.constant 96 : index
        %parallel_loop3A_1037 = tpu.vector_load %arg9[%parallel_loop3A_1035, %parallel_loop3A_1036] {strides = array<i32>} : memref<96x192xf32, #tpu.memory_space<vmem>>, vector<16xf32>,
        tpu.vector_store %arg9[%parallel_loop3A_1035, %parallel_loop3A_1036], %parallel_loop3A_1034 {strides = array<i32>} : memref<96x192xf32, #tpu.memory_space<vmem>>, vector<16xf32>,
        %parallel_loop3A_1038 = tpu.vector_load_idx %arg7[%parallel_loop3A_1009, %add3A_487] : memref<104x224xf32, #tpu.memory_space<vmem>>[vector<16xi32>, vector<16xi32>], vector<16xf32>,
        %parallel_loop3A_1039 = arith.index_cast %parallel_loop3A_1007 : i32 to index
        %parallel_loop3A_1040 = arith.constant 112 : index
        %parallel_loop3A_1041 = tpu.vector_load %arg9[%parallel_loop3A_1039, %parallel_loop3A_1040] {strides = array<i32>} : memref<96x192xf32, #tpu.memory_space<vmem>>, vector<16xf32>,
        tpu.vector_store %arg9[%parallel_loop3A_1039, %parallel_loop3A_1040], %parallel_loop3A_1038 {strides = array<i32>} : memref<96x192xf32, #tpu.memory_space<vmem>>, vector<16xf32>,
        %parallel_loop3A_1042 = tpu.vector_load_idx %arg7[%parallel_loop3A_1009, %add3A_491] : memref<104x224xf32, #tpu.memory_space<vmem>>[vector<16xi32>, vector<16xi32>], vector<16xf32>,
        %parallel_loop3A_1043 = arith.index_cast %parallel_loop3A_1007 : i32 to index
        %parallel_loop3A_1044 = arith.constant 128 : index
        %parallel_loop3A_1045 = tpu.vector_load %arg9[%parallel_loop3A_1043, %parallel_loop3A_1044] {strides = array<i32>} : memref<96x192xf32, #tpu.memory_space<vmem>>, vector<16xf32>,
        tpu.vector_store %arg9[%parallel_loop3A_1043, %parallel_loop3A_1044], %parallel_loop3A_1042 {strides = array<i32>} : memref<96x192xf32, #tpu.memory_space<vmem>>, vector<16xf32>,
        %parallel_loop3A_1046 = tpu.vector_load_idx %arg7[%parallel_loop3A_1009, %add3A_495] : memref<104x224xf32, #tpu.memory_space<vmem>>[vector<16xi32>, vector<16xi32>], vector<16xf32>,
        %parallel_loop3A_1047 = arith.index_cast %parallel_loop3A_1007 : i32 to index
        %parallel_loop3A_1048 = arith.constant 144 : index
        %parallel_loop3A_1049 = tpu.vector_load %arg9[%parallel_loop3A_1047, %parallel_loop3A_1048] {strides = array<i32>} : memref<96x192xf32, #tpu.memory_space<vmem>>, vector<16xf32>,
        tpu.vector_store %arg9[%parallel_loop3A_1047, %parallel_loop3A_1048], %parallel_loop3A_1046 {strides = array<i32>} : memref<96x192xf32, #tpu.memory_space<vmem>>, vector<16xf32>,
        %parallel_loop3A_1050 = tpu.vector_load_idx %arg7[%parallel_loop3A_1009, %add3A_499] : memref<104x224xf32, #tpu.memory_space<vmem>>[vector<16xi32>, vector<16xi32>], vector<16xf32>,
        %parallel_loop3A_1051 = arith.index_cast %parallel_loop3A_1007 : i32 to index
        %parallel_loop3A_1052 = arith.constant 160 : index
        %parallel_loop3A_1053 = tpu.vector_load %arg9[%parallel_loop3A_1051, %parallel_loop3A_1052] {strides = array<i32>} : memref<96x192xf32, #tpu.memory_space<vmem>>, vector<16xf32>,
        tpu.vector_store %arg9[%parallel_loop3A_1051, %parallel_loop3A_1052], %parallel_loop3A_1050 {strides = array<i32>} : memref<96x192xf32, #tpu.memory_space<vmem>>, vector<16xf32>,
        %parallel_loop3A_1054 = tpu.vector_load_idx %arg7[%parallel_loop3A_1009, %add3A_503] : memref<104x224xf32, #tpu.memory_space<vmem>>[vector<16xi32>, vector<16xi32>], vector<16xf32>,
        %parallel_loop3A_1055 = arith.index_cast %parallel_loop3A_1007 : i32 to index
        %parallel_loop3A_1056 = arith.constant 176 : index
        %parallel_loop3A_1057 = tpu.vector_load %arg9[%parallel_loop3A_1055, %parallel_loop3A_1056] {strides = array<i32>} : memref<96x192xf32, #tpu.memory_space<vmem>>, vector<16xf32>,
        tpu.vector_store %arg9[%parallel_loop3A_1055, %parallel_loop3A_1056], %parallel_loop3A_1054 {strides = array<i32>} : memref<96x192xf32, #tpu.memory_space<vmem>>, vector<16xf32>,
      } {sc.loop_unroll_factor = 2 : i64, sc.parallel_access}
      %add3A_506 = arith.addi %mul3A_2, %mul3A_159 : i32
      %jit3A_507 = arith.constant 2 : i32
      %div3A_508 = arith.divsi %add3A_506, %jit3A_507 : i32
      %sign3A_509 = arith.constant 0 : i32
      %sign3A_510 = arith.cmpi sgt, %add3A_506, %sign3A_509 : i32
      %sign3A_511 = arith.extui %sign3A_510 : i1 to i32
      %sign3A_512 = arith.constant 0 : i32
      %sign3A_513 = arith.cmpi slt, %add3A_506, %sign3A_512 : i32
      %sign3A_514 = arith.extui %sign3A_513 : i1 to i32
      %sign3A_515 = arith.subi %sign3A_511, %sign3A_514 : i32
      %sign3A_516 = arith.constant 0 : i32
      %sign3A_517 = arith.cmpi sgt, %jit3A_507, %sign3A_516 : i32
      %sign3A_518 = arith.extui %sign3A_517 : i1 to i32
      %sign3A_519 = arith.constant 0 : i32
      %sign3A_520 = arith.cmpi slt, %jit3A_507, %sign3A_519 : i32
      %sign3A_521 = arith.extui %sign3A_520 : i1 to i32
      %sign3A_522 = arith.subi %sign3A_518, %sign3A_521 : i32
      %ne3A_523 = arith.cmpi ne, %sign3A_515, %sign3A_522 : i32
      %rem3A_524 = arith.remsi %add3A_506, %jit3A_507 : i32
      %ne3A_525 = arith.constant 0 : i32
      %ne3A_526 = arith.cmpi ne, %rem3A_524, %ne3A_525 : i32
      %and3A_527 = arith.andi %ne3A_523, %ne3A_526 : i1
      %sub3A_528 = arith.constant 1 : i32
      %sub3A_529 = arith.subi %div3A_508, %sub3A_528 : i32
      %select_n3A_530 = arith.select %and3A_527, %sub3A_529, %div3A_508 : i32
      %jit3A_531 = arith.constant 2 : i32
      %eq3A_532 = arith.constant 0 : i32
      %eq3A_533 = arith.cmpi eq, %jit3A_531, %eq3A_532 : i32
      %jit3A_534 = arith.constant 1 : i32
      %select_n3A_535 = arith.select %eq3A_533, %jit3A_534, %jit3A_531 : i32
      %rem3A_536 = arith.remsi %add3A_506, %select_n3A_535 : i32
      %ne3A_537 = arith.constant 0 : i32
      %ne3A_538 = arith.cmpi ne, %rem3A_536, %ne3A_537 : i32
      %lt3A_539 = arith.constant 0 : i32
      %lt3A_540 = arith.cmpi slt, %rem3A_536, %lt3A_539 : i32
      %lt3A_541 = arith.constant 0 : i32
      %lt3A_542 = arith.cmpi slt, %select_n3A_535, %lt3A_541 : i32
      %ne3A_543 = arith.xori %lt3A_540, %lt3A_542 : i1
      %and3A_544 = arith.andi %ne3A_543, %ne3A_538 : i1
      %add3A_545 = arith.addi %rem3A_536, %select_n3A_535 : i32
      %select_n3A_546 = arith.select %and3A_544, %add3A_545, %rem3A_536 : i32
      %jit3A_547 = arith.constant 96 : i32
      %div3A_548 = arith.divsi %select_n3A_530, %jit3A_547 : i32
      %sign3A_549 = arith.constant 0 : i32
      %sign3A_550 = arith.cmpi sgt, %select_n3A_530, %sign3A_549 : i32
      %sign3A_551 = arith.extui %sign3A_550 : i1 to i32
      %sign3A_552 = arith.constant 0 : i32
      %sign3A_553 = arith.cmpi slt, %select_n3A_530, %sign3A_552 : i32
      %sign3A_554 = arith.extui %sign3A_553 : i1 to i32
      %sign3A_555 = arith.subi %sign3A_551, %sign3A_554 : i32
      %sign3A_556 = arith.constant 0 : i32
      %sign3A_557 = arith.cmpi sgt, %jit3A_547, %sign3A_556 : i32
      %sign3A_558 = arith.extui %sign3A_557 : i1 to i32
      %sign3A_559 = arith.constant 0 : i32
      %sign3A_560 = arith.cmpi slt, %jit3A_547, %sign3A_559 : i32
      %sign3A_561 = arith.extui %sign3A_560 : i1 to i32
      %sign3A_562 = arith.subi %sign3A_558, %sign3A_561 : i32
      %ne3A_563 = arith.cmpi ne, %sign3A_555, %sign3A_562 : i32
      %rem3A_564 = arith.remsi %select_n3A_530, %jit3A_547 : i32
      %ne3A_565 = arith.constant 0 : i32
      %ne3A_566 = arith.cmpi ne, %rem3A_564, %ne3A_565 : i32
      %and3A_567 = arith.andi %ne3A_563, %ne3A_566 : i1
      %sub3A_568 = arith.constant 1 : i32
      %sub3A_569 = arith.subi %div3A_548, %sub3A_568 : i32
      %select_n3A_570 = arith.select %and3A_567, %sub3A_569, %div3A_548 : i32
      %jit3A_571 = arith.constant 96 : i32
      %eq3A_572 = arith.constant 0 : i32
      %eq3A_573 = arith.cmpi eq, %jit3A_571, %eq3A_572 : i32
      %jit3A_574 = arith.constant 1 : i32
      %select_n3A_575 = arith.select %eq3A_573, %jit3A_574, %jit3A_571 : i32
      %rem3A_576 = arith.remsi %select_n3A_530, %select_n3A_575 : i32
      %ne3A_577 = arith.constant 0 : i32
      %ne3A_578 = arith.cmpi ne, %rem3A_576, %ne3A_577 : i32
      %lt3A_579 = arith.constant 0 : i32
      %lt3A_580 = arith.cmpi slt, %rem3A_576, %lt3A_579 : i32
      %lt3A_581 = arith.constant 0 : i32
      %lt3A_582 = arith.cmpi slt, %select_n3A_575, %lt3A_581 : i32
      %ne3A_583 = arith.xori %lt3A_580, %lt3A_582 : i1
      %and3A_584 = arith.andi %ne3A_583, %ne3A_578 : i1
      %add3A_585 = arith.addi %rem3A_576, %select_n3A_575 : i32
      %select_n3A_586 = arith.select %and3A_584, %add3A_585, %rem3A_576 : i32
      %eq3A_587 = vector.broadcast %select_n3A_570 : i32 to vector<16xi32>
      %eq3A_588 = arith.cmpi eq, %iota3A, %eq3A_587 : vector<16xi32>
      %get3A_589 = arith.constant 0 : i32
      %get3A_590 = arith.index_cast %get3A_589 : i32 to index
      %get3A_591 = arith.constant 0 : index
      %get3A_592 = tpu.vector_load %arg6[%get3A_590, %get3A_591] {strides = array<i32>} : memref<2x16xi32, #tpu.memory_space<vmem>>, vector<16xi32>,
      %jit3A_593 = arith.constant 0 : i32
      %broadcast_in_dim3A_594 = vector.broadcast %jit3A_593 : i32 to vector<16xi32>
      %select_n3A_595 = arith.select %eq3A_588, %get3A_592, %broadcast_in_dim3A_594 : vector<16xi1>, vector<16xi32>
      %reduce_sum3A_596 = arith.constant true
      %reduce_sum3A_597 = vector.broadcast %reduce_sum3A_596 : i1 to vector<16xi1>
      %reduce_sum3A_598 = tpu.scan <sum>, %select_n3A_595 masked %reduce_sum3A_597 : vector<16xi32>, vector<16xi1> -> vector<16xi32>
      %reduce_sum3A_599 = vector.extract %reduce_sum3A_598[15] : i32 from vector<16xi32>
      %get3A_600 = arith.constant 1 : i32
      %get3A_601 = arith.index_cast %get3A_600 : i32 to index
      %get3A_602 = arith.constant 0 : index
      %get3A_603 = tpu.vector_load %arg6[%get3A_601, %get3A_602] {strides = array<i32>} : memref<2x16xi32, #tpu.memory_space<vmem>>, vector<16xi32>,
      %jit3A_604 = arith.constant 0 : i32
      %broadcast_in_dim3A_605 = vector.broadcast %jit3A_604 : i32 to vector<16xi32>
      %select_n3A_606 = arith.select %eq3A_588, %get3A_603, %broadcast_in_dim3A_605 : vector<16xi1>, vector<16xi32>
      %reduce_sum3A_607 = arith.constant true
      %reduce_sum3A_608 = vector.broadcast %reduce_sum3A_607 : i1 to vector<16xi1>
      %reduce_sum3A_609 = tpu.scan <sum>, %select_n3A_606 masked %reduce_sum3A_608 : vector<16xi32>, vector<16xi1> -> vector<16xi32>
      %reduce_sum3A_610 = vector.extract %reduce_sum3A_609[15] : i32 from vector<16xi32>
      %mul3A_611 = arith.constant 96 : i32
      %mul3A_612 = arith.muli %select_n3A_546, %mul3A_611 : i32
      %add3A_613 = arith.addi %reduce_sum3A_599, %mul3A_612 : i32
      %jit3A_614 = arith.constant 8 : i32
      %div3A_615 = arith.divsi %add3A_613, %jit3A_614 : i32
      %sign3A_616 = arith.constant 0 : i32
      %sign3A_617 = arith.cmpi sgt, %add3A_613, %sign3A_616 : i32
      %sign3A_618 = arith.extui %sign3A_617 : i1 to i32
      %sign3A_619 = arith.constant 0 : i32
      %sign3A_620 = arith.cmpi slt, %add3A_613, %sign3A_619 : i32
      %sign3A_621 = arith.extui %sign3A_620 : i1 to i32
      %sign3A_622 = arith.subi %sign3A_618, %sign3A_621 : i32
      %sign3A_623 = arith.constant 0 : i32
      %sign3A_624 = arith.cmpi sgt, %jit3A_614, %sign3A_623 : i32
      %sign3A_625 = arith.extui %sign3A_624 : i1 to i32
      %sign3A_626 = arith.constant 0 : i32
      %sign3A_627 = arith.cmpi slt, %jit3A_614, %sign3A_626 : i32
      %sign3A_628 = arith.extui %sign3A_627 : i1 to i32
      %sign3A_629 = arith.subi %sign3A_625, %sign3A_628 : i32
      %ne3A_630 = arith.cmpi ne, %sign3A_622, %sign3A_629 : i32
      %rem3A_631 = arith.remsi %add3A_613, %jit3A_614 : i32
      %ne3A_632 = arith.constant 0 : i32
      %ne3A_633 = arith.cmpi ne, %rem3A_631, %ne3A_632 : i32
      %and3A_634 = arith.andi %ne3A_630, %ne3A_633 : i1
      %sub3A_635 = arith.constant 1 : i32
      %sub3A_636 = arith.subi %div3A_615, %sub3A_635 : i32
      %select_n3A_637 = arith.select %and3A_634, %sub3A_636, %div3A_615 : i32
      %mul3A_638 = arith.constant 8 : i32
      %mul3A_639 = arith.muli %select_n3A_637, %mul3A_638 : i32
      %min3A_640 = arith.constant 120 : i32
      %min3A_641 = arith.minsi %mul3A_639, %min3A_640 : i32
      %multiple_of3A_642 = tpu.assume_multiple %min3A_641, 8 : i32
      %sub3A_643 = arith.subi %add3A_613, %multiple_of3A_642 : i32
      %mul3A_644 = arith.constant 96 : i32
      %mul3A_645 = arith.muli %select_n3A_546, %mul3A_644 : i32
      %dma_start3A_646 = arith.constant 0 : i32
      %dma_start3A_647 = tpu.memref_slice %arg5[%select_n3A_570, %select_n3A_586, %mul3A_645, %dma_start3A_646] : memref<16x96x192x192xf32, #tpu.memory_space<hbm>> -> memref<1x1x96x192xf32, #tpu.memory_space<hbm>>
      %dma_start3A_648 = tpu.memref_squeeze %dma_start3A_647 : memref<1x1x96x192xf32, #tpu.memory_space<hbm>> -> memref<96x192xf32, #tpu.memory_space<hbm>>
      %dma_start3A_649 = arith.constant 0 : i32
      %dma_start3A_650 = tpu.memref_slice %arg5[%select_n3A_570, %select_n3A_586, %mul3A_645, %dma_start3A_649] : memref<16x96x192x192xf32, #tpu.memory_space<hbm>> -> memref<1x1x96x192xf32, #tpu.memory_space<hbm>>
      %dma_start3A_651 = tpu.memref_squeeze %dma_start3A_650 : memref<1x1x96x192xf32, #tpu.memory_space<hbm>> -> memref<96x192xf32, #tpu.memory_space<hbm>>
      tpu.enqueue_dma source(%arg9 : memref<96x192xf32, #tpu.memory_space<vmem>>) target(%dma_start3A_651 : memref<96x192xf32, #tpu.memory_space<hbm>>) target_semaphore(%arg13 : memref<!tpu.dma_semaphore, #tpu.memory_space<semaphore_mem>>)
      %lt3A_652 = arith.constant 47 : i32
      %lt3A_653 = arith.cmpi slt, %scan3A_157, %lt3A_652 : i32
      %convert_element_type3A_654 = arith.extui %lt3A_653 : i1 to i32
      %cond3A_655 = arith.constant 0 : i32
      %cond3A_656 = arith.cmpi ne, %convert_element_type3A_654, %cond3A_655 : i32
      scf.if %cond3A_656 {
        %add3A_1007 = arith.constant 2 : i32
        %add3A_1008 = arith.addi %mul3A_159, %add3A_1007 : i32
        %add3A_1009 = arith.addi %mul3A_2, %add3A_1008 : i32
        %jit3A_1010 = arith.constant 2 : i32
        %div3A_1011 = arith.divsi %add3A_1009, %jit3A_1010 : i32
        %sign3A_1012 = arith.constant 0 : i32
        %sign3A_1013 = arith.cmpi sgt, %add3A_1009, %sign3A_1012 : i32
        %sign3A_1014 = arith.extui %sign3A_1013 : i1 to i32
        %sign3A_1015 = arith.constant 0 : i32
        %sign3A_1016 = arith.cmpi slt, %add3A_1009, %sign3A_1015 : i32
        %sign3A_1017 = arith.extui %sign3A_1016 : i1 to i32
        %sign3A_1018 = arith.subi %sign3A_1014, %sign3A_1017 : i32
        %sign3A_1019 = arith.constant 0 : i32
        %sign3A_1020 = arith.cmpi sgt, %jit3A_1010, %sign3A_1019 : i32
        %sign3A_1021 = arith.extui %sign3A_1020 : i1 to i32
        %sign3A_1022 = arith.constant 0 : i32
        %sign3A_1023 = arith.cmpi slt, %jit3A_1010, %sign3A_1022 : i32
        %sign3A_1024 = arith.extui %sign3A_1023 : i1 to i32
        %sign3A_1025 = arith.subi %sign3A_1021, %sign3A_1024 : i32
        %ne3A_1026 = arith.cmpi ne, %sign3A_1018, %sign3A_1025 : i32
        %rem3A_1027 = arith.remsi %add3A_1009, %jit3A_1010 : i32
        %ne3A_1028 = arith.constant 0 : i32
        %ne3A_1029 = arith.cmpi ne, %rem3A_1027, %ne3A_1028 : i32
        %and3A_1030 = arith.andi %ne3A_1026, %ne3A_1029 : i1
        %sub3A_1031 = arith.constant 1 : i32
        %sub3A_1032 = arith.subi %div3A_1011, %sub3A_1031 : i32
        %select_n3A_1033 = arith.select %and3A_1030, %sub3A_1032, %div3A_1011 : i32
        %jit3A_1034 = arith.constant 2 : i32
        %eq3A_1035 = arith.constant 0 : i32
        %eq3A_1036 = arith.cmpi eq, %jit3A_1034, %eq3A_1035 : i32
        %jit3A_1037 = arith.constant 1 : i32
        %select_n3A_1038 = arith.select %eq3A_1036, %jit3A_1037, %jit3A_1034 : i32
        %rem3A_1039 = arith.remsi %add3A_1009, %select_n3A_1038 : i32
        %ne3A_1040 = arith.constant 0 : i32
        %ne3A_1041 = arith.cmpi ne, %rem3A_1039, %ne3A_1040 : i32
        %lt3A_1042 = arith.constant 0 : i32
        %lt3A_1043 = arith.cmpi slt, %rem3A_1039, %lt3A_1042 : i32
        %lt3A_1044 = arith.constant 0 : i32
        %lt3A_1045 = arith.cmpi slt, %select_n3A_1038, %lt3A_1044 : i32
        %ne3A_1046 = arith.xori %lt3A_1043, %lt3A_1045 : i1
        %and3A_1047 = arith.andi %ne3A_1046, %ne3A_1041 : i1
        %add3A_1048 = arith.addi %rem3A_1039, %select_n3A_1038 : i32
        %select_n3A_1049 = arith.select %and3A_1047, %add3A_1048, %rem3A_1039 : i32
        %jit3A_1050 = arith.constant 96 : i32
        %div3A_1051 = arith.divsi %select_n3A_1033, %jit3A_1050 : i32
        %sign3A_1052 = arith.constant 0 : i32
        %sign3A_1053 = arith.cmpi sgt, %select_n3A_1033, %sign3A_1052 : i32
        %sign3A_1054 = arith.extui %sign3A_1053 : i1 to i32
        %sign3A_1055 = arith.constant 0 : i32
        %sign3A_1056 = arith.cmpi slt, %select_n3A_1033, %sign3A_1055 : i32
        %sign3A_1057 = arith.extui %sign3A_1056 : i1 to i32
        %sign3A_1058 = arith.subi %sign3A_1054, %sign3A_1057 : i32
        %sign3A_1059 = arith.constant 0 : i32
        %sign3A_1060 = arith.cmpi sgt, %jit3A_1050, %sign3A_1059 : i32
        %sign3A_1061 = arith.extui %sign3A_1060 : i1 to i32
        %sign3A_1062 = arith.constant 0 : i32
        %sign3A_1063 = arith.cmpi slt, %jit3A_1050, %sign3A_1062 : i32
        %sign3A_1064 = arith.extui %sign3A_1063 : i1 to i32
        %sign3A_1065 = arith.subi %sign3A_1061, %sign3A_1064 : i32
        %ne3A_1066 = arith.cmpi ne, %sign3A_1058, %sign3A_1065 : i32
        %rem3A_1067 = arith.remsi %select_n3A_1033, %jit3A_1050 : i32
        %ne3A_1068 = arith.constant 0 : i32
        %ne3A_1069 = arith.cmpi ne, %rem3A_1067, %ne3A_1068 : i32
        %and3A_1070 = arith.andi %ne3A_1066, %ne3A_1069 : i1
        %sub3A_1071 = arith.constant 1 : i32
        %sub3A_1072 = arith.subi %div3A_1051, %sub3A_1071 : i32
        %select_n3A_1073 = arith.select %and3A_1070, %sub3A_1072, %div3A_1051 : i32
        %jit3A_1074 = arith.constant 96 : i32
        %eq3A_1075 = arith.constant 0 : i32
        %eq3A_1076 = arith.cmpi eq, %jit3A_1074, %eq3A_1075 : i32
        %jit3A_1077 = arith.constant 1 : i32
        %select_n3A_1078 = arith.select %eq3A_1076, %jit3A_1077, %jit3A_1074 : i32
        %rem3A_1079 = arith.remsi %select_n3A_1033, %select_n3A_1078 : i32
        %ne3A_1080 = arith.constant 0 : i32
        %ne3A_1081 = arith.cmpi ne, %rem3A_1079, %ne3A_1080 : i32
        %lt3A_1082 = arith.constant 0 : i32
        %lt3A_1083 = arith.cmpi slt, %rem3A_1079, %lt3A_1082 : i32
        %lt3A_1084 = arith.constant 0 : i32
        %lt3A_1085 = arith.cmpi slt, %select_n3A_1078, %lt3A_1084 : i32
        %ne3A_1086 = arith.xori %lt3A_1083, %lt3A_1085 : i1
        %and3A_1087 = arith.andi %ne3A_1086, %ne3A_1081 : i1
        %add3A_1088 = arith.addi %rem3A_1079, %select_n3A_1078 : i32
        %select_n3A_1089 = arith.select %and3A_1087, %add3A_1088, %rem3A_1079 : i32
        %eq3A_1090 = vector.broadcast %select_n3A_1073 : i32 to vector<16xi32>
        %eq3A_1091 = arith.cmpi eq, %iota3A, %eq3A_1090 : vector<16xi32>
        %get3A_1092 = arith.constant 0 : i32
        %get3A_1093 = arith.index_cast %get3A_1092 : i32 to index
        %get3A_1094 = arith.constant 0 : index
        %get3A_1095 = tpu.vector_load %arg6[%get3A_1093, %get3A_1094] {strides = array<i32>} : memref<2x16xi32, #tpu.memory_space<vmem>>, vector<16xi32>,
        %jit3A_1096 = arith.constant 0 : i32
        %broadcast_in_dim3A_1097 = vector.broadcast %jit3A_1096 : i32 to vector<16xi32>
        %select_n3A_1098 = arith.select %eq3A_1091, %get3A_1095, %broadcast_in_dim3A_1097 : vector<16xi1>, vector<16xi32>
        %reduce_sum3A_1099 = arith.constant true
        %reduce_sum3A_1100 = vector.broadcast %reduce_sum3A_1099 : i1 to vector<16xi1>
        %reduce_sum3A_1101 = tpu.scan <sum>, %select_n3A_1098 masked %reduce_sum3A_1100 : vector<16xi32>, vector<16xi1> -> vector<16xi32>
        %reduce_sum3A_1102 = vector.extract %reduce_sum3A_1101[15] : i32 from vector<16xi32>
        %get3A_1103 = arith.constant 1 : i32
        %get3A_1104 = arith.index_cast %get3A_1103 : i32 to index
        %get3A_1105 = arith.constant 0 : index
        %get3A_1106 = tpu.vector_load %arg6[%get3A_1104, %get3A_1105] {strides = array<i32>} : memref<2x16xi32, #tpu.memory_space<vmem>>, vector<16xi32>,
        %jit3A_1107 = arith.constant 0 : i32
        %broadcast_in_dim3A_1108 = vector.broadcast %jit3A_1107 : i32 to vector<16xi32>
        %select_n3A_1109 = arith.select %eq3A_1091, %get3A_1106, %broadcast_in_dim3A_1108 : vector<16xi1>, vector<16xi32>
        %reduce_sum3A_1110 = arith.constant true
        %reduce_sum3A_1111 = vector.broadcast %reduce_sum3A_1110 : i1 to vector<16xi1>
        %reduce_sum3A_1112 = tpu.scan <sum>, %select_n3A_1109 masked %reduce_sum3A_1111 : vector<16xi32>, vector<16xi1> -> vector<16xi32>
        %reduce_sum3A_1113 = vector.extract %reduce_sum3A_1112[15] : i32 from vector<16xi32>
        %mul3A_1114 = arith.constant 96 : i32
        %mul3A_1115 = arith.muli %select_n3A_1049, %mul3A_1114 : i32
        %add3A_1116 = arith.addi %reduce_sum3A_1102, %mul3A_1115 : i32
        %jit3A_1117 = arith.constant 8 : i32
        %div3A_1118 = arith.divsi %add3A_1116, %jit3A_1117 : i32
        %sign3A_1119 = arith.constant 0 : i32
        %sign3A_1120 = arith.cmpi sgt, %add3A_1116, %sign3A_1119 : i32
        %sign3A_1121 = arith.extui %sign3A_1120 : i1 to i32
        %sign3A_1122 = arith.constant 0 : i32
        %sign3A_1123 = arith.cmpi slt, %add3A_1116, %sign3A_1122 : i32
        %sign3A_1124 = arith.extui %sign3A_1123 : i1 to i32
        %sign3A_1125 = arith.subi %sign3A_1121, %sign3A_1124 : i32
        %sign3A_1126 = arith.constant 0 : i32
        %sign3A_1127 = arith.cmpi sgt, %jit3A_1117, %sign3A_1126 : i32
        %sign3A_1128 = arith.extui %sign3A_1127 : i1 to i32
        %sign3A_1129 = arith.constant 0 : i32
        %sign3A_1130 = arith.cmpi slt, %jit3A_1117, %sign3A_1129 : i32
        %sign3A_1131 = arith.extui %sign3A_1130 : i1 to i32
        %sign3A_1132 = arith.subi %sign3A_1128, %sign3A_1131 : i32
        %ne3A_1133 = arith.cmpi ne, %sign3A_1125, %sign3A_1132 : i32
        %rem3A_1134 = arith.remsi %add3A_1116, %jit3A_1117 : i32
        %ne3A_1135 = arith.constant 0 : i32
        %ne3A_1136 = arith.cmpi ne, %rem3A_1134, %ne3A_1135 : i32
        %and3A_1137 = arith.andi %ne3A_1133, %ne3A_1136 : i1
        %sub3A_1138 = arith.constant 1 : i32
        %sub3A_1139 = arith.subi %div3A_1118, %sub3A_1138 : i32
        %select_n3A_1140 = arith.select %and3A_1137, %sub3A_1139, %div3A_1118 : i32
        %mul3A_1141 = arith.constant 8 : i32
        %mul3A_1142 = arith.muli %select_n3A_1140, %mul3A_1141 : i32
        %min3A_1143 = arith.constant 120 : i32
        %min3A_1144 = arith.minsi %mul3A_1142, %min3A_1143 : i32
        %multiple_of3A_1145 = tpu.assume_multiple %min3A_1144, 8 : i32
        %sub3A_1146 = arith.subi %add3A_1116, %multiple_of3A_1145 : i32
        %dma_start3A_1147 = arith.constant 0 : i32
        %dma_start3A_1148 = tpu.memref_slice %arg2[%select_n3A_1073, %select_n3A_1089, %multiple_of3A_1145, %dma_start3A_1147] : memref<16x96x224x224xf32, #tpu.memory_space<hbm>> -> memref<1x1x104x224xf32, #tpu.memory_space<hbm>>
        %dma_start3A_1149 = tpu.memref_squeeze %dma_start3A_1148 : memref<1x1x104x224xf32, #tpu.memory_space<hbm>> -> memref<104x224xf32, #tpu.memory_space<hbm>>
        %dma_start3A_1150 = arith.constant 0 : i32
        %dma_start3A_1151 = tpu.memref_slice %arg2[%select_n3A_1073, %select_n3A_1089, %multiple_of3A_1145, %dma_start3A_1150] : memref<16x96x224x224xf32, #tpu.memory_space<hbm>> -> memref<1x1x104x224xf32, #tpu.memory_space<hbm>>
        %dma_start3A_1152 = tpu.memref_squeeze %dma_start3A_1151 : memref<1x1x104x224xf32, #tpu.memory_space<hbm>> -> memref<104x224xf32, #tpu.memory_space<hbm>>
        tpu.enqueue_dma source(%dma_start3A_1152 : memref<104x224xf32, #tpu.memory_space<hbm>>) target(%arg7 : memref<104x224xf32, #tpu.memory_space<vmem>>) target_semaphore(%arg11 : memref<!tpu.dma_semaphore, #tpu.memory_space<semaphore_mem>>)
      } else {
      }
      %dma_wait3A_657 = arith.constant 0 : i32
      %dma_wait3A_658 = arith.constant 0 : i32
      %dma_wait3A_659 = arith.constant 0 : i32
      %dma_wait3A_660 = arith.constant 0 : i32
      %dma_wait3A_661 = tpu.memref_slice %arg2[%dma_wait3A_657, %dma_wait3A_658, %dma_wait3A_659, %dma_wait3A_660] : memref<16x96x224x224xf32, #tpu.memory_space<hbm>> -> memref<1x1x104x224xf32, #tpu.memory_space<hbm>>
      %dma_wait3A_662 = tpu.memref_squeeze %dma_wait3A_661 : memref<1x1x104x224xf32, #tpu.memory_space<hbm>> -> memref<104x224xf32, #tpu.memory_space<hbm>>
      %dma_wait3A_663 = arith.constant 0 : i32
      %dma_wait3A_664 = arith.constant 0 : i32
      %dma_wait3A_665 = tpu.memref_slice %arg2[%dma_wait3A_657, %dma_wait3A_658, %dma_wait3A_663, %dma_wait3A_664] : memref<16x96x224x224xf32, #tpu.memory_space<hbm>> -> memref<1x1x104x224xf32, #tpu.memory_space<hbm>>
      %dma_wait3A_666 = tpu.memref_squeeze %dma_wait3A_665 : memref<1x1x104x224xf32, #tpu.memory_space<hbm>> -> memref<104x224xf32, #tpu.memory_space<hbm>>
      tpu.wait_dma2 semaphore(%arg12 : memref<!tpu.dma_semaphore, #tpu.memory_space<semaphore_mem>>) src(%dma_wait3A_666 : memref<104x224xf32, #tpu.memory_space<hbm>>) dst(%arg8 : memref<104x224xf32, #tpu.memory_space<vmem>>)
      %gt3A_667 = arith.constant 0 : i32
      %gt3A_668 = arith.cmpi sgt, %scan3A_157, %gt3A_667 : i32
      %convert_element_type3A_669 = arith.extui %gt3A_668 : i1 to i32
      %cond3A_670 = arith.constant 0 : i32
      %cond3A_671 = arith.cmpi ne, %convert_element_type3A_669, %cond3A_670 : i32
      scf.if %cond3A_671 {
        %dma_wait3A_1007 = arith.constant 0 : i32
        %dma_wait3A_1008 = arith.constant 0 : i32
        %dma_wait3A_1009 = arith.constant 0 : i32
        %dma_wait3A_1010 = arith.constant 0 : i32
        %dma_wait3A_1011 = tpu.memref_slice %arg5[%dma_wait3A_1007, %dma_wait3A_1008, %dma_wait3A_1009, %dma_wait3A_1010] : memref<16x96x192x192xf32, #tpu.memory_space<hbm>> -> memref<1x1x96x192xf32, #tpu.memory_space<hbm>>
        %dma_wait3A_1012 = tpu.memref_squeeze %dma_wait3A_1011 : memref<1x1x96x192xf32, #tpu.memory_space<hbm>> -> memref<96x192xf32, #tpu.memory_space<hbm>>
        %dma_wait3A_1013 = arith.constant 0 : i32
        %dma_wait3A_1014 = arith.constant 0 : i32
        %dma_wait3A_1015 = tpu.memref_slice %arg5[%dma_wait3A_1007, %dma_wait3A_1008, %dma_wait3A_1013, %dma_wait3A_1014] : memref<16x96x192x192xf32, #tpu.memory_space<hbm>> -> memref<1x1x96x192xf32, #tpu.memory_space<hbm>>
        %dma_wait3A_1016 = tpu.memref_squeeze %dma_wait3A_1015 : memref<1x1x96x192xf32, #tpu.memory_space<hbm>> -> memref<96x192xf32, #tpu.memory_space<hbm>>
        tpu.wait_dma2 semaphore(%arg14 : memref<!tpu.dma_semaphore, #tpu.memory_space<semaphore_mem>>) src(%arg10 : memref<96x192xf32, #tpu.memory_space<vmem>>) dst(%dma_wait3A_1016 : memref<96x192xf32, #tpu.memory_space<hbm>>)
      } else {
      }
      %add3A_672 = arith.addi %mul3A_2, %add3A_161 : i32
      %jit3A_673 = arith.constant 2 : i32
      %div3A_674 = arith.divsi %add3A_672, %jit3A_673 : i32
      %sign3A_675 = arith.constant 0 : i32
      %sign3A_676 = arith.cmpi sgt, %add3A_672, %sign3A_675 : i32
      %sign3A_677 = arith.extui %sign3A_676 : i1 to i32
      %sign3A_678 = arith.constant 0 : i32
      %sign3A_679 = arith.cmpi slt, %add3A_672, %sign3A_678 : i32
      %sign3A_680 = arith.extui %sign3A_679 : i1 to i32
      %sign3A_681 = arith.subi %sign3A_677, %sign3A_680 : i32
      %sign3A_682 = arith.constant 0 : i32
      %sign3A_683 = arith.cmpi sgt, %jit3A_673, %sign3A_682 : i32
      %sign3A_684 = arith.extui %sign3A_683 : i1 to i32
      %sign3A_685 = arith.constant 0 : i32
      %sign3A_686 = arith.cmpi slt, %jit3A_673, %sign3A_685 : i32
      %sign3A_687 = arith.extui %sign3A_686 : i1 to i32
      %sign3A_688 = arith.subi %sign3A_684, %sign3A_687 : i32
      %ne3A_689 = arith.cmpi ne, %sign3A_681, %sign3A_688 : i32
      %rem3A_690 = arith.remsi %add3A_672, %jit3A_673 : i32
      %ne3A_691 = arith.constant 0 : i32
      %ne3A_692 = arith.cmpi ne, %rem3A_690, %ne3A_691 : i32
      %and3A_693 = arith.andi %ne3A_689, %ne3A_692 : i1
      %sub3A_694 = arith.constant 1 : i32
      %sub3A_695 = arith.subi %div3A_674, %sub3A_694 : i32
      %select_n3A_696 = arith.select %and3A_693, %sub3A_695, %div3A_674 : i32
      %jit3A_697 = arith.constant 2 : i32
      %eq3A_698 = arith.constant 0 : i32
      %eq3A_699 = arith.cmpi eq, %jit3A_697, %eq3A_698 : i32
      %jit3A_700 = arith.constant 1 : i32
      %select_n3A_701 = arith.select %eq3A_699, %jit3A_700, %jit3A_697 : i32
      %rem3A_702 = arith.remsi %add3A_672, %select_n3A_701 : i32
      %ne3A_703 = arith.constant 0 : i32
      %ne3A_704 = arith.cmpi ne, %rem3A_702, %ne3A_703 : i32
      %lt3A_705 = arith.constant 0 : i32
      %lt3A_706 = arith.cmpi slt, %rem3A_702, %lt3A_705 : i32
      %lt3A_707 = arith.constant 0 : i32
      %lt3A_708 = arith.cmpi slt, %select_n3A_701, %lt3A_707 : i32
      %ne3A_709 = arith.xori %lt3A_706, %lt3A_708 : i1
      %and3A_710 = arith.andi %ne3A_709, %ne3A_704 : i1
      %add3A_711 = arith.addi %rem3A_702, %select_n3A_701 : i32
      %select_n3A_712 = arith.select %and3A_710, %add3A_711, %rem3A_702 : i32
      %jit3A_713 = arith.constant 96 : i32
      %div3A_714 = arith.divsi %select_n3A_696, %jit3A_713 : i32
      %sign3A_715 = arith.constant 0 : i32
      %sign3A_716 = arith.cmpi sgt, %select_n3A_696, %sign3A_715 : i32
      %sign3A_717 = arith.extui %sign3A_716 : i1 to i32
      %sign3A_718 = arith.constant 0 : i32
      %sign3A_719 = arith.cmpi slt, %select_n3A_696, %sign3A_718 : i32
      %sign3A_720 = arith.extui %sign3A_719 : i1 to i32
      %sign3A_721 = arith.subi %sign3A_717, %sign3A_720 : i32
      %sign3A_722 = arith.constant 0 : i32
      %sign3A_723 = arith.cmpi sgt, %jit3A_713, %sign3A_722 : i32
      %sign3A_724 = arith.extui %sign3A_723 : i1 to i32
      %sign3A_725 = arith.constant 0 : i32
      %sign3A_726 = arith.cmpi slt, %jit3A_713, %sign3A_725 : i32
      %sign3A_727 = arith.extui %sign3A_726 : i1 to i32
      %sign3A_728 = arith.subi %sign3A_724, %sign3A_727 : i32
      %ne3A_729 = arith.cmpi ne, %sign3A_721, %sign3A_728 : i32
      %rem3A_730 = arith.remsi %select_n3A_696, %jit3A_713 : i32
      %ne3A_731 = arith.constant 0 : i32
      %ne3A_732 = arith.cmpi ne, %rem3A_730, %ne3A_731 : i32
      %and3A_733 = arith.andi %ne3A_729, %ne3A_732 : i1
      %sub3A_734 = arith.constant 1 : i32
      %sub3A_735 = arith.subi %div3A_714, %sub3A_734 : i32
      %select_n3A_736 = arith.select %and3A_733, %sub3A_735, %div3A_714 : i32
      %jit3A_737 = arith.constant 96 : i32
      %eq3A_738 = arith.constant 0 : i32
      %eq3A_739 = arith.cmpi eq, %jit3A_737, %eq3A_738 : i32
      %jit3A_740 = arith.constant 1 : i32
      %select_n3A_741 = arith.select %eq3A_739, %jit3A_740, %jit3A_737 : i32
      %rem3A_742 = arith.remsi %select_n3A_696, %select_n3A_741 : i32
      %ne3A_743 = arith.constant 0 : i32
      %ne3A_744 = arith.cmpi ne, %rem3A_742, %ne3A_743 : i32
      %lt3A_745 = arith.constant 0 : i32
      %lt3A_746 = arith.cmpi slt, %rem3A_742, %lt3A_745 : i32
      %lt3A_747 = arith.constant 0 : i32
      %lt3A_748 = arith.cmpi slt, %select_n3A_741, %lt3A_747 : i32
      %ne3A_749 = arith.xori %lt3A_746, %lt3A_748 : i1
      %and3A_750 = arith.andi %ne3A_749, %ne3A_744 : i1
      %add3A_751 = arith.addi %rem3A_742, %select_n3A_741 : i32
      %select_n3A_752 = arith.select %and3A_750, %add3A_751, %rem3A_742 : i32
      %eq3A_753 = vector.broadcast %select_n3A_736 : i32 to vector<16xi32>
      %eq3A_754 = arith.cmpi eq, %iota3A, %eq3A_753 : vector<16xi32>
      %get3A_755 = arith.constant 0 : i32
      %get3A_756 = arith.index_cast %get3A_755 : i32 to index
      %get3A_757 = arith.constant 0 : index
      %get3A_758 = tpu.vector_load %arg6[%get3A_756, %get3A_757] {strides = array<i32>} : memref<2x16xi32, #tpu.memory_space<vmem>>, vector<16xi32>,
      %jit3A_759 = arith.constant 0 : i32
      %broadcast_in_dim3A_760 = vector.broadcast %jit3A_759 : i32 to vector<16xi32>
      %select_n3A_761 = arith.select %eq3A_754, %get3A_758, %broadcast_in_dim3A_760 : vector<16xi1>, vector<16xi32>
      %reduce_sum3A_762 = arith.constant true
      %reduce_sum3A_763 = vector.broadcast %reduce_sum3A_762 : i1 to vector<16xi1>
      %reduce_sum3A_764 = tpu.scan <sum>, %select_n3A_761 masked %reduce_sum3A_763 : vector<16xi32>, vector<16xi1> -> vector<16xi32>
      %reduce_sum3A_765 = vector.extract %reduce_sum3A_764[15] : i32 from vector<16xi32>
      %get3A_766 = arith.constant 1 : i32
      %get3A_767 = arith.index_cast %get3A_766 : i32 to index
      %get3A_768 = arith.constant 0 : index
      %get3A_769 = tpu.vector_load %arg6[%get3A_767, %get3A_768] {strides = array<i32>} : memref<2x16xi32, #tpu.memory_space<vmem>>, vector<16xi32>,
      %jit3A_770 = arith.constant 0 : i32
      %broadcast_in_dim3A_771 = vector.broadcast %jit3A_770 : i32 to vector<16xi32>
      %select_n3A_772 = arith.select %eq3A_754, %get3A_769, %broadcast_in_dim3A_771 : vector<16xi1>, vector<16xi32>
      %reduce_sum3A_773 = arith.constant true
      %reduce_sum3A_774 = vector.broadcast %reduce_sum3A_773 : i1 to vector<16xi1>
      %reduce_sum3A_775 = tpu.scan <sum>, %select_n3A_772 masked %reduce_sum3A_774 : vector<16xi32>, vector<16xi1> -> vector<16xi32>
      %reduce_sum3A_776 = vector.extract %reduce_sum3A_775[15] : i32 from vector<16xi32>
      %mul3A_777 = arith.constant 96 : i32
      %mul3A_778 = arith.muli %select_n3A_712, %mul3A_777 : i32
      %add3A_779 = arith.addi %reduce_sum3A_765, %mul3A_778 : i32
      %jit3A_780 = arith.constant 8 : i32
      %div3A_781 = arith.divsi %add3A_779, %jit3A_780 : i32
      %sign3A_782 = arith.constant 0 : i32
      %sign3A_783 = arith.cmpi sgt, %add3A_779, %sign3A_782 : i32
      %sign3A_784 = arith.extui %sign3A_783 : i1 to i32
      %sign3A_785 = arith.constant 0 : i32
      %sign3A_786 = arith.cmpi slt, %add3A_779, %sign3A_785 : i32
      %sign3A_787 = arith.extui %sign3A_786 : i1 to i32
      %sign3A_788 = arith.subi %sign3A_784, %sign3A_787 : i32
      %sign3A_789 = arith.constant 0 : i32
      %sign3A_790 = arith.cmpi sgt, %jit3A_780, %sign3A_789 : i32
      %sign3A_791 = arith.extui %sign3A_790 : i1 to i32
      %sign3A_792 = arith.constant 0 : i32
      %sign3A_793 = arith.cmpi slt, %jit3A_780, %sign3A_792 : i32
      %sign3A_794 = arith.extui %sign3A_793 : i1 to i32
      %sign3A_795 = arith.subi %sign3A_791, %sign3A_794 : i32
      %ne3A_796 = arith.cmpi ne, %sign3A_788, %sign3A_795 : i32
      %rem3A_797 = arith.remsi %add3A_779, %jit3A_780 : i32
      %ne3A_798 = arith.constant 0 : i32
      %ne3A_799 = arith.cmpi ne, %rem3A_797, %ne3A_798 : i32
      %and3A_800 = arith.andi %ne3A_796, %ne3A_799 : i1
      %sub3A_801 = arith.constant 1 : i32
      %sub3A_802 = arith.subi %div3A_781, %sub3A_801 : i32
      %select_n3A_803 = arith.select %and3A_800, %sub3A_802, %div3A_781 : i32
      %mul3A_804 = arith.constant 8 : i32
      %mul3A_805 = arith.muli %select_n3A_803, %mul3A_804 : i32
      %min3A_806 = arith.constant 120 : i32
      %min3A_807 = arith.minsi %mul3A_805, %min3A_806 : i32
      %multiple_of3A_808 = tpu.assume_multiple %min3A_807, 8 : i32
      %sub3A_809 = arith.subi %add3A_779, %multiple_of3A_808 : i32
      %add3A_810 = arith.constant 0 : i32
      %add3A_811 = arith.addi %add3A_810, %reduce_sum3A_776 : i32
      %add3A_812 = vector.broadcast %add3A_811 : i32 to vector<16xi32>
      %add3A_813 = arith.addi %add3A_812, %iota3A : vector<16xi32>
      %add3A_814 = arith.constant 16 : i32
      %add3A_815 = arith.addi %add3A_814, %reduce_sum3A_776 : i32
      %add3A_816 = vector.broadcast %add3A_815 : i32 to vector<16xi32>
      %add3A_817 = arith.addi %add3A_816, %iota3A : vector<16xi32>
      %add3A_818 = arith.constant 32 : i32
      %add3A_819 = arith.addi %add3A_818, %reduce_sum3A_776 : i32
      %add3A_820 = vector.broadcast %add3A_819 : i32 to vector<16xi32>
      %add3A_821 = arith.addi %add3A_820, %iota3A : vector<16xi32>
      %add3A_822 = arith.constant 48 : i32
      %add3A_823 = arith.addi %add3A_822, %reduce_sum3A_776 : i32
      %add3A_824 = vector.broadcast %add3A_823 : i32 to vector<16xi32>
      %add3A_825 = arith.addi %add3A_824, %iota3A : vector<16xi32>
      %add3A_826 = arith.constant 64 : i32
      %add3A_827 = arith.addi %add3A_826, %reduce_sum3A_776 : i32
      %add3A_828 = vector.broadcast %add3A_827 : i32 to vector<16xi32>
      %add3A_829 = arith.addi %add3A_828, %iota3A : vector<16xi32>
      %add3A_830 = arith.constant 80 : i32
      %add3A_831 = arith.addi %add3A_830, %reduce_sum3A_776 : i32
      %add3A_832 = vector.broadcast %add3A_831 : i32 to vector<16xi32>
      %add3A_833 = arith.addi %add3A_832, %iota3A : vector<16xi32>
      %add3A_834 = arith.constant 96 : i32
      %add3A_835 = arith.addi %add3A_834, %reduce_sum3A_776 : i32
      %add3A_836 = vector.broadcast %add3A_835 : i32 to vector<16xi32>
      %add3A_837 = arith.addi %add3A_836, %iota3A : vector<16xi32>
      %add3A_838 = arith.constant 112 : i32
      %add3A_839 = arith.addi %add3A_838, %reduce_sum3A_776 : i32
      %add3A_840 = vector.broadcast %add3A_839 : i32 to vector<16xi32>
      %add3A_841 = arith.addi %add3A_840, %iota3A : vector<16xi32>
      %add3A_842 = arith.constant 128 : i32
      %add3A_843 = arith.addi %add3A_842, %reduce_sum3A_776 : i32
      %add3A_844 = vector.broadcast %add3A_843 : i32 to vector<16xi32>
      %add3A_845 = arith.addi %add3A_844, %iota3A : vector<16xi32>
      %add3A_846 = arith.constant 144 : i32
      %add3A_847 = arith.addi %add3A_846, %reduce_sum3A_776 : i32
      %add3A_848 = vector.broadcast %add3A_847 : i32 to vector<16xi32>
      %add3A_849 = arith.addi %add3A_848, %iota3A : vector<16xi32>
      %add3A_850 = arith.constant 160 : i32
      %add3A_851 = arith.addi %add3A_850, %reduce_sum3A_776 : i32
      %add3A_852 = vector.broadcast %add3A_851 : i32 to vector<16xi32>
      %add3A_853 = arith.addi %add3A_852, %iota3A : vector<16xi32>
      %add3A_854 = arith.constant 176 : i32
      %add3A_855 = arith.addi %add3A_854, %reduce_sum3A_776 : i32
      %add3A_856 = vector.broadcast %add3A_855 : i32 to vector<16xi32>
      %add3A_857 = arith.addi %add3A_856, %iota3A : vector<16xi32>
      %parallel_loop3A_858 = arith.constant 0 : i32
      %parallel_loop3A_859 = arith.constant 96 : i32
      %parallel_loop3A_860 = arith.constant 1 : i32
      scf.for %parallel_loop3A_1007 = %parallel_loop3A_858 to %parallel_loop3A_859 step %parallel_loop3A_860  : i32 {
        %parallel_loop3A_1008 = arith.addi %parallel_loop3A_1007, %sub3A_809 : i32
        %parallel_loop3A_1009 = vector.broadcast %parallel_loop3A_1008 : i32 to vector<16xi32>
        %parallel_loop3A_1010 = tpu.vector_load_idx %arg8[%parallel_loop3A_1009, %add3A_813] : memref<104x224xf32, #tpu.memory_space<vmem>>[vector<16xi32>, vector<16xi32>], vector<16xf32>,
        %parallel_loop3A_1011 = arith.index_cast %parallel_loop3A_1007 : i32 to index
        %parallel_loop3A_1012 = arith.constant 0 : index
        %parallel_loop3A_1013 = tpu.vector_load %arg10[%parallel_loop3A_1011, %parallel_loop3A_1012] {strides = array<i32>} : memref<96x192xf32, #tpu.memory_space<vmem>>, vector<16xf32>,
        tpu.vector_store %arg10[%parallel_loop3A_1011, %parallel_loop3A_1012], %parallel_loop3A_1010 {strides = array<i32>} : memref<96x192xf32, #tpu.memory_space<vmem>>, vector<16xf32>,
        %parallel_loop3A_1014 = tpu.vector_load_idx %arg8[%parallel_loop3A_1009, %add3A_817] : memref<104x224xf32, #tpu.memory_space<vmem>>[vector<16xi32>, vector<16xi32>], vector<16xf32>,
        %parallel_loop3A_1015 = arith.index_cast %parallel_loop3A_1007 : i32 to index
        %parallel_loop3A_1016 = arith.constant 16 : index
        %parallel_loop3A_1017 = tpu.vector_load %arg10[%parallel_loop3A_1015, %parallel_loop3A_1016] {strides = array<i32>} : memref<96x192xf32, #tpu.memory_space<vmem>>, vector<16xf32>,
        tpu.vector_store %arg10[%parallel_loop3A_1015, %parallel_loop3A_1016], %parallel_loop3A_1014 {strides = array<i32>} : memref<96x192xf32, #tpu.memory_space<vmem>>, vector<16xf32>,
        %parallel_loop3A_1018 = tpu.vector_load_idx %arg8[%parallel_loop3A_1009, %add3A_821] : memref<104x224xf32, #tpu.memory_space<vmem>>[vector<16xi32>, vector<16xi32>], vector<16xf32>,
        %parallel_loop3A_1019 = arith.index_cast %parallel_loop3A_1007 : i32 to index
        %parallel_loop3A_1020 = arith.constant 32 : index
        %parallel_loop3A_1021 = tpu.vector_load %arg10[%parallel_loop3A_1019, %parallel_loop3A_1020] {strides = array<i32>} : memref<96x192xf32, #tpu.memory_space<vmem>>, vector<16xf32>,
        tpu.vector_store %arg10[%parallel_loop3A_1019, %parallel_loop3A_1020], %parallel_loop3A_1018 {strides = array<i32>} : memref<96x192xf32, #tpu.memory_space<vmem>>, vector<16xf32>,
        %parallel_loop3A_1022 = tpu.vector_load_idx %arg8[%parallel_loop3A_1009, %add3A_825] : memref<104x224xf32, #tpu.memory_space<vmem>>[vector<16xi32>, vector<16xi32>], vector<16xf32>,
        %parallel_loop3A_1023 = arith.index_cast %parallel_loop3A_1007 : i32 to index
        %parallel_loop3A_1024 = arith.constant 48 : index
        %parallel_loop3A_1025 = tpu.vector_load %arg10[%parallel_loop3A_1023, %parallel_loop3A_1024] {strides = array<i32>} : memref<96x192xf32, #tpu.memory_space<vmem>>, vector<16xf32>,
        tpu.vector_store %arg10[%parallel_loop3A_1023, %parallel_loop3A_1024], %parallel_loop3A_1022 {strides = array<i32>} : memref<96x192xf32, #tpu.memory_space<vmem>>, vector<16xf32>,
        %parallel_loop3A_1026 = tpu.vector_load_idx %arg8[%parallel_loop3A_1009, %add3A_829] : memref<104x224xf32, #tpu.memory_space<vmem>>[vector<16xi32>, vector<16xi32>], vector<16xf32>,
        %parallel_loop3A_1027 = arith.index_cast %parallel_loop3A_1007 : i32 to index
        %parallel_loop3A_1028 = arith.constant 64 : index
        %parallel_loop3A_1029 = tpu.vector_load %arg10[%parallel_loop3A_1027, %parallel_loop3A_1028] {strides = array<i32>} : memref<96x192xf32, #tpu.memory_space<vmem>>, vector<16xf32>,
        tpu.vector_store %arg10[%parallel_loop3A_1027, %parallel_loop3A_1028], %parallel_loop3A_1026 {strides = array<i32>} : memref<96x192xf32, #tpu.memory_space<vmem>>, vector<16xf32>,
        %parallel_loop3A_1030 = tpu.vector_load_idx %arg8[%parallel_loop3A_1009, %add3A_833] : memref<104x224xf32, #tpu.memory_space<vmem>>[vector<16xi32>, vector<16xi32>], vector<16xf32>,
        %parallel_loop3A_1031 = arith.index_cast %parallel_loop3A_1007 : i32 to index
        %parallel_loop3A_1032 = arith.constant 80 : index
        %parallel_loop3A_1033 = tpu.vector_load %arg10[%parallel_loop3A_1031, %parallel_loop3A_1032] {strides = array<i32>} : memref<96x192xf32, #tpu.memory_space<vmem>>, vector<16xf32>,
        tpu.vector_store %arg10[%parallel_loop3A_1031, %parallel_loop3A_1032], %parallel_loop3A_1030 {strides = array<i32>} : memref<96x192xf32, #tpu.memory_space<vmem>>, vector<16xf32>,
        %parallel_loop3A_1034 = tpu.vector_load_idx %arg8[%parallel_loop3A_1009, %add3A_837] : memref<104x224xf32, #tpu.memory_space<vmem>>[vector<16xi32>, vector<16xi32>], vector<16xf32>,
        %parallel_loop3A_1035 = arith.index_cast %parallel_loop3A_1007 : i32 to index
        %parallel_loop3A_1036 = arith.constant 96 : index
        %parallel_loop3A_1037 = tpu.vector_load %arg10[%parallel_loop3A_1035, %parallel_loop3A_1036] {strides = array<i32>} : memref<96x192xf32, #tpu.memory_space<vmem>>, vector<16xf32>,
        tpu.vector_store %arg10[%parallel_loop3A_1035, %parallel_loop3A_1036], %parallel_loop3A_1034 {strides = array<i32>} : memref<96x192xf32, #tpu.memory_space<vmem>>, vector<16xf32>,
        %parallel_loop3A_1038 = tpu.vector_load_idx %arg8[%parallel_loop3A_1009, %add3A_841] : memref<104x224xf32, #tpu.memory_space<vmem>>[vector<16xi32>, vector<16xi32>], vector<16xf32>,
        %parallel_loop3A_1039 = arith.index_cast %parallel_loop3A_1007 : i32 to index
        %parallel_loop3A_1040 = arith.constant 112 : index
        %parallel_loop3A_1041 = tpu.vector_load %arg10[%parallel_loop3A_1039, %parallel_loop3A_1040] {strides = array<i32>} : memref<96x192xf32, #tpu.memory_space<vmem>>, vector<16xf32>,
        tpu.vector_store %arg10[%parallel_loop3A_1039, %parallel_loop3A_1040], %parallel_loop3A_1038 {strides = array<i32>} : memref<96x192xf32, #tpu.memory_space<vmem>>, vector<16xf32>,
        %parallel_loop3A_1042 = tpu.vector_load_idx %arg8[%parallel_loop3A_1009, %add3A_845] : memref<104x224xf32, #tpu.memory_space<vmem>>[vector<16xi32>, vector<16xi32>], vector<16xf32>,
        %parallel_loop3A_1043 = arith.index_cast %parallel_loop3A_1007 : i32 to index
        %parallel_loop3A_1044 = arith.constant 128 : index
        %parallel_loop3A_1045 = tpu.vector_load %arg10[%parallel_loop3A_1043, %parallel_loop3A_1044] {strides = array<i32>} : memref<96x192xf32, #tpu.memory_space<vmem>>, vector<16xf32>,
        tpu.vector_store %arg10[%parallel_loop3A_1043, %parallel_loop3A_1044], %parallel_loop3A_1042 {strides = array<i32>} : memref<96x192xf32, #tpu.memory_space<vmem>>, vector<16xf32>,
        %parallel_loop3A_1046 = tpu.vector_load_idx %arg8[%parallel_loop3A_1009, %add3A_849] : memref<104x224xf32, #tpu.memory_space<vmem>>[vector<16xi32>, vector<16xi32>], vector<16xf32>,
        %parallel_loop3A_1047 = arith.index_cast %parallel_loop3A_1007 : i32 to index
        %parallel_loop3A_1048 = arith.constant 144 : index
        %parallel_loop3A_1049 = tpu.vector_load %arg10[%parallel_loop3A_1047, %parallel_loop3A_1048] {strides = array<i32>} : memref<96x192xf32, #tpu.memory_space<vmem>>, vector<16xf32>,
        tpu.vector_store %arg10[%parallel_loop3A_1047, %parallel_loop3A_1048], %parallel_loop3A_1046 {strides = array<i32>} : memref<96x192xf32, #tpu.memory_space<vmem>>, vector<16xf32>,
        %parallel_loop3A_1050 = tpu.vector_load_idx %arg8[%parallel_loop3A_1009, %add3A_853] : memref<104x224xf32, #tpu.memory_space<vmem>>[vector<16xi32>, vector<16xi32>], vector<16xf32>,
        %parallel_loop3A_1051 = arith.index_cast %parallel_loop3A_1007 : i32 to index
        %parallel_loop3A_1052 = arith.constant 160 : index
        %parallel_loop3A_1053 = tpu.vector_load %arg10[%parallel_loop3A_1051, %parallel_loop3A_1052] {strides = array<i32>} : memref<96x192xf32, #tpu.memory_space<vmem>>, vector<16xf32>,
        tpu.vector_store %arg10[%parallel_loop3A_1051, %parallel_loop3A_1052], %parallel_loop3A_1050 {strides = array<i32>} : memref<96x192xf32, #tpu.memory_space<vmem>>, vector<16xf32>,
        %parallel_loop3A_1054 = tpu.vector_load_idx %arg8[%parallel_loop3A_1009, %add3A_857] : memref<104x224xf32, #tpu.memory_space<vmem>>[vector<16xi32>, vector<16xi32>], vector<16xf32>,
        %parallel_loop3A_1055 = arith.index_cast %parallel_loop3A_1007 : i32 to index
        %parallel_loop3A_1056 = arith.constant 176 : index
        %parallel_loop3A_1057 = tpu.vector_load %arg10[%parallel_loop3A_1055, %parallel_loop3A_1056] {strides = array<i32>} : memref<96x192xf32, #tpu.memory_space<vmem>>, vector<16xf32>,
        tpu.vector_store %arg10[%parallel_loop3A_1055, %parallel_loop3A_1056], %parallel_loop3A_1054 {strides = array<i32>} : memref<96x192xf32, #tpu.memory_space<vmem>>, vector<16xf32>,
      } {sc.loop_unroll_factor = 2 : i64, sc.parallel_access}
      %add3A_861 = arith.addi %mul3A_2, %add3A_161 : i32
      %jit3A_862 = arith.constant 2 : i32
      %div3A_863 = arith.divsi %add3A_861, %jit3A_862 : i32
      %sign3A_864 = arith.constant 0 : i32
      %sign3A_865 = arith.cmpi sgt, %add3A_861, %sign3A_864 : i32
      %sign3A_866 = arith.extui %sign3A_865 : i1 to i32
      %sign3A_867 = arith.constant 0 : i32
      %sign3A_868 = arith.cmpi slt, %add3A_861, %sign3A_867 : i32
      %sign3A_869 = arith.extui %sign3A_868 : i1 to i32
      %sign3A_870 = arith.subi %sign3A_866, %sign3A_869 : i32
      %sign3A_871 = arith.constant 0 : i32
      %sign3A_872 = arith.cmpi sgt, %jit3A_862, %sign3A_871 : i32
      %sign3A_873 = arith.extui %sign3A_872 : i1 to i32
      %sign3A_874 = arith.constant 0 : i32
      %sign3A_875 = arith.cmpi slt, %jit3A_862, %sign3A_874 : i32
      %sign3A_876 = arith.extui %sign3A_875 : i1 to i32
      %sign3A_877 = arith.subi %sign3A_873, %sign3A_876 : i32
      %ne3A_878 = arith.cmpi ne, %sign3A_870, %sign3A_877 : i32
      %rem3A_879 = arith.remsi %add3A_861, %jit3A_862 : i32
      %ne3A_880 = arith.constant 0 : i32
      %ne3A_881 = arith.cmpi ne, %rem3A_879, %ne3A_880 : i32
      %and3A_882 = arith.andi %ne3A_878, %ne3A_881 : i1
      %sub3A_883 = arith.constant 1 : i32
      %sub3A_884 = arith.subi %div3A_863, %sub3A_883 : i32
      %select_n3A_885 = arith.select %and3A_882, %sub3A_884, %div3A_863 : i32
      %jit3A_886 = arith.constant 2 : i32
      %eq3A_887 = arith.constant 0 : i32
      %eq3A_888 = arith.cmpi eq, %jit3A_886, %eq3A_887 : i32
      %jit3A_889 = arith.constant 1 : i32
      %select_n3A_890 = arith.select %eq3A_888, %jit3A_889, %jit3A_886 : i32
      %rem3A_891 = arith.remsi %add3A_861, %select_n3A_890 : i32
      %ne3A_892 = arith.constant 0 : i32
      %ne3A_893 = arith.cmpi ne, %rem3A_891, %ne3A_892 : i32
      %lt3A_894 = arith.constant 0 : i32
      %lt3A_895 = arith.cmpi slt, %rem3A_891, %lt3A_894 : i32
      %lt3A_896 = arith.constant 0 : i32
      %lt3A_897 = arith.cmpi slt, %select_n3A_890, %lt3A_896 : i32
      %ne3A_898 = arith.xori %lt3A_895, %lt3A_897 : i1
      %and3A_899 = arith.andi %ne3A_898, %ne3A_893 : i1
      %add3A_900 = arith.addi %rem3A_891, %select_n3A_890 : i32
      %select_n3A_901 = arith.select %and3A_899, %add3A_900, %rem3A_891 : i32
      %jit3A_902 = arith.constant 96 : i32
      %div3A_903 = arith.divsi %select_n3A_885, %jit3A_902 : i32
      %sign3A_904 = arith.constant 0 : i32
      %sign3A_905 = arith.cmpi sgt, %select_n3A_885, %sign3A_904 : i32
      %sign3A_906 = arith.extui %sign3A_905 : i1 to i32
      %sign3A_907 = arith.constant 0 : i32
      %sign3A_908 = arith.cmpi slt, %select_n3A_885, %sign3A_907 : i32
      %sign3A_909 = arith.extui %sign3A_908 : i1 to i32
      %sign3A_910 = arith.subi %sign3A_906, %sign3A_909 : i32
      %sign3A_911 = arith.constant 0 : i32
      %sign3A_912 = arith.cmpi sgt, %jit3A_902, %sign3A_911 : i32
      %sign3A_913 = arith.extui %sign3A_912 : i1 to i32
      %sign3A_914 = arith.constant 0 : i32
      %sign3A_915 = arith.cmpi slt, %jit3A_902, %sign3A_914 : i32
      %sign3A_916 = arith.extui %sign3A_915 : i1 to i32
      %sign3A_917 = arith.subi %sign3A_913, %sign3A_916 : i32
      %ne3A_918 = arith.cmpi ne, %sign3A_910, %sign3A_917 : i32
      %rem3A_919 = arith.remsi %select_n3A_885, %jit3A_902 : i32
      %ne3A_920 = arith.constant 0 : i32
      %ne3A_921 = arith.cmpi ne, %rem3A_919, %ne3A_920 : i32
      %and3A_922 = arith.andi %ne3A_918, %ne3A_921 : i1
      %sub3A_923 = arith.constant 1 : i32
      %sub3A_924 = arith.subi %div3A_903, %sub3A_923 : i32
      %select_n3A_925 = arith.select %and3A_922, %sub3A_924, %div3A_903 : i32
      %jit3A_926 = arith.constant 96 : i32
      %eq3A_927 = arith.constant 0 : i32
      %eq3A_928 = arith.cmpi eq, %jit3A_926, %eq3A_927 : i32
      %jit3A_929 = arith.constant 1 : i32
      %select_n3A_930 = arith.select %eq3A_928, %jit3A_929, %jit3A_926 : i32
      %rem3A_931 = arith.remsi %select_n3A_885, %select_n3A_930 : i32
      %ne3A_932 = arith.constant 0 : i32
      %ne3A_933 = arith.cmpi ne, %rem3A_931, %ne3A_932 : i32
      %lt3A_934 = arith.constant 0 : i32
      %lt3A_935 = arith.cmpi slt, %rem3A_931, %lt3A_934 : i32
      %lt3A_936 = arith.constant 0 : i32
      %lt3A_937 = arith.cmpi slt, %select_n3A_930, %lt3A_936 : i32
      %ne3A_938 = arith.xori %lt3A_935, %lt3A_937 : i1
      %and3A_939 = arith.andi %ne3A_938, %ne3A_933 : i1
      %add3A_940 = arith.addi %rem3A_931, %select_n3A_930 : i32
      %select_n3A_941 = arith.select %and3A_939, %add3A_940, %rem3A_931 : i32
      %eq3A_942 = vector.broadcast %select_n3A_925 : i32 to vector<16xi32>
      %eq3A_943 = arith.cmpi eq, %iota3A, %eq3A_942 : vector<16xi32>
      %get3A_944 = arith.constant 0 : i32
      %get3A_945 = arith.index_cast %get3A_944 : i32 to index
      %get3A_946 = arith.constant 0 : index
      %get3A_947 = tpu.vector_load %arg6[%get3A_945, %get3A_946] {strides = array<i32>} : memref<2x16xi32, #tpu.memory_space<vmem>>, vector<16xi32>,
      %jit3A_948 = arith.constant 0 : i32
      %broadcast_in_dim3A_949 = vector.broadcast %jit3A_948 : i32 to vector<16xi32>
      %select_n3A_950 = arith.select %eq3A_943, %get3A_947, %broadcast_in_dim3A_949 : vector<16xi1>, vector<16xi32>
      %reduce_sum3A_951 = arith.constant true
      %reduce_sum3A_952 = vector.broadcast %reduce_sum3A_951 : i1 to vector<16xi1>
      %reduce_sum3A_953 = tpu.scan <sum>, %select_n3A_950 masked %reduce_sum3A_952 : vector<16xi32>, vector<16xi1> -> vector<16xi32>
      %reduce_sum3A_954 = vector.extract %reduce_sum3A_953[15] : i32 from vector<16xi32>
      %get3A_955 = arith.constant 1 : i32
      %get3A_956 = arith.index_cast %get3A_955 : i32 to index
      %get3A_957 = arith.constant 0 : index
      %get3A_958 = tpu.vector_load %arg6[%get3A_956, %get3A_957] {strides = array<i32>} : memref<2x16xi32, #tpu.memory_space<vmem>>, vector<16xi32>,
      %jit3A_959 = arith.constant 0 : i32
      %broadcast_in_dim3A_960 = vector.broadcast %jit3A_959 : i32 to vector<16xi32>
      %select_n3A_961 = arith.select %eq3A_943, %get3A_958, %broadcast_in_dim3A_960 : vector<16xi1>, vector<16xi32>
      %reduce_sum3A_962 = arith.constant true
      %reduce_sum3A_963 = vector.broadcast %reduce_sum3A_962 : i1 to vector<16xi1>
      %reduce_sum3A_964 = tpu.scan <sum>, %select_n3A_961 masked %reduce_sum3A_963 : vector<16xi32>, vector<16xi1> -> vector<16xi32>
      %reduce_sum3A_965 = vector.extract %reduce_sum3A_964[15] : i32 from vector<16xi32>
      %mul3A_966 = arith.constant 96 : i32
      %mul3A_967 = arith.muli %select_n3A_901, %mul3A_966 : i32
      %add3A_968 = arith.addi %reduce_sum3A_954, %mul3A_967 : i32
      %jit3A_969 = arith.constant 8 : i32
      %div3A_970 = arith.divsi %add3A_968, %jit3A_969 : i32
      %sign3A_971 = arith.constant 0 : i32
      %sign3A_972 = arith.cmpi sgt, %add3A_968, %sign3A_971 : i32
      %sign3A_973 = arith.extui %sign3A_972 : i1 to i32
      %sign3A_974 = arith.constant 0 : i32
      %sign3A_975 = arith.cmpi slt, %add3A_968, %sign3A_974 : i32
      %sign3A_976 = arith.extui %sign3A_975 : i1 to i32
      %sign3A_977 = arith.subi %sign3A_973, %sign3A_976 : i32
      %sign3A_978 = arith.constant 0 : i32
      %sign3A_979 = arith.cmpi sgt, %jit3A_969, %sign3A_978 : i32
      %sign3A_980 = arith.extui %sign3A_979 : i1 to i32
      %sign3A_981 = arith.constant 0 : i32
      %sign3A_982 = arith.cmpi slt, %jit3A_969, %sign3A_981 : i32
      %sign3A_983 = arith.extui %sign3A_982 : i1 to i32
      %sign3A_984 = arith.subi %sign3A_980, %sign3A_983 : i32
      %ne3A_985 = arith.cmpi ne, %sign3A_977, %sign3A_984 : i32
      %rem3A_986 = arith.remsi %add3A_968, %jit3A_969 : i32
      %ne3A_987 = arith.constant 0 : i32
      %ne3A_988 = arith.cmpi ne, %rem3A_986, %ne3A_987 : i32
      %and3A_989 = arith.andi %ne3A_985, %ne3A_988 : i1
      %sub3A_990 = arith.constant 1 : i32
      %sub3A_991 = arith.subi %div3A_970, %sub3A_990 : i32
      %select_n3A_992 = arith.select %and3A_989, %sub3A_991, %div3A_970 : i32
      %mul3A_993 = arith.constant 8 : i32
      %mul3A_994 = arith.muli %select_n3A_992, %mul3A_993 : i32
      %min3A_995 = arith.constant 120 : i32
      %min3A_996 = arith.minsi %mul3A_994, %min3A_995 : i32
      %multiple_of3A_997 = tpu.assume_multiple %min3A_996, 8 : i32
      %sub3A_998 = arith.subi %add3A_968, %multiple_of3A_997 : i32
      %mul3A_999 = arith.constant 96 : i32
      %mul3A_1000 = arith.muli %select_n3A_901, %mul3A_999 : i32
      %dma_start3A_1001 = arith.constant 0 : i32
      %dma_start3A_1002 = tpu.memref_slice %arg5[%select_n3A_925, %select_n3A_941, %mul3A_1000, %dma_start3A_1001] : memref<16x96x192x192xf32, #tpu.memory_space<hbm>> -> memref<1x1x96x192xf32, #tpu.memory_space<hbm>>
      %dma_start3A_1003 = tpu.memref_squeeze %dma_start3A_1002 : memref<1x1x96x192xf32, #tpu.memory_space<hbm>> -> memref<96x192xf32, #tpu.memory_space<hbm>>
      %dma_start3A_1004 = arith.constant 0 : i32
      %dma_start3A_1005 = tpu.memref_slice %arg5[%select_n3A_925, %select_n3A_941, %mul3A_1000, %dma_start3A_1004] : memref<16x96x192x192xf32, #tpu.memory_space<hbm>> -> memref<1x1x96x192xf32, #tpu.memory_space<hbm>>
      %dma_start3A_1006 = tpu.memref_squeeze %dma_start3A_1005 : memref<1x1x96x192xf32, #tpu.memory_space<hbm>> -> memref<96x192xf32, #tpu.memory_space<hbm>>
      tpu.enqueue_dma source(%arg10 : memref<96x192xf32, #tpu.memory_space<vmem>>) target(%dma_start3A_1006 : memref<96x192xf32, #tpu.memory_space<hbm>>) target_semaphore(%arg14 : memref<!tpu.dma_semaphore, #tpu.memory_space<semaphore_mem>>)
    }
    %scan3A_137 = arith.constant 48 : i32
    %dma_wait3A = arith.constant 0 : i32
    %dma_wait3A_138 = arith.constant 0 : i32
    %dma_wait3A_139 = arith.constant 0 : i32
    %dma_wait3A_140 = arith.constant 0 : i32
    %dma_wait3A_141 = tpu.memref_slice %arg5[%dma_wait3A, %dma_wait3A_138, %dma_wait3A_139, %dma_wait3A_140] : memref<16x96x192x192xf32, #tpu.memory_space<hbm>> -> memref<1x1x96x192xf32, #tpu.memory_space<hbm>>
    %dma_wait3A_142 = tpu.memref_squeeze %dma_wait3A_141 : memref<1x1x96x192xf32, #tpu.memory_space<hbm>> -> memref<96x192xf32, #tpu.memory_space<hbm>>
    %dma_wait3A_143 = arith.constant 0 : i32
    %dma_wait3A_144 = arith.constant 0 : i32
    %dma_wait3A_145 = tpu.memref_slice %arg5[%dma_wait3A, %dma_wait3A_138, %dma_wait3A_143, %dma_wait3A_144] : memref<16x96x192x192xf32, #tpu.memory_space<hbm>> -> memref<1x1x96x192xf32, #tpu.memory_space<hbm>>
    %dma_wait3A_146 = tpu.memref_squeeze %dma_wait3A_145 : memref<1x1x96x192xf32, #tpu.memory_space<hbm>> -> memref<96x192xf32, #tpu.memory_space<hbm>>
    tpu.wait_dma2 semaphore(%arg13 : memref<!tpu.dma_semaphore, #tpu.memory_space<semaphore_mem>>) src(%arg9 : memref<96x192xf32, #tpu.memory_space<vmem>>) dst(%dma_wait3A_146 : memref<96x192xf32, #tpu.memory_space<hbm>>)
    %dma_wait3A_147 = arith.constant 0 : i32
    %dma_wait3A_148 = arith.constant 0 : i32
    %dma_wait3A_149 = arith.constant 0 : i32
    %dma_wait3A_150 = arith.constant 0 : i32
    %dma_wait3A_151 = tpu.memref_slice %arg5[%dma_wait3A_147, %dma_wait3A_148, %dma_wait3A_149, %dma_wait3A_150] : memref<16x96x192x192xf32, #tpu.memory_space<hbm>> -> memref<1x1x96x192xf32, #tpu.memory_space<hbm>>
    %dma_wait3A_152 = tpu.memref_squeeze %dma_wait3A_151 : memref<1x1x96x192xf32, #tpu.memory_space<hbm>> -> memref<96x192xf32, #tpu.memory_space<hbm>>
    %dma_wait3A_153 = arith.constant 0 : i32
    %dma_wait3A_154 = arith.constant 0 : i32
    %dma_wait3A_155 = tpu.memref_slice %arg5[%dma_wait3A_147, %dma_wait3A_148, %dma_wait3A_153, %dma_wait3A_154] : memref<16x96x192x192xf32, #tpu.memory_space<hbm>> -> memref<1x1x96x192xf32, #tpu.memory_space<hbm>>
    %dma_wait3A_156 = tpu.memref_squeeze %dma_wait3A_155 : memref<1x1x96x192xf32, #tpu.memory_space<hbm>> -> memref<96x192xf32, #tpu.memory_space<hbm>>
    tpu.wait_dma2 semaphore(%arg14 : memref<!tpu.dma_semaphore, #tpu.memory_space<semaphore_mem>>) src(%arg10 : memref<96x192xf32, #tpu.memory_space<vmem>>) dst(%dma_wait3A_156 : memref<96x192xf32, #tpu.memory_space<hbm>>)
    return
  }
}

</mosaic_0001>

<sc_bundles>
// kernel: kernel.3.cloned.1.call-start
scs
__scs_entry_jumppad:
0x0: {  	(pc) =	sbr.rel $0x88, $3  }
0x1: {  	(tag) =	ssettag $0x0;
	lr =	simm.s32 $0x1  }
0x2: {  	[smem:$0x3F9E] =	sst lr;
	_ =	strace $0xD0000000  }
0x3: {  	_ = 	snop  }
0x4: {  	_ = 	snop  }
0x5: {  	_ = 	snop  }
0x6: {  	_ = 	snop  }
0x7: {  	_ = 	snop  }
__scs_overlays_trampoline_lowered:
0x8: {  	[smem:$0x3FAD] =	sst s0  }
0x9: {  	[smem:$0x3FAE] =	sst s1  }
0xa: {  	[smem:$0x3FAF] =	sst s2  }
0xb: {  	[smem:$0x3FB0] =	sst s3  }
0xc: {  	[smem:$0x3FB1] =	sst s4  }
0xd: {  	[smem:$0x3FB2] =	sst s5  }
0xe: {  	[smem:$0x3FB3] =	sst s6  }
0xf: {  	[smem:$0x3FB4] =	sst s7  }
0x10: {  	[smem:$0x3FB5] =	sst s8  }
0x11: {  	[smem:$0x3FB6] =	sst s9;
	s0 =	simm.s32 @!p0 $0x0  }
0x12: {  	s1 =	sld [smem:$0x3F9C];
	s0 =	simm.s32 @p0 $0x1  }
0x13: {  	[smem:$0x3FB7] =	sst s0;
	s0 =	simm.s32 @!p1 $0x0  }
0x14: {  	s2 =	sld [smem:$0x3F9B];
	s0 =	simm.s32 @p1 $0x1  }
0x15: {  	[smem:$0x3FB8] =	sst s0;
	s0 =	simm.s32 @!p2 $0x0  }
0x16: {  	s3 =	sld [smem:$0x3FDB];
	s0 =	simm.s32 @p2 $0x1  }
0x17: {  	s4 =	simm.s32 $0x1BF5;
	[smem:$0x3FBA] =	sst s0  }
0x18: {  	s0 =	sld [smem:$0x3F9D];
	_ =	swait.ge [sflag:s4], $0x0  }
0x19: {  	s7 =	sld [smem:$0x3F9E]  }
0x1a: {  	s8 =	sadd.s32 $0xFFFFE003, lr  }
0x1b: {  	s9 =	sadd.s32 $0xFFFFFEF7, lr;
	s5 =	simm.s32 $0xFFFFFFFF;
	p2 =	slt.u32 s8, $0xFFFFF086  }
0x1c: {  	p1 =	slt.u32 s9, $0xF7A;
	s5 =	simm.s32 @!p2 $0x0  }
0x1d: {  	s5 =	simm.s32 @p1 $0x1;
	p0 =	seq.s32 s7, s2  }
0x1e: {  	s7 =	smul.u32 @!p0 $0xF7A, s2;
	p2 =	seq.s32 @!p0 s5, $0x0  }
0x1f: {  	s9 =	smul.u32 $0xF7A, s1;
	s8 =	simm.s32 @!p0 $0x1BF5;
	p2 =	por !p2, p0  }
0x20: {  	[sflag:s8] =	ssyncset.s32 @!p0 $0xFFFFF086;
	s6 =	sadd.s32 @!p0 s3, s7;
	s7 =	simm.s32 @!p0 $0x108  }
0x21: {  	s3 =	sadd.s32 s3, s9;
	s6 =	sadd.s32 @!p0 $0x88, s6;
	s7 =	simm.s32 @p2 $0x1082  }
0x22: {  	[simem:s7], [sflag:s8] =	dma.local @!p0 [hbm:s6], $0xF7A  }
0x23: {  	s9 =	sor.u32 $0xD0000000, s2;
	s6 =	simm.s32 $0x108;
	_ =	swait.ge @!p0 [sflag:s8], $0x0  }
0x24: {  	s3 =	sadd.s32 $0x88, s3;
	s6 =	simm.s32 @!p1 $0x1082;
	[sflag:s4] =	ssyncset.s32 $0xFFFFF086  }
0x25: {  	[simem:s6], [sflag:s4] =	dma.local [hbm:s3], $0xF7A  }
0x26: {  	[smem:$0x3F9E] =	sst s1;
	(tag) =	ssettag s2;
	_ =	strace s9  }
0x27: {  	s1 =	sld [smem:$0x3FAE]  }
0x28: {  	s2 =	sld [smem:$0x3FAF]  }
0x29: {  	s4 =	sld [smem:$0x3FB1]  }
0x2a: {  	p0 =	seq.s32 s5, $0x0;
	s5 =	sld [smem:$0x3FB2]  }
0x2b: {  	s6 =	sld [smem:$0x3FB3]  }
0x2c: {  	s7 =	sld [smem:$0x3FB4]  }
0x2d: {  	s3 =	simm.s32 $0x108;
	s8 =	sld [smem:$0x3FB5]  }
0x2e: {  	s3 =	simm.s32 @!p0 $0x1082;
	s9 =	sld [smem:$0x3FB6]  }
0x2f: {  	lr =	sadd.s32 s0, s3;
	s0 =	sld [smem:$0x3FAD]  }
0x30: {  	s3 =	sld [smem:$0x3FB0]  }
0x31: {  	[smem:$0x3FB9] =	sst s10  }
0x32: {  	s10 =	sld [smem:$0x3FB7];
	_ =	sdelay $0x3  }
0x33: {  	p0 =	seq.s32 s10, $0x1;
	s10 =	sld [smem:$0x3FB9];
	_ =	sdelay $0x3  }
0x34: {  	[smem:$0x3FB9] =	sst s10  }
0x35: {  	s10 =	sld [smem:$0x3FB8];
	_ =	sdelay $0x3  }
0x36: {  	p1 =	seq.s32 s10, $0x1;
	s10 =	sld [smem:$0x3FB9];
	_ =	sdelay $0x3  }
0x37: {  	[smem:$0x3FB9] =	sst s10  }
0x38: {  	s10 =	sld [smem:$0x3FBA]  }
0x39: {  	_ = 	snop;
	(pc) =	sbr.ind lr, $3  }
0x3a: {  	_ = 	snop  }
0x3b: {  	_ = 	snop  }
0x3c: {  	p2 =	seq.s32 s10, $0x1;
	s10 =	sld [smem:$0x3FB9]  }
0x3d: {  	_ =	shalt  }
0x3e: {  	_ =	shalt  }
0x3f: {  	_ =	shalt  }
0x40: {  	_ =	shalt  }
0x41: {  	_ =	shalt  }
0x42: {  	_ =	shalt  }
0x43: {  	_ =	shalt  }
0x44: {  	_ =	shalt  }
0x45: {  	_ =	shalt  }
0x46: {  	_ =	shalt  }
0x47: {  	_ =	shalt  }
0x48: {  	_ =	shalt  }
0x49: {  	_ =	shalt  }
0x4a: {  	_ =	shalt  }
0x4b: {  	_ =	shalt  }
0x4c: {  	_ =	shalt  }
0x4d: {  	_ =	shalt  }
0x4e: {  	_ =	shalt  }
0x4f: {  	_ =	shalt  }
0x50: {  	_ =	shalt  }
0x51: {  	_ =	shalt  }
0x52: {  	_ =	shalt  }
0x53: {  	_ =	shalt  }
0x54: {  	_ =	shalt  }
0x55: {  	_ =	shalt  }
0x56: {  	_ =	shalt  }
0x57: {  	_ =	shalt  }
0x58: {  	_ =	shalt  }
0x59: {  	_ =	shalt  }
0x5a: {  	_ =	shalt  }
0x5b: {  	_ =	shalt  }
0x5c: {  	_ =	shalt  }
0x5d: {  	_ =	shalt  }
0x5e: {  	_ =	shalt  }
0x5f: {  	_ =	shalt  }
0x60: {  	_ =	shalt  }
0x61: {  	_ =	shalt  }
0x62: {  	_ =	shalt  }
0x63: {  	_ =	shalt  }
0x64: {  	_ =	shalt  }
0x65: {  	_ =	shalt  }
0x66: {  	_ =	shalt  }
0x67: {  	_ =	shalt  }
0x68: {  	_ =	shalt  }
0x69: {  	_ =	shalt  }
0x6a: {  	_ =	shalt  }
0x6b: {  	_ =	shalt  }
0x6c: {  	_ =	shalt  }
0x6d: {  	_ =	shalt  }
0x6e: {  	_ =	shalt  }
0x6f: {  	_ =	shalt  }
0x70: {  	_ =	shalt  }
0x71: {  	_ =	shalt  }
0x72: {  	_ =	shalt  }
0x73: {  	_ =	shalt  }
0x74: {  	_ =	shalt  }
0x75: {  	_ =	shalt  }
0x76: {  	_ =	shalt  }
0x77: {  	_ =	shalt  }
0x78: {  	_ =	shalt  }
0x79: {  	_ =	shalt  }
0x7a: {  	_ =	shalt  }
0x7b: {  	_ =	shalt  }
0x7c: {  	_ =	shalt  }
0x7d: {  	_ =	shalt  }
0x7e: {  	_ =	shalt  }
0x7f: {  	_ =	shalt  }
0x80: {  	_ =	shalt  }
0x81: {  	_ =	shalt  }
0x82: {  	_ =	shalt  }
0x83: {  	_ =	shalt  }
0x84: {  	_ =	shalt  }
0x85: {  	_ =	shalt  }
0x86: {  	_ =	shalt  }
0x87: {  	_ =	shalt  }
.Lfunc_end0:
.L_simem_size_0:
called_computation_lowered:
.L_overlay_start_0:
0x88: {  	s2 =	sld [smem:$0x3FD9]  }
0x89: {  	s3 =	sld [smem:$0x3FFE];
	_ =	sdelay $0x1  }
0x8a: {  	s1 =	srdreg.scid  }
0x8b: {  	s0 =	sand.u32 $0x1, s1  }
0x8c: {  	s18 =	sshll.u32 s0, $0xA;
	s2 =	sadd.s32 s3, s2  }
0x8d: {  	s2 =	sadd.s32 s2, s18  }
0x8e: {  	[smem:$0x3FC5] =	sst s2  }
0x8f: {  	_ = 	snop  }
0x90: {  	s2 =	sld [smem:$0x3FC9]  }
0x91: {  	s19 =	sld [smem:$0x3FC8]  }
0x92: {  	s4 =	sld [smem:$0x3FC7]  }
0x93: {  	s5 =	sld [smem:$0x3FD0];
	(tm) =	ssettm $0x1  }
0x94: {  	s6 =	sld [smem:$0x3FFB];
	_ =	sdelay $0x3  }
0x95: {  	_ =	strace s6  }
0x96: {  	s6 =	sld [smem:$0x3FFC];
	_ =	sdelay $0x3  }
0x97: {  	_ =	strace s6  }
0x98: {  	s6 =	sld [smem:$0x3FFD];
	_ =	sdelay $0x3  }
0x99: {  	_ =	strace s6  }
0x9a: {  	_ =	strace $0x8FFFFFFF  }
0x9b: {  	s20 =	sld [smem:$0x3FDB];
	_ =	sdelay $0x1  }
0x9c: {  	s7 =	simm.s32 $_scs_section_size  }
0x9d: {  	s8 =	simm.s32 $_size__tile_overlayer_lowered;
	s9 =	simm.s32 $_tile_overlayer_lowered  }
0x9e: {  	s23 =	simm.s32 $0x1BFF;
	s22 =	sshll.u32 s9, $0x1;
	s6 =	sadd.s32 s7, s20  }
0x9f: {  	s10 =	simm.s32 $0x0;
	s21 =	sshll.u32 s8, $0x1;
	s8 =	sadd.s32 s22, s6  }
0xa0: {  	[timem:s10], [sflag:s23] =	dma.local [hbm:s8], s21  }
0xa1: {  	_ =	swait.ge [sflag:s23], s21  }
0xa2: {  	s7 =	ssub.s32 $0x0, s21;
	[sflag:s23] =	ssyncset.done $0x0  }
0xa3: {  	[sflag:s23] =	ssyncadd.s32 s7;
	_ =	sdelay $0x1  }
0xa4: {  	s24 =	simm.s32 $0x1B8B  }
0xa5: {  	_ =	swait.ge [sflag:s24], $0x1  }
0xa6: {  	[sflag:s24] =	ssyncset.done $0x0  }
0xa7: {  	s25 =	simm.s32 $0x1B8E;
	[sflag:s24] =	ssyncadd.s32 $0xFFFFFFFF  }
0xa8: {  	s26 =	simm.s32 $execute0_lowered;
	[smem:$0x3FD2] =	sst s25  }
0xa9: {  	s7 =	sshll.u32 s26, $0x1;
	_ =	strace $0x80000046;
	[dreg:$0x1] =	wrdreg $0xFFFFFFFF  }
0xaa: {  	s28 =	simm.s32 $_size_execute0_lowered;
	s6 =	sadd.s32 s6, s7;
	[dreg:$0x0] =	wrdreg $0x0  }
0xab: {  	s7 =	sshll.u32 s28, $0x1;
	[dreg:$0x2] =	wrdreg s6  }
0xac: {  	[dreg:$0x3] =	wrdreg s7  }
0xad: {  	[dreg:$0x4] =	wrdreg $0xC0  }
0xae: {  	_ =	task [dreg:s10], $0x5FFFF  }
0xaf: {  	[dreg:$0x1] =	wrdreg $0xFFFFFFFF  }
0xb0: {  	[dreg:$0x0] =	wrdreg $0x60  }
0xb1: {  	[dreg:$0x2] =	wrdreg s2  }
0xb2: {  	[dreg:$0x3] =	wrdreg s19  }
0xb3: {  	[dreg:$0x4] =	wrdreg s4  }
0xb4: {  	[dreg:$0x5] =	wrdreg s5  }
0xb5: {  	[dreg:$0x6] =	wrdreg $0x9  }
0xb6: {  	_ =	task.clear_ibuf [dreg:s10], $0x7FFFF;
	_ =	strace $0x90000046  }
0xb7: {  	s29 =	simm.s32 $0x9;
	_ =	strace $0x80000048  }
0xb8: {  	_ =	swait.ge [sflag:s29], $0x1  }
0xb9: {  	[sflag:s29] =	ssyncadd.s32 $0xFFFFFFFF  }
0xba: {  	_ =	strace $0x90000048  }
0xbb: {  	_ =	sfence  }
0xbc: {  	s30 =	sld [smem:$0x0];
	_ =	sdelay $0x2  }
0xbd: {  	s31 =	sshll.u32 s1, $0xD;
	s1 =	sshrl.u32 s1, $0x2  }
0xbe: {  	s3 =	sand.u32 $0x4000, s31;
	s1 =	sadd.s32 s1, s30  }
0xbf: {  	s0 =	sor.u32 s3, s0;
	s1 =	sshll.u32 s1, $0x11  }
0xc0: {  	s0 =	sor.u32 s1, s0  }
0xc1: {  	s0 =	sadd.s32 $0x8F2B, s0  }
0xc2: {  	[sflag:s0] =	ssyncadd.remote.s32 $0x1  }
0xc3: {  	_ =	sfence.sel $0xFFFF  }
0xc4: {  	[dreg:$0x0] =	wrdreg $0xFFFFFFFF;
	(pc) =	sbr.abs _section_cstart, $3  }
0xc5: {  	[dreg:$0x1] =	wrdreg $0xFFFFFFFF  }
0xc6: {  	_ =	task.clear_ibuf [dreg:s10], $0x2FFFF;
	_ =	strace $0x9FFFFFFF  }
0xc7: {  	(tm) =	ssettm $0x7FFFFFFF  }
tec
execute0_lowered:
.L_overlay_start_1:
0x0: {  	(tag) =	ssettag $0x1  }
0x1: {  	s0 =	srdreg.scid;
	s5 =	stileid.u32  }
0x2: {  	s0 =	sand.u32 $0x1, s0;
	s1 =	sshll.u32 s5, $0x1  }
0x3: {  	s2 =	sor.u32 s0, s1  }
0x4: {  	s1 =	smul.u32 $0x60, s2;
	_ =	sdelay $0x1  }
0x5: {  	s3 =	sshrl.u32 s1, $0x1  }
0x6: {  	s4 =	smul.u32 $0x2AB, s3;
	_ =	sdelay $0x1  }
0x7: {  	s4 =	sshrl.u32 s4, $0x10  }
0x8: {  	s4 =	smul.u32 $0x60, s4;
	_ =	sdelay $0x1  }
0x9: {  	s6 =	rddreg [dreg:$0x3];
	s7 =	simm.s32 $0x0;
	s3 =	ssub.s32 s3, s4  }
0xa: {  	s14 =	simm.s32 $0x100;
	s15 =	simm.s32 $0x6900;
	s3 =	sand.u32 $0xFFF0, s3  }
0xb: {  	s16 =	simm.s32 $0xD100;
	p0 =	seq.s32 s2, $0x0;
	p1 =	sne.s32 s3, $0x0  }
0xc: {  	s17 =	simm.s32 $0x2;
	s18 =	simm.s32 $0x4;
	p0 =	por !p0, !p1  }
0xd: {  	[smem:$0x7FF] =	sst s7;
	s4 =	simm.s32 $0x1;
	p0 =	por !p0, !p0  }
0xe: {  	s0 =	ssub.s32 $0x2, s0;
	s2 =	rddreg [dreg:$0x0];
	s4 =	simm.s32 @!p0 $0x0  }
0xf: {  	s8 =	sshrl.u32 s0, $0x1;
	s3 =	smul.u32 $0xE000, s3;
	s4 =	ssub.s32 s5, s4  }
0x10: {  	s0 =	ssub.s32 s0, s8;
	s31 =	sor.u32 $0x2, s1;
	s5 =	smul.u32 $0x540000, s4  }
0x11: {  	_ =	strace $0x80000047;
	s0 =	smax.u32 s0, $0x1;
	[dreg:$0x6] =	wrdreg s31  }
0x12: {  	v0 =	vlaneseq.u32;
	s19 =	simm.s32 $0x13100;
	[dreg:$0x7] =	wrdreg s0;
	v1 =	vmov s4;
	s3 =	sadd.s32 s3, s5  }
0x13: {  	s8 =	simm.s32 $0x1;
	vm0 =	veq.s32 v1, v0;
	[dreg:$0x5] =	wrdreg s3;
	s3 =	simm.s32 $0x0  }
.LBB2_1:
0x14: {  	[dreg:$0x8] =	wrdreg s3  }
0x15: {  	s0 =	rddreg [dreg:$0x1];
	s25 =	simm.s32 $0x5  }
0x16: {  	[tilespmem:s7], [sflag:$0x5] =	stream.linear.gather [hbm4b:s0+s7], $0x80, $0x38;
	[tilespmem:$0x19100] =	vst v63  }
0x17: {  	_ =	swait.ge [sflag:s25], $0x80  }
0x18: {  	[sflag:s25] =	ssyncset.done $0x0  }
0x19: {  	[sflag:s25] =	ssyncadd.s32 $0xFFFFFF80  }
0x1a: {  	s4 =	simm.s32 $0x80;
	s26 =	rddreg [dreg:$0x2]  }
0x1b: {  	[tilespmem:s4], [sflag:$0x5] =	stream.linear.gather [hbm4b:s26+s7], $0x80, $0x38;
	[tilespmem:$0x19100] =	vst v63  }
0x1c: {  	_ =	swait.ge [sflag:s25], $0x80  }
0x1d: {  	[sflag:s25] =	ssyncset.done $0x0  }
0x1e: {  	[sflag:s25] =	ssyncadd.s32 $0xFFFFFF80  }
0x1f: {  	v1 =	vld [tilespmem:$0x0];
	_ =	sdelay $0x4  }
0x20: {  	v1 =	vnsel vm0, $0x0, v1  }
0x21: {  	(xrf0) =	vadd.scan.msk.s32 $0xffff, v1;
	_ =	sdelay $0x5  }
0x22: {  	v1, _, _ =	vpop (xrf0)  }
0x23: {  	(v2sf) =	vpush v1, $0xF;
	_ =	sdelay $0xe  }
0x24: {  	s28 =	spop (v2sf)  }
0x25: {  	s29 =	sand.u32 $0x7, s28  }
0x26: {  	s30 =	sshra.s32 s28, $0x1F;
	p1 =	slt.s32 s28, $0x1;
	p0 =	sne.s32 s29, $0x0  }
0x27: {  	s3 =	sshrl.u32 s30, $0x1D;
	p0 =	por !p1, !p0  }
0x28: {  	s0 =	sadd.s32 s3, s28;
	s3 =	simm.s32 $0x1;
	p0 =	por !p0, !p0  }
0x29: {  	s0 =	sshrl.u32 s0, $0x3;
	s3 =	simm.s32 @!p0 $0x0  }
0x2a: {  	s0 =	ssub.s32 s0, s3  }
0x2b: {  	s0 =	sshll.u32 s0, $0x3  }
0x2c: {  	p0 =	slt.s32 s0, $0x78  }
0x2d: {  	s0 =	simm.s32 @!p0 $0x78  }
0x2e: {  	s31 =	rddreg [dreg:$0x5];
	s0 =	sshll.u32 s0, $0x8  }
0x2f: {  	s0 =	sadd.s32 s0, s31  }
0x30: {  	s0 =	sshrl.u32 s0, $0x3  }
0x31: {  	s22 =	simm.s32 $0x0;
	s0 =	sadd.s32 s2, s0  }
0x32: {  	[tilespmem:s14], [sflag:$0x1] =	stream.linear.gather [hbm4b:s0+s7], $0x6800, $0x38;
	[tilespmem:$0x19100] =	vst v63  }
.LBB2_2:
0x33: {  	s25 =	sshll.u32 s22, $0x1  }
0x34: {  	s0 =	sadd.s32 s25, s1  }
0x35: {  	s0 =	sadd.s32 $0x1, s0  }
0x36: {  	v1 =	vld [tilespmem:$0x0];
	s3 =	smulhi.u32 $0x2AAAAAAB, s0;
	_ =	sdelay $0x1  }
0x37: {  	s23 =	sshrl.u32 s3, $0x5  }
0x38: {  	v2 =	vmov s23  }
0x39: {  	vm1 =	veq.s32 v2, v0  }
0x3a: {  	v1 =	vnsel vm1, $0x0, v1  }
0x3b: {  	(xrf0) =	vadd.scan.msk.s32 $0xffff, v1;
	_ =	sdelay $0x5  }
0x3c: {  	v1, _, _ =	vpop (xrf0)  }
0x3d: {  	(v2sf) =	vpush v1, $0xF;
	_ =	sdelay $0xe  }
0x3e: {  	s0 =	sshrl.u32 s0, $0x1;
	s12 =	spop (v2sf)  }
0x3f: {  	s4 =	smulhi.u32 $0x2AAAAAAB, s0;
	s5 =	sadd.s32 $0x60, s12;
	s3 =	sand.u32 $0x7, s12  }
0x40: {  	s9 =	sshra.s32 s5, $0x1F;
	p0 =	slt.s32 s5, $0x1;
	p1 =	sne.s32 s3, $0x0  }
0x41: {  	s13 =	sshrl.u32 s4, $0x4;
	s20 =	sshrl.u32 s9, $0x1D;
	p0 =	por !p0, !p1  }
0x42: {  	s4 =	sadd.s32 s20, s5;
	p0 =	por !p0, !p0;
	s5 =	simm.s32 $0x1  }
0x43: {  	s3 =	smul.u32 $0x60, s13;
	s4 =	sshrl.u32 s4, $0x3;
	s5 =	simm.s32 @!p0 $0x0  }
0x44: {  	s4 =	ssub.s32 s4, s5  }
0x45: {  	s21 =	smul.u32 $0x540000, s23;
	s24 =	ssub.s32 s0, s3;
	s3 =	sshll.u32 s4, $0x3  }
0x46: {  	s26 =	smul.u32 $0xE000, s24;
	p0 =	slt.s32 s3, $0x78  }
0x47: {  	s3 =	simm.s32 @!p0 $0x78  }
0x48: {  	s0 =	sadd.s32 s21, s26;
	s3 =	sshll.u32 s3, $0x8  }
0x49: {  	s0 =	sadd.s32 s3, s0  }
0x4a: {  	s0 =	sshrl.u32 s0, $0x3  }
0x4b: {  	s0 =	sadd.s32 s2, s0  }
0x4c: {  	[tilespmem:s15], [sflag:$0x2] =	stream.linear.gather [hbm4b:s0+s7], $0x6800, $0x38;
	[tilespmem:$0x19100] =	vst v63  }
0x4d: {  	_ =	swait.ge [sflag:s8], $0x6800  }
0x4e: {  	p0 =	seq.s32 s22, $0x0;
	[sflag:s8] =	ssyncset.done $0x0  }
0x4f: {  	s0 =	simm.s32 @!p0 $0x3;
	[sflag:s8] =	ssyncadd.s32 $0xFFFF9800  }
0x50: {  	_ =	swait.ge @!p0 [sflag:s0], $0x6000  }
0x51: {  	[sflag:s0] =	ssyncset.done @!p0 $0x0  }
0x52: {  	s28 =	sadd.s32 s1, s25;
	[sflag:s0] =	ssyncadd.s32 @!p0 $0xFFFFA000  }
0x53: {  	s5 =	smulhi.u32 $0x2AAAAAAB, s28;
	v1 =	vld [tilespmem:$0x0];
	_ =	sdelay $0x1  }
0x54: {  	s26 =	sshrl.u32 s5, $0x5  }
0x55: {  	v2 =	vmov s26  }
0x56: {  	vm2 =	veq.s32 v2, v0  }
0x57: {  	v1 =	vnsel vm2, $0x0, v1  }
0x58: {  	(xrf0) =	vadd.scan.msk.s32 $0xffff, v1;
	v1 =	vld [tilespmem:$0x80];
	_ =	sdelay $0x4  }
0x59: {  	v1 =	vnsel vm2, $0x0, v1  }
0x5a: {  	v2, _, _ =	vpop (xrf0);
	(xrf0) =	vadd.scan.msk.s32 $0xffff, v1  }
0x5b: {  	(v2sf) =	vpush v2, $0xF;
	_ =	sdelay $0x4  }
0x5c: {  	v1, _, _ =	vpop (xrf0)  }
0x5d: {  	(v2sf) =	vpush v1, $0xF;
	_ =	sdelay $0x8  }
0x5e: {  	s0 =	spop (v2sf)  }
0x5f: {  	s9 =	sand.u32 $0x7, s0  }
0x60: {  	s10 =	sshra.s32 s0, $0x1F;
	p6 =	slt.s32 s0, $0x1;
	p2 =	sne.s32 s9, $0x0  }
0x61: {  	s11 =	sshrl.u32 s10, $0x1D;
	p1 =	por !p6, !p2  }
0x62: {  	s4 =	simm.s32 $0x1;
	v1 =	vbroadcast v1, $0xF;
	s3 =	sadd.s32 s11, s0;
	p1 =	por !p1, !p1  }
0x63: {  	s3 =	sshrl.u32 s3, $0x3;
	s4 =	simm.s32 @!p1 $0x0  }
0x64: {  	v1 =	vadd.s32 v0, v1;
	s3 =	ssub.s32 s3, s4;
	s4 =	spop (v2sf)  }
0x65: {  	v5 =	vshll.u32 v1, $0x3;
	s12 =	sadd.s32 $0x10, s4  }
0x66: {  	v3 =	vand.u32 $0x7F, v1;
	v5 =	vand.u32 $0xFFFFFC00, v5;
	s13 =	sadd.s32 $0x20, s4;
	s11 =	sadd.s32 $0x30, s4;
	s20 =	sadd.s32 $0x40, s4;
	v2 =	vadd.s32 s12, v0  }
0x67: {  	s21 =	sadd.s32 $0x50, s4;
	s10 =	sadd.s32 $0x60, s4;
	v4 =	vadd.s32 s13, v0;
	v6 =	vadd.s32 s11, v0;
	v9 =	vadd.s32 s20, v0;
	s11 =	sadd.s32 $0x70, s4  }
0x68: {  	v10 =	vadd.s32 s21, v0;
	v14 =	vadd.s32 s10, v0;
	s12 =	sadd.s32 $0x80, s4;
	s13 =	sadd.s32 $0x90, s4;
	s20 =	sadd.s32 $0xA0, s4;
	v16 =	vadd.s32 s11, v0  }
0x69: {  	s3 =	sshll.u32 s3, $0x3;
	s4 =	sadd.s32 $0xB0, s4;
	v17 =	vadd.s32 s12, v0;
	v19 =	vadd.s32 s13, v0;
	v25 =	vadd.s32 s20, v0  }
0x6a: {  	p1 =	slt.s32 s3, $0x78;
	v28 =	vadd.s32 s4, v0;
	v1 =	vshll.u32 v2, $0x3;
	v7 =	vand.u32 $0x7F, v2  }
0x6b: {  	s3 =	simm.s32 @!p1 $0x78;
	v11 =	vand.u32 $0x7F, v4;
	v15 =	vand.u32 $0x7F, v6;
	v2 =	vshll.u32 v6, $0x3  }
0x6c: {  	v21 =	vand.u32 $0x7F, v9;
	v13 =	vand.u32 $0x7F, v10;
	s29 =	ssub.s32 s0, s3;
	v8 =	vand.u32 $0xFFFFFC00, v1  }
0x6d: {  	v1 =	vshll.u32 v4, $0x3;
	v20 =	vand.u32 $0xFFFFFC00, v2;
	v2 =	vshll.u32 v9, $0x3;
	s0 =	sadd.s32 $0xFFFFFFFE, s29  }
0x6e: {  	v9 =	vand.u32 $0x7F, v16;
	v12 =	vand.u32 $0xFFFFFC00, v1;
	v24 =	vand.u32 $0xFFFFFC00, v2;
	s21 =	sadd.s32 $0x3, s0  }
0x6f: {  	v2 =	vshll.u32 v10, $0x3;
	v10 =	vand.u32 $0x7F, v14;
	v1 =	vmov s21  }
0x70: {  	v22 =	vand.u32 $0xFFFFFC00, v2;
	v2 =	vshll.u32 v14, $0x3;
	v4 =	vshll.u32 v1, $0x8  }
0x71: {  	v18 =	vand.u32 $0xFFFFFC00, v2;
	v1 =	vshll.u32 v1, $0x7;
	v27 =	vand.u32 $0xFFFFF800, v4  }
0x72: {  	s0 =	sadd.s32 $0x2, s0;
	v2 =	vshll.u32 v16, $0x3;
	v26 =	vand.u32 $0x380, v1;
	v4 =	vadd.s32 v5, v27  }
0x73: {  	v16 =	vand.u32 $0x7F, v17;
	v1 =	vor.u32 v26, v4;
	v4 =	vmov s0  }
0x74: {  	s3 =	simm.s32 $0x0;
	v14 =	vand.u32 $0xFFFFFC00, v2;
	v1 =	vor.u32 v3, v1;
	v2 =	vshll.u32 v4, $0x8  }
0x75: {  	s10 =	simm.s32 $0x0;
	s0 =	sand.u32 $0x7800, s3;
	v31 =	vand.u32 $0xFFFFF800, v2;
	v2 =	vshll.u32 v4, $0x7;
	v4 =	vadd.s32 v8, v27  }
0x76: {  	s11 =	sadd.s32 $0x0, s29;
	s3 =	sand.u32 $0x300, s10;
	s5 =	sadd.s32 $0xD100, s0;
	v6 =	vadd.s32 v5, v31;
	v34 =	vand.u32 $0x380, v2;
	v2 =	vshll.u32 v17, $0x3  }
0x77: {  	s30 =	sadd.s32 s3, s5;
	s3 =	sadd.s32 $0x2, s11;
	v33 =	vadd.s32 v20, v31;
	v43 =	vadd.s32 v24, v31;
	v35 =	vadd.s32 v22, v31  }
0x78: {  	v45 =	vadd.s32 v14, v31;
	v42 =	vmov s3;
	v23 =	vand.u32 $0xFFFFFC00, v2  }
0x79: {  	v2 =	vand.u32 $0x7F, v25;
	v44 =	vor.u32 v34, v35;
	v29 =	vld.idx.msk [tilespmem:v1+s14+$0x0], $0xffff;
	v1 =	vor.u32 v26, v4  }
0x7a: {  	v39 =	vor.u32 v13, v44;
	v4 =	vor.u32 v34, v6;
	v30 =	vor.u32 v7, v1  }
0x7b: {  	s4 =	simm.s32 $0x80;
	v6 =	vand.u32 $0x7F, v19;
	v32 =	vor.u32 v3, v4;
	v1 =	vshll.u32 v19, $0x3  }
0x7c: {  	s9 =	sand.u32 $0x380, s4;
	v4 =	vshll.u32 v25, $0x3;
	v19 =	vshll.u32 v28, $0x3;
	v25 =	vadd.s32 v12, v27  }
0x7d: {  	s0 =	sadd.s32 s9, s5;
	v17 =	vand.u32 $0xFFFFFC00, v1;
	v4 =	vand.u32 $0xFFFFFC00, v4;
	v1 =	vand.u32 $0x7F, v28  }
0x7e: {  	v28 =	vadd.s32 v8, v31;
	v25 =	vor.u32 v26, v25;
	[tilespmem:s0+$0x0] =	vst v29;
	v29 =	vadd.s32 v12, v31  }
0x7f: {  	v19 =	vand.u32 $0xFFFFFC00, v19;
	v28 =	vor.u32 v34, v28;
	v30 =	vld.idx.msk [tilespmem:v30+s14+$0x0], $0xffff;
	v29 =	vor.u32 v34, v29  }
0x80: {  	v25 =	vor.u32 v11, v25;
	v32 =	vld.idx.msk [tilespmem:v32+s14+$0x0], $0xffff;
	v36 =	vor.u32 v11, v29;
	v29 =	vor.u32 v34, v33  }
0x81: {  	v28 =	vor.u32 v7, v28;
	v37 =	vor.u32 v15, v29;
	v29 =	vor.u32 v34, v43  }
0x82: {  	v47 =	vadd.s32 v17, v31;
	v38 =	vor.u32 v21, v29;
	v29 =	vadd.s32 v20, v27  }
0x83: {  	v48 =	vadd.s32 v4, v31;
	v41 =	vadd.s32 v19, v31;
	v29 =	vor.u32 v26, v29  }
0x84: {  	s12 =	sadd.s32 $0x3, s11;
	v43 =	vshll.u32 v42, $0x8;
	[tilespmem:s0+$0x10] =	vst v30;
	v30 =	vadd.s32 v18, v31;
	v40 =	vor.u32 v15, v29  }
0x85: {  	[tilespmem:s30+$0x0] =	vst v32;
	v29 =	vadd.s32 v23, v31;
	v32 =	vor.u32 v34, v48;
	v31 =	vmov s12;
	v25 =	vld.idx.msk [tilespmem:v25+s14+$0x0], $0xffff  }
0x86: {  	v30 =	vor.u32 v34, v30;
	v46 =	vld.idx.msk [tilespmem:v28+s14+$0x0], $0xffff;
	v28 =	vor.u32 v34, v45;
	v29 =	vor.u32 v34, v29  }
0x87: {  	v33 =	vor.u32 v2, v32;
	v49 =	vshll.u32 v31, $0x8;
	v31 =	vshll.u32 v31, $0x7  }
0x88: {  	v35 =	vor.u32 v10, v30;
	v30 =	vor.u32 v16, v29;
	v32 =	vand.u32 $0xFFFFF800, v49  }
0x89: {  	v29 =	vor.u32 v34, v47;
	v31 =	vand.u32 $0x380, v31;
	v44 =	vadd.s32 v5, v32  }
0x8a: {  	v34 =	vor.u32 v34, v41;
	v50 =	vor.u32 v31, v44;
	[tilespmem:s0+$0x20] =	vst v25;
	v25 =	vadd.s32 v24, v27  }
0x8b: {  	v41 =	vand.u32 $0xFFFFF800, v43;
	v43 =	vor.u32 v3, v50;
	[tilespmem:s30+$0x10] =	vst v46;
	v40 =	vld.idx.msk [tilespmem:v40+s14+$0x0], $0xffff;
	v25 =	vor.u32 v26, v25  }
0x8c: {  	v51 =	vadd.s32 v22, v27;
	v42 =	vshll.u32 v42, $0x7;
	v36 =	vld.idx.msk [tilespmem:v36+s14+$0x0], $0xffff;
	v25 =	vor.u32 v21, v25  }
0x8d: {  	v28 =	vor.u32 v9, v28;
	v29 =	vor.u32 v6, v29;
	v52 =	vadd.s32 v5, v41  }
0x8e: {  	v53 =	vadd.s32 v8, v41;
	v56 =	vadd.s32 v12, v41;
	v44 =	vand.u32 $0x380, v42  }
0x8f: {  	v47 =	vadd.s32 v20, v41;
	v45 =	vor.u32 v44, v52;
	v46 =	vadd.s32 v8, v32  }
0x90: {  	v55 =	vor.u32 v3, v45;
	v46 =	vor.u32 v31, v46;
	v43 =	vld.idx.msk [tilespmem:v43+s14+$0x0], $0xffff;
	[tilespmem:s0+$0x30] =	vst v40  }
0x91: {  	s13 =	simm.s32 $0x200;
	v57 =	vor.u32 v7, v46;
	[tilespmem:s30+$0x20] =	vst v36;
	v40 =	vor.u32 v26, v51;
	v25 =	vld.idx.msk [tilespmem:v25+s14+$0x0], $0xffff  }
0x92: {  	s20 =	simm.s32 $0x180;
	s3 =	sand.u32 $0x7800, s13;
	v58 =	vadd.s32 v24, v41;
	v61 =	vadd.s32 v22, v41;
	v37 =	vld.idx.msk [tilespmem:v37+s14+$0x0], $0xffff;
	v40 =	vor.u32 v13, v40  }
0x93: {  	s4 =	sand.u32 $0x380, s20;
	s3 =	sadd.s32 $0xD100, s3;
	v62 =	vadd.s32 v18, v41;
	v54 =	vor.u32 v44, v53;
	v59 =	vor.u32 v44, v47  }
0x94: {  	s5 =	sadd.s32 s4, s3;
	v50 =	vadd.s32 v12, v32;
	v45 =	vor.u32 v44, v56;
	v56 =	vadd.s32 v14, v27  }
0x95: {  	v60 =	vld.idx.msk [tilespmem:v55+s14+$0x0], $0xffff;
	v36 =	vor.u32 v1, v34;
	v34 =	vor.u32 v7, v54;
	[tilespmem:s5+$0x0] =	vst v43  }
0x96: {  	v54 =	vor.u32 v31, v50;
	v63 =	vld.idx.msk [tilespmem:v57+s14+$0x0], $0xffff;
	[tilespmem:s0+$0x40] =	vst v25;
	v25 =	vadd.s32 v18, v27  }
0x97: {  	s21 =	simm.s32 $0x100;
	v51 =	vor.u32 v11, v54;
	[tilespmem:s30+$0x30] =	vst v37;
	v40 =	vld.idx.msk [tilespmem:v40+s14+$0x0], $0xffff;
	v25 =	vor.u32 v26, v25  }
0x98: {  	s4 =	sand.u32 $0x300, s21;
	v48 =	vor.u32 v11, v45;
	v46 =	vor.u32 v15, v59;
	v38 =	vld.idx.msk [tilespmem:v38+s14+$0x0], $0xffff;
	v25 =	vor.u32 v10, v25  }
0x99: {  	s31 =	sadd.s32 s4, s3;
	v59 =	vadd.s32 v23, v41;
	v55 =	vadd.s32 v14, v41;
	v43 =	vor.u32 v44, v62  }
0x9a: {  	[tilespmem:s31+$0x0] =	vst v60;
	v57 =	vor.u32 v44, v55;
	v45 =	vor.u32 v10, v43;
	v37 =	vor.u32 v44, v58  }
0x9b: {  	s4 =	sadd.s32 $0x2, s29;
	v60 =	vadd.s32 v17, v41;
	v58 =	vld.idx.msk [tilespmem:v34+s14+$0x0], $0xffff;
	v49 =	vor.u32 v21, v37;
	[tilespmem:s5+$0x10] =	vst v63  }
0x9c: {  	s9 =	sadd.s32 $0x2, s4;
	v37 =	vor.u32 v44, v61;
	v61 =	vadd.s32 v20, v32;
	v62 =	vld.idx.msk [tilespmem:v51+s14+$0x0], $0xffff;
	[tilespmem:s0+$0x50] =	vst v40  }
0x9d: {  	v47 =	vmov s9;
	v43 =	vor.u32 v44, v60;
	v52 =	vor.u32 v31, v61;
	[tilespmem:s30+$0x40] =	vst v38;
	v25 =	vld.idx.msk [tilespmem:v25+s14+$0x0], $0xffff  }
0x9e: {  	v34 =	vor.u32 v9, v57;
	v55 =	vor.u32 v15, v52;
	v40 =	vor.u32 v26, v56;
	v39 =	vld.idx.msk [tilespmem:v39+s14+$0x0], $0xffff  }
0x9f: {  	v42 =	vor.u32 v13, v37;
	v63 =	vadd.s32 v4, v41;
	v40 =	vor.u32 v9, v40  }
0xa0: {  	v37 =	vor.u32 v6, v43;
	v61 =	vshll.u32 v47, $0x8;
	v54 =	vor.u32 v44, v63;
	[tilespmem:s31+$0x10] =	vst v58  }
0xa1: {  	v63 =	vadd.s32 v17, v27;
	v51 =	vand.u32 $0xFFFFF800, v61;
	v61 =	vadd.s32 v22, v32;
	[tilespmem:s5+$0x20] =	vst v62  }
0xa2: {  	v58 =	vadd.s32 v24, v32;
	v52 =	vor.u32 v31, v61;
	v38 =	vor.u32 v44, v59;
	[tilespmem:s0+$0x60] =	vst v25  }
0xa3: {  	v47 =	vshll.u32 v47, $0x7;
	v56 =	vadd.s32 v23, v27;
	v60 =	vld.idx.msk [tilespmem:v55+s14+$0x0], $0xffff;
	[tilespmem:s30+$0x50] =	vst v39;
	v39 =	vor.u32 v31, v58  }
0xa4: {  	s3 =	sadd.s32 $0x3, s4;
	v57 =	vor.u32 v26, v56;
	v25 =	vadd.s32 v19, v41;
	v40 =	vld.idx.msk [tilespmem:v40+s14+$0x0], $0xffff;
	v53 =	vor.u32 v21, v39  }
0xa5: {  	v59 =	vmov s3;
	v25 =	vor.u32 v44, v25;
	v44 =	vor.u32 v16, v57;
	v35 =	vld.idx.msk [tilespmem:v35+s14+$0x0], $0xffff  }
0xa6: {  	v43 =	vld.idx.msk [tilespmem:v48+s14+$0x0], $0xffff;
	v52 =	vor.u32 v13, v52;
	v38 =	vor.u32 v16, v38;
	v48 =	vshll.u32 v59, $0x7  }
0xa7: {  	v56 =	vor.u32 v26, v63;
	v63 =	vadd.s32 v20, v51;
	v62 =	vshll.u32 v59, $0x8  }
0xa8: {  	v59 =	vadd.s32 v5, v51;
	v55 =	vadd.s32 v4, v27;
	v27 =	vadd.s32 v19, v27;
	[tilespmem:s5+$0x30] =	vst v60  }
0xa9: {  	v47 =	vand.u32 $0x380, v47;
	v55 =	vor.u32 v26, v55;
	v26 =	vor.u32 v26, v27;
	[tilespmem:s0+$0x70] =	vst v40;
	v53 =	vld.idx.msk [tilespmem:v53+s14+$0x0], $0xffff  }
0xaa: {  	v41 =	vor.u32 v2, v54;
	v39 =	vand.u32 $0xFFFFF800, v62;
	[tilespmem:s30+$0x60] =	vst v35;
	v35 =	vor.u32 v47, v59;
	v57 =	vld.idx.msk [tilespmem:v44+s14+$0x0], $0xffff  }
0xab: {  	v54 =	vadd.s32 v5, v39;
	v40 =	vand.u32 $0x380, v48;
	v35 =	vor.u32 v3, v35  }
0xac: {  	[tilespmem:s31+$0x20] =	vst v43;
	v62 =	vadd.s32 v12, v51;
	v48 =	vor.u32 v6, v56;
	v58 =	vor.u32 v40, v54  }
0xad: {  	v46 =	vld.idx.msk [tilespmem:v46+s14+$0x0], $0xffff;
	v43 =	vor.u32 v47, v62;
	v60 =	vadd.s32 v8, v51;
	v44 =	vor.u32 v3, v58  }
0xae: {  	v50 =	vor.u32 v47, v60;
	v60 =	vadd.s32 v18, v32;
	v28 =	vld.idx.msk [tilespmem:v28+s14+$0x0], $0xffff;
	[tilespmem:s5+$0x40] =	vst v53  }
0xaf: {  	[tilespmem:s0+$0x400] =	vst v57;
	v57 =	vor.u32 v11, v43;
	v43 =	vld.idx.msk [tilespmem:v52+s14+$0x0], $0xffff;
	v52 =	vor.u32 v31, v60  }
0xb0: {  	s10 =	simm.s32 $0x400;
	v55 =	vor.u32 v2, v55;
	v26 =	vor.u32 v1, v26;
	v61 =	vld.idx.msk [tilespmem:v35+s14+$0x0], $0xffff;
	v52 =	vor.u32 v10, v52  }
0xb1: {  	s11 =	simm.s32 $0x280;
	s3 =	sand.u32 $0x7800, s10;
	v25 =	vor.u32 v1, v25;
	v50 =	vor.u32 v7, v50;
	v56 =	vadd.s32 v8, v39;
	v48 =	vld.idx.msk [tilespmem:v48+s14+$0x0], $0xffff  }
0xb2: {  	s4 =	sand.u32 $0x380, s11;
	s12 =	simm.s32 $0x200;
	s3 =	sadd.s32 $0xD100, s3;
	v62 =	vadd.s32 v22, v51;
	[tilespmem:s31+$0x30] =	vst v46;
	v56 =	vor.u32 v40, v56;
	v44 =	vld.idx.msk [tilespmem:v44+s14+$0x0], $0xffff  }
0xb3: {  	s13 =	sadd.s32 s4, s3;
	s4 =	sand.u32 $0x300, s12;
	v59 =	vadd.s32 v24, v51;
	v49 =	vld.idx.msk [tilespmem:v49+s14+$0x0], $0xffff;
	v54 =	vor.u32 v7, v56;
	[tilespmem:s30+$0x70] =	vst v28  }
0xb4: {  	s4 =	sadd.s32 s4, s3;
	v46 =	vor.u32 v47, v59;
	v59 =	vadd.s32 v14, v32;
	v30 =	vld.idx.msk [tilespmem:v30+s14+$0x0], $0xffff;
	[tilespmem:s5+$0x50] =	vst v43  }
0xb5: {  	v58 =	vor.u32 v47, v63;
	v63 =	vadd.s32 v18, v51;
	[tilespmem:s4+$0x0] =	vst v61;
	v52 =	vld.idx.msk [tilespmem:v52+s14+$0x0], $0xffff  }
0xb6: {  	v46 =	vor.u32 v21, v46;
	v27 =	vor.u32 v47, v63;
	[tilespmem:s0+$0x410] =	vst v48;
	v50 =	vld.idx.msk [tilespmem:v50+s14+$0x0], $0xffff  }
0xb7: {  	v53 =	vor.u32 v15, v58;
	v58 =	vadd.s32 v12, v39;
	[tilespmem:s13+$0x0] =	vst v44;
	v48 =	vld.idx.msk [tilespmem:v55+s14+$0x0], $0xffff  }
0xb8: {  	[tilespmem:s31+$0x40] =	vst v49;
	v35 =	vor.u32 v47, v62;
	v60 =	vor.u32 v31, v59;
	v54 =	vld.idx.msk [tilespmem:v54+s14+$0x0], $0xffff  }
0xb9: {  	v59 =	vadd.s32 v23, v32;
	v35 =	vor.u32 v13, v35;
	[tilespmem:s30+$0x400] =	vst v30;
	v55 =	vor.u32 v40, v58  }
0xba: {  	v44 =	vor.u32 v10, v27;
	v27 =	vadd.s32 v14, v51;
	v28 =	vor.u32 v11, v55;
	[tilespmem:s5+$0x60] =	vst v52  }
0xbb: {  	v49 =	vor.u32 v9, v60;
	v60 =	vor.u32 v31, v59;
	v27 =	vor.u32 v47, v27;
	[tilespmem:s4+$0x10] =	vst v50  }
0xbc: {  	v43 =	vor.u32 v9, v27;
	v27 =	vadd.s32 v23, v51;
	[tilespmem:s0+$0x420] =	vst v48;
	v48 =	vld.idx.msk [tilespmem:v42+s14+$0x0], $0xffff  }
0xbd: {  	v61 =	vadd.s32 v17, v51;
	v27 =	vor.u32 v47, v27;
	[tilespmem:s13+$0x10] =	vst v54;
	v52 =	vld.idx.msk [tilespmem:v57+s14+$0x0], $0xffff  }
0xbe: {  	v42 =	vor.u32 v16, v27;
	v27 =	vadd.s32 v20, v39;
	v54 =	vld.idx.msk [tilespmem:v26+s14+$0x0], $0xffff;
	v26 =	vor.u32 v47, v61  }
0xbf: {  	v62 =	vld.idx.msk [tilespmem:v28+s14+$0x0], $0xffff;
	v27 =	vor.u32 v40, v27;
	v28 =	vor.u32 v6, v26;
	v26 =	vadd.s32 v4, v51  }
0xc0: {  	v49 =	vld.idx.msk [tilespmem:v49+s14+$0x0], $0xffff;
	v63 =	vor.u32 v15, v27;
	v51 =	vadd.s32 v19, v51;
	v26 =	vor.u32 v47, v26  }
0xc1: {  	s20 =	sadd.s32 $0x4, s29;
	v61 =	vadd.s32 v24, v39;
	v27 =	vor.u32 v2, v26;
	v26 =	vor.u32 v47, v51;
	[tilespmem:s31+$0x50] =	vst v48  }
0xc2: {  	s21 =	sadd.s32 $0x2, s20;
	v47 =	vor.u32 v16, v60;
	v60 =	vadd.s32 v17, v32;
	[tilespmem:s4+$0x20] =	vst v52;
	v45 =	vld.idx.msk [tilespmem:v45+s14+$0x0], $0xffff  }
0xc3: {  	s3 =	sadd.s32 $0x3, s20;
	v50 =	vmov s21;
	v48 =	vor.u32 v40, v61;
	v51 =	vor.u32 v31, v60;
	[tilespmem:s0+$0x430] =	vst v54;
	v54 =	vld.idx.msk [tilespmem:v29+s14+$0x0], $0xffff  }
0xc4: {  	v60 =	vadd.s32 v22, v39;
	[tilespmem:s13+$0x20] =	vst v62;
	v62 =	vmov s3;
	v48 =	vor.u32 v21, v48;
	v53 =	vld.idx.msk [tilespmem:v53+s14+$0x0], $0xffff  }
0xc5: {  	v51 =	vor.u32 v6, v51;
	v55 =	vld.idx.msk [tilespmem:v63+s14+$0x0], $0xffff;
	v63 =	vshll.u32 v50, $0x8;
	v30 =	vshll.u32 v62, $0x8  }
0xc6: {  	v50 =	vshll.u32 v50, $0x7;
	v29 =	vand.u32 $0xFFFFF800, v30;
	v30 =	vshll.u32 v62, $0x7  }
0xc7: {  	[tilespmem:s5+$0x70] =	vst v49;
	v52 =	vand.u32 $0xFFFFF800, v63;
	v50 =	vand.u32 $0x380, v50;
	v61 =	vadd.s32 v5, v29  }
0xc8: {  	v30 =	vand.u32 $0x380, v30;
	v47 =	vld.idx.msk [tilespmem:v47+s14+$0x0], $0xffff;
	v62 =	vadd.s32 v5, v52;
	v63 =	vadd.s32 v8, v52;
	[tilespmem:s31+$0x60] =	vst v45  }
0xc9: {  	v49 =	vor.u32 v30, v61;
	v61 =	vor.u32 v40, v60;
	v60 =	vadd.s32 v8, v29;
	[tilespmem:s30+$0x410] =	vst v54  }
0xca: {  	v49 =	vor.u32 v3, v49;
	v45 =	vor.u32 v50, v62;
	v62 =	vadd.s32 v12, v52;
	[tilespmem:s4+$0x30] =	vst v53  }
0xcb: {  	v57 =	vor.u32 v30, v60;
	v60 =	vadd.s32 v18, v39;
	v34 =	vld.idx.msk [tilespmem:v34+s14+$0x0], $0xffff;
	[tilespmem:s13+$0x30] =	vst v55  }
0xcc: {  	v55 =	vor.u32 v50, v63;
	v56 =	vld.idx.msk [tilespmem:v33+s14+$0x0], $0xffff;
	v33 =	vor.u32 v3, v45;
	v45 =	vor.u32 v13, v61  }
0xcd: {  	v63 =	vadd.s32 v4, v32;
	v61 =	vadd.s32 v20, v52;
	v32 =	vadd.s32 v19, v32;
	v48 =	vld.idx.msk [tilespmem:v48+s14+$0x0], $0xffff  }
0xce: {  	v54 =	vor.u32 v7, v55;
	v55 =	vor.u32 v31, v63;
	v63 =	vadd.s32 v24, v52;
	[tilespmem:s5+$0x400] =	vst v47  }
0xcf: {  	v47 =	vor.u32 v50, v62;
	v53 =	vor.u32 v2, v55;
	v55 =	vor.u32 v40, v60;
	v60 =	vld.idx.msk [tilespmem:v46+s14+$0x0], $0xffff  }
0xd0: {  	v31 =	vor.u32 v31, v32;
	v62 =	vor.u32 v50, v61;
	v51 =	vld.idx.msk [tilespmem:v51+s14+$0x0], $0xffff;
	v58 =	vor.u32 v11, v47  }
0xd1: {  	v47 =	vor.u32 v7, v57;
	v59 =	vor.u32 v15, v62;
	v57 =	vadd.s32 v22, v52;
	v49 =	vld.idx.msk [tilespmem:v49+s14+$0x0], $0xffff  }
0xd2: {  	s3 =	simm.s32 $0x600;
	v62 =	vadd.s32 v18, v52;
	v61 =	vor.u32 v50, v57;
	v33 =	vld.idx.msk [tilespmem:v33+s14+$0x0], $0xffff;
	[tilespmem:s13+$0x40] =	vst v48  }
0xd3: {  	s9 =	simm.s32 $0x380;
	s0 =	sand.u32 $0x7800, s3;
	v57 =	vor.u32 v50, v62;
	v62 =	vadd.s32 v14, v52;
	[tilespmem:s31+$0x70] =	vst v34;
	v45 =	vld.idx.msk [tilespmem:v45+s14+$0x0], $0xffff  }
0xd4: {  	s11 =	sand.u32 $0x380, s9;
	s12 =	simm.s32 $0x300;
	s10 =	sadd.s32 $0xD100, s0;
	v31 =	vor.u32 v1, v31;
	v55 =	vor.u32 v10, v55;
	v32 =	vor.u32 v50, v62;
	[tilespmem:s30+$0x420] =	vst v56  }
0xd5: {  	s3 =	sand.u32 $0x300, s12;
	s0 =	sadd.s32 s11, s10;
	v62 =	vadd.s32 v20, v29;
	v48 =	vor.u32 v50, v63;
	v38 =	vld.idx.msk [tilespmem:v38+s14+$0x0], $0xffff;
	[tilespmem:s5+$0x410] =	vst v51  }
0xd6: {  	s3 =	sadd.s32 s3, s10;
	v63 =	vadd.s32 v12, v29;
	v46 =	vor.u32 v21, v48;
	[tilespmem:s0+$0x0] =	vst v49;
	v49 =	vld.idx.msk [tilespmem:v53+s14+$0x0], $0xffff  }
0xd7: {  	v48 =	vor.u32 v13, v61;
	v61 =	vor.u32 v30, v63;
	v53 =	vld.idx.msk [tilespmem:v47+s14+$0x0], $0xffff;
	[tilespmem:s3+$0x0] =	vst v33  }
0xd8: {  	v34 =	vor.u32 v9, v32;
	v54 =	vld.idx.msk [tilespmem:v54+s14+$0x0], $0xffff;
	[tilespmem:s13+$0x50] =	vst v45;
	v45 =	vor.u32 v11, v61  }
0xd9: {  	v63 =	vadd.s32 v14, v39;
	[tilespmem:s4+$0x40] =	vst v60;
	v60 =	vadd.s32 v23, v52;
	v47 =	vor.u32 v10, v57  }
0xda: {  	v57 =	vor.u32 v40, v63;
	v33 =	vor.u32 v50, v60;
	v63 =	vadd.s32 v4, v52;
	v51 =	vld.idx.msk [tilespmem:v55+s14+$0x0], $0xffff  }
0xdb: {  	v32 =	vor.u32 v9, v57;
	v61 =	vadd.s32 v17, v52;
	v55 =	vld.idx.msk [tilespmem:v35+s14+$0x0], $0xffff;
	[tilespmem:s5+$0x420] =	vst v49  }
0xdc: {  	v35 =	vor.u32 v16, v33;
	[tilespmem:s0+$0x10] =	vst v53;
	v49 =	vld.idx.msk [tilespmem:v31+s14+$0x0], $0xffff;
	v31 =	vor.u32 v50, v61  }
0xdd: {  	v33 =	vor.u32 v6, v31;
	v31 =	vor.u32 v30, v62;
	[tilespmem:s3+$0x10] =	vst v54;
	v45 =	vld.idx.msk [tilespmem:v45+s14+$0x0], $0xffff  }
0xde: {  	[tilespmem:s31+$0x400] =	vst v38;
	v61 =	vadd.s32 v19, v52;
	v60 =	vor.u32 v15, v31;
	v52 =	vld.idx.msk [tilespmem:v58+s14+$0x0], $0xffff  }
0xdf: {  	s20 =	sadd.s32 $0x6, s29;
	v26 =	vor.u32 v1, v26;
	v62 =	vadd.s32 v23, v39;
	v31 =	vor.u32 v50, v63;
	[tilespmem:s13+$0x60] =	vst v51  }
0xe0: {  	s21 =	sadd.s32 $0x2, s20;
	v63 =	vor.u32 v40, v62;
	v50 =	vor.u32 v50, v61;
	[tilespmem:s4+$0x50] =	vst v55;
	v53 =	vld.idx.msk [tilespmem:v32+s14+$0x0], $0xffff  }
0xe1: {  	v58 =	vadd.s32 v24, v29;
	v32 =	vor.u32 v1, v50;
	v44 =	vld.idx.msk [tilespmem:v44+s14+$0x0], $0xffff;
	v50 =	vmov s21;
	[tilespmem:s5+$0x430] =	vst v49  }
0xe2: {  	v51 =	vor.u32 v16, v63;
	v61 =	vor.u32 v30, v58;
	v62 =	vshll.u32 v50, $0x8;
	[tilespmem:s0+$0x20] =	vst v45;
	v45 =	vld.idx.msk [tilespmem:v37+s14+$0x0], $0xffff  }
0xe3: {  	v31 =	vor.u32 v2, v31;
	v56 =	vor.u32 v21, v61;
	s5 =	sadd.s32 $0x3, s20;
	v57 =	vand.u32 $0xFFFFF800, v62;
	[tilespmem:s3+$0x20] =	vst v52;
	v49 =	vld.idx.msk [tilespmem:v60+s14+$0x0], $0xffff  }
0xe4: {  	v50 =	vshll.u32 v50, $0x7;
	v60 =	vmov s5;
	v54 =	vld.idx.msk [tilespmem:v59+s14+$0x0], $0xffff;
	v59 =	vadd.s32 v8, v57  }
0xe5: {  	v63 =	vshll.u32 v60, $0x8;
	v58 =	vshll.u32 v60, $0x7;
	v60 =	vadd.s32 v17, v39  }
0xe6: {  	v38 =	vld.idx.msk [tilespmem:v36+s14+$0x0], $0xffff;
	[tilespmem:s13+$0x70] =	vst v53;
	v37 =	vand.u32 $0xFFFFF800, v63;
	v36 =	vand.u32 $0x380, v58;
	v53 =	vor.u32 v40, v60  }
0xe7: {  	[tilespmem:s4+$0x60] =	vst v44;
	v51 =	vld.idx.msk [tilespmem:v51+s14+$0x0], $0xffff;
	v63 =	vadd.s32 v5, v57;
	v58 =	vand.u32 $0x380, v50;
	v60 =	vadd.s32 v22, v29  }
0xe8: {  	v61 =	vadd.s32 v5, v37;
	v52 =	vor.u32 v6, v53;
	v53 =	vld.idx.msk [tilespmem:v43+s14+$0x0], $0xffff;
	v43 =	vor.u32 v58, v63  }
0xe9: {  	v63 =	vadd.s32 v12, v57;
	v62 =	vor.u32 v36, v61;
	[tilespmem:s31+$0x410] =	vst v45;
	v43 =	vor.u32 v3, v43  }
0xea: {  	v61 =	vor.u32 v58, v59;
	v45 =	vor.u32 v58, v63;
	v44 =	vor.u32 v3, v62;
	[tilespmem:s0+$0x30] =	vst v49  }
0xeb: {  	v62 =	vor.u32 v30, v60;
	v55 =	vor.u32 v7, v61;
	v60 =	vadd.s32 v4, v39;
	[tilespmem:s3+$0x30] =	vst v54  }
0xec: {  	v39 =	vadd.s32 v19, v39;
	v50 =	vld.idx.msk [tilespmem:v56+s14+$0x0], $0xffff;
	v49 =	vor.u32 v13, v62;
	[tilespmem:s13+$0x400] =	vst v51  }
0xed: {  	v56 =	vor.u32 v40, v60;
	v60 =	vor.u32 v11, v45;
	v51 =	vadd.s32 v20, v57;
	v52 =	vld.idx.msk [tilespmem:v52+s14+$0x0], $0xffff  }
0xee: {  	v62 =	vadd.s32 v24, v57;
	v39 =	vor.u32 v40, v39;
	v61 =	vor.u32 v58, v51;
	v51 =	vld.idx.msk [tilespmem:v43+s14+$0x0], $0xffff  }
0xef: {  	v54 =	vor.u32 v2, v56;
	v63 =	vor.u32 v58, v62;
	v59 =	vld.idx.msk [tilespmem:v44+s14+$0x0], $0xffff;
	v44 =	vadd.s32 v8, v37  }
0xf0: {  	s11 =	simm.s32 $0x800;
	v62 =	vadd.s32 v22, v57;
	[tilespmem:s4+$0x70] =	vst v53;
	v53 =	vor.u32 v1, v39;
	v44 =	vor.u32 v36, v44  }
0xf1: {  	s12 =	simm.s32 $0x400;
	s9 =	sand.u32 $0x7800, s11;
	v41 =	vld.idx.msk [tilespmem:v41+s14+$0x0], $0xffff;
	v45 =	vor.u32 v15, v61;
	v61 =	vadd.s32 v18, v29;
	v56 =	vor.u32 v7, v44  }
0xf2: {  	s12 =	sand.u32 $0x300, s12;
	s10 =	sadd.s32 $0xD100, s9;
	s20 =	simm.s32 $0x480;
	v43 =	vor.u32 v58, v62;
	[tilespmem:s0+$0x40] =	vst v50;
	v50 =	vor.u32 v30, v61;
	v61 =	vld.idx.msk [tilespmem:v46+s14+$0x0], $0xffff  }
0xf3: {  	s9 =	sadd.s32 s12, s10;
	s21 =	sand.u32 $0x380, s20;
	v49 =	vld.idx.msk [tilespmem:v49+s14+$0x0], $0xffff;
	v44 =	vor.u32 v21, v63;
	v63 =	vadd.s32 v18, v57;
	[tilespmem:s13+$0x410] =	vst v52  }
0xf4: {  	s5 =	sadd.s32 s21, s10;
	v62 =	vadd.s32 v12, v37;
	v46 =	vor.u32 v10, v50;
	v63 =	vor.u32 v58, v63;
	[tilespmem:s9+$0x0] =	vst v51  }
0xf5: {  	v43 =	vor.u32 v13, v43;
	v50 =	vld.idx.msk [tilespmem:v54+s14+$0x0], $0xffff;
	v39 =	vor.u32 v10, v63;
	[tilespmem:s5+$0x0] =	vst v59  }
0xf6: {  	v63 =	vadd.s32 v14, v29;
	v59 =	vor.u32 v36, v62;
	v62 =	vadd.s32 v14, v57;
	v54 =	vld.idx.msk [tilespmem:v56+s14+$0x0], $0xffff  }
0xf7: {  	v52 =	vor.u32 v11, v59;
	v40 =	vor.u32 v58, v62;
	v59 =	vld.idx.msk [tilespmem:v55+s14+$0x0], $0xffff;
	[tilespmem:s3+$0x40] =	vst v61  }
0xf8: {  	v55 =	vor.u32 v30, v63;
	v63 =	vadd.s32 v20, v37;
	[tilespmem:s0+$0x50] =	vst v49;
	v61 =	vld.idx.msk [tilespmem:v48+s14+$0x0], $0xffff  }
0xf9: {  	v56 =	vadd.s32 v23, v57;
	v63 =	vor.u32 v36, v63;
	v49 =	vld.idx.msk [tilespmem:v46+s14+$0x0], $0xffff;
	v46 =	vor.u32 v9, v40  }
0xfa: {  	v40 =	vor.u32 v9, v55;
	v55 =	vor.u32 v58, v56;
	[tilespmem:s13+$0x420] =	vst v50;
	v50 =	vld.idx.msk [tilespmem:v42+s14+$0x0], $0xffff  }
0xfb: {  	v56 =	vadd.s32 v17, v57;
	v51 =	vor.u32 v16, v55;
	v62 =	vld.idx.msk [tilespmem:v53+s14+$0x0], $0xffff;
	[tilespmem:s5+$0x10] =	vst v54  }
0xfc: {  	v48 =	vor.u32 v58, v56;
	v56 =	vadd.s32 v4, v57;
	[tilespmem:s9+$0x10] =	vst v59;
	v55 =	vld.idx.msk [tilespmem:v52+s14+$0x0], $0xffff  }
0xfd: {  	v57 =	vadd.s32 v19, v57;
	[tilespmem:s3+$0x50] =	vst v61;
	v52 =	vor.u32 v58, v56;
	v56 =	vor.u32 v15, v63  }
0xfe: {  	v48 =	vor.u32 v6, v48;
	v59 =	vadd.s32 v23, v29;
	v54 =	vld.idx.msk [tilespmem:v60+s14+$0x0], $0xffff;
	[tilespmem:s0+$0x60] =	vst v49  }
0xff: {  	v63 =	vor.u32 v58, v57;
	v49 =	vor.u32 v2, v52;
	v52 =	vld.idx.msk [tilespmem:v40+s14+$0x0], $0xffff;
	v40 =	vor.u32 v30, v59  }
0x100: {  	s12 =	simm.s32 $0x8;
	v47 =	vld.idx.msk [tilespmem:v47+s14+$0x0], $0xffff;
	v42 =	vor.u32 v1, v63;
	v53 =	vor.u32 v16, v40;
	[tilespmem:s13+$0x430] =	vst v62  }
.LBB2_3:
0x101: {  	s13 =	sadd.s32 s12, s29;
	s12 =	sadd.s32 $0x2, s12;
	[tilespmem:s5+$0x20] =	vst v55;
	v40 =	vmovc v51;
	v51 =	vmovc v27;
	v27 =	vmov v31;
	v31 =	vmov v49;
	v49 =	vmov v32  }
0x102: {  	v32 =	vmov v42;
	s21 =	sadd.s32 $0x2, s13;
	s13 =	sadd.s32 $0x3, s13;
	p1 =	slt.u32 s12, $0x5E;
	v55 =	vld.idx.msk [tilespmem:v56+s14+$0x0], $0xffff;
	v56 =	vadd.s32 v24, v37;
	[tilespmem:s4+$0x400] =	vst v50  }
0x103: {  	v50 =	vmov s21;
	v42 =	vmov s13;
	v56 =	vor.u32 v36, v56;
	v57 =	vld.idx.msk [tilespmem:v28+s14+$0x0], $0xffff;
	[tilespmem:s31+$0x420] =	vst v41;
	v28 =	vmovc v33;
	v33 =	vmovc v48  }
0x104: {  	v41 =	vshll.u32 v50, $0x8;
	v48 =	vshll.u32 v42, $0x8;
	v56 =	vor.u32 v21, v56;
	[tilespmem:s0+$0x70] =	vst v52;
	v52 =	vld.idx.msk [tilespmem:v25+s14+$0x0], $0xffff;
	v25 =	vmovc v26  }
0x105: {  	v42 =	vshll.u32 v42, $0x7;
	v26 =	vmovc v49;
	v48 =	vand.u32 $0xFFFFF800, v48;
	[tilespmem:s9+$0x20] =	vst v54;
	v53 =	vld.idx.msk [tilespmem:v53+s14+$0x0], $0xffff;
	v54 =	vadd.s32 v17, v29  }
0x106: {  	v58 =	vand.u32 $0x380, v42;
	v49 =	vadd.s32 v5, v48;
	v45 =	vld.idx.msk [tilespmem:v45+s14+$0x0], $0xffff;
	[tilespmem:s3+$0x60] =	vst v47;
	v47 =	vor.u32 v30, v54  }
0x107: {  	v42 =	vand.u32 $0xFFFFF800, v41;
	v41 =	vor.u32 v58, v49;
	v49 =	vld.idx.msk [tilespmem:v34+s14+$0x0], $0xffff;
	v47 =	vor.u32 v6, v47;
	[tilespmem:s30+$0x430] =	vst v38;
	s30 =	smov.u32 s31;
	s31 =	smov.u32 s4;
	s4 =	smov.u32 s3  }
0x108: {  	v50 =	vshll.u32 v50, $0x7;
	v38 =	vadd.s32 v5, v42;
	v34 =	vmovc v46;
	s3 =	smov.u32 s9;
	v54 =	vor.u32 v3, v41;
	[tilespmem:s5+$0x30] =	vst v55  }
0x109: {  	v59 =	vand.u32 $0x380, v50;
	v50 =	vadd.s32 v22, v37;
	v41 =	vadd.s32 v8, v42;
	v46 =	vld.idx.msk [tilespmem:v56+s14+$0x0], $0xffff;
	[tilespmem:s31+$0x410] =	vst v57  }
0x10a: {  	v50 =	vor.u32 v36, v50;
	v38 =	vor.u32 v59, v38;
	v55 =	vor.u32 v59, v41;
	v41 =	vld.idx.msk [tilespmem:v51+s14+$0x0], $0xffff  }
0x10b: {  	v50 =	vor.u32 v13, v50;
	v38 =	vor.u32 v3, v38;
	v51 =	vor.u32 v7, v55;
	[tilespmem:s0+$0x400] =	vst v53  }
0x10c: {  	v56 =	vadd.s32 v4, v29;
	v55 =	vadd.s32 v20, v42;
	v53 =	vadd.s32 v12, v42;
	v47 =	vld.idx.msk [tilespmem:v47+s14+$0x0], $0xffff  }
0x10d: {  	v57 =	vadd.s32 v8, v48;
	v56 =	vor.u32 v30, v56;
	v53 =	vor.u32 v59, v53;
	v54 =	vld.idx.msk [tilespmem:v54+s14+$0x0], $0xffff  }
0x10e: {  	v57 =	vor.u32 v58, v57;
	v56 =	vor.u32 v2, v56;
	v53 =	vor.u32 v11, v53;
	[tilespmem:s3+$0x30] =	vst v45  }
0x10f: {  	s11 =	sadd.s32 $0x200, s11;
	v57 =	vor.u32 v7, v57;
	v45 =	vor.u32 v59, v55;
	v55 =	vadd.s32 v24, v42;
	[tilespmem:s5+$0x40] =	vst v46  }
0x110: {  	s20 =	sadd.s32 $0x100, s20;
	s9 =	sand.u32 $0x7800, s11;
	v45 =	vor.u32 v15, v45;
	v46 =	vor.u32 v59, v55;
	v55 =	vadd.s32 v18, v37;
	v50 =	vld.idx.msk [tilespmem:v50+s14+$0x0], $0xffff  }
0x111: {  	s13 =	sadd.s32 $0xFFFFFF80, s20;
	s21 =	sand.u32 $0x380, s20;
	v62 =	vadd.s32 v22, v42;
	s9 =	sadd.s32 $0xD100, s9;
	v61 =	vor.u32 v21, v46;
	v46 =	vor.u32 v36, v55;
	v60 =	vld.idx.msk [tilespmem:v38+s14+$0x0], $0xffff  }
0x112: {  	s10 =	sand.u32 $0x300, s13;
	s13 =	sadd.s32 s21, s9;
	v55 =	vor.u32 v59, v62;
	v46 =	vor.u32 v10, v46;
	v38 =	vmov v52;
	v44 =	vld.idx.msk [tilespmem:v44+s14+$0x0], $0xffff;
	[tilespmem:s0+$0x410] =	vst v47  }
0x113: {  	s9 =	sadd.s32 s10, s9;
	v47 =	vor.u32 v13, v55;
	[tilespmem:s13+$0x0] =	vst v54;
	v52 =	vld.idx.msk [tilespmem:v56+s14+$0x0], $0xffff;
	v54 =	vadd.s32 v19, v29;
	v29 =	vmov v37  }
0x114: {  	v37 =	vadd.s32 v18, v42;
	v56 =	vadd.s32 v12, v48;
	v55 =	vld.idx.msk [tilespmem:v57+s14+$0x0], $0xffff;
	v30 =	vor.u32 v30, v54  }
0x115: {  	v62 =	vor.u32 v59, v37;
	v54 =	vor.u32 v58, v56;
	[tilespmem:s4+$0x70] =	vst v49;
	v49 =	vor.u32 v1, v30  }
0x116: {  	v63 =	vadd.s32 v14, v42;
	v57 =	vor.u32 v10, v62;
	v54 =	vor.u32 v11, v54;
	[tilespmem:s5+$0x50] =	vst v50  }
0x117: {  	v56 =	vor.u32 v59, v63;
	v50 =	vadd.s32 v14, v29;
	v37 =	vmov v48;
	[tilespmem:s9+$0x0] =	vst v60;
	v60 =	vld.idx.msk [tilespmem:v46+s14+$0x0], $0xffff  }
0x118: {  	v46 =	vor.u32 v9, v56;
	v30 =	vmov v36;
	v62 =	vld.idx.msk [tilespmem:v51+s14+$0x0], $0xffff;
	[tilespmem:s3+$0x40] =	vst v44;
	v51 =	vor.u32 v36, v50  }
0x119: {  	v48 =	vadd.s32 v23, v42;
	v36 =	vmov v58;
	v63 =	vld.idx.msk [tilespmem:v43+s14+$0x0], $0xffff;
	v43 =	vor.u32 v9, v51;
	[tilespmem:s0+$0x420] =	vst v52  }
0x11a: {  	v48 =	vor.u32 v59, v48;
	v50 =	vadd.s32 v17, v42;
	v44 =	vmov v61;
	[tilespmem:s13+$0x10] =	vst v55;
	v58 =	vld.idx.msk [tilespmem:v49+s14+$0x0], $0xffff  }
0x11b: {  	v51 =	vor.u32 v16, v48;
	v48 =	vor.u32 v59, v50;
	v49 =	vadd.s32 v20, v37;
	v55 =	vld.idx.msk [tilespmem:v54+s14+$0x0], $0xffff  }
.Ltmp0:
0x11c: {  	v52 =	vadd.s32 v4, v42;
	v48 =	vor.u32 v6, v48;
	v49 =	vor.u32 v36, v49;
	v50 =	vld.idx.msk [tilespmem:v35+s14+$0x0], $0xffff;
	(pc) =	sbr.rel @p1 .LBB2_3-.Ltmp0, $4  }
0x11d: {  	v42 =	vadd.s32 v19, v42;
	v61 =	vor.u32 v59, v52;
	v56 =	vor.u32 v15, v49;
	[tilespmem:s5+$0x60] =	vst v60  }
0x11e: {  	v49 =	vor.u32 v2, v61;
	v60 =	vadd.s32 v23, v29;
	[tilespmem:s9+$0x10] =	vst v62;
	v52 =	vld.idx.msk [tilespmem:v43+s14+$0x0], $0xffff;
	v43 =	vmov v47  }
0x11f: {  	v42 =	vor.u32 v59, v42;
	v35 =	vmov v40;
	v54 =	vld.idx.msk [tilespmem:v53+s14+$0x0], $0xffff;
	[tilespmem:s3+$0x50] =	vst v63;
	v53 =	vor.u32 v30, v60  }
0x120: {  	v42 =	vor.u32 v1, v42;
	v47 =	vld.idx.msk [tilespmem:v39+s14+$0x0], $0xffff;
	v53 =	vor.u32 v16, v53;
	[tilespmem:s0+$0x430] =	vst v58;
	v39 =	vmov v57;
	s0 =	smov.u32 s5;
	s5 =	smov.u32 s13  }
0x121: {  	_ =	sdelay $0x2  }
0x122: {  	[tilespmem:s5+$0x20] =	vst v55;
	v3 =	vadd.s32 v24, v37  }
0x123: {  	v5 =	vld.idx.msk [tilespmem:v56+s14+$0x0], $0xffff;
	v3 =	vor.u32 v36, v3  }
0x124: {  	v3 =	vor.u32 v21, v3;
	[tilespmem:s9+$0x20] =	vst v54  }
0x125: {  	v7 =	vld.idx.msk [tilespmem:v45+s14+$0x0], $0xffff;
	_ =	sdelay $0x2  }
0x126: {  	v40 =	vadd.s32 v22, v37;
	[tilespmem:s5+$0x30] =	vst v5  }
0x127: {  	v5 =	vor.u32 v36, v40;
	v3 =	vld.idx.msk [tilespmem:v3+s14+$0x0], $0xffff  }
0x128: {  	v5 =	vor.u32 v13, v5;
	[tilespmem:s9+$0x30] =	vst v7  }
0x129: {  	v7 =	vld.idx.msk [tilespmem:v44+s14+$0x0], $0xffff;
	_ =	sdelay $0x2  }
0x12a: {  	[tilespmem:s5+$0x40] =	vst v3;
	v3 =	vadd.s32 v18, v37  }
0x12b: {  	v5 =	vld.idx.msk [tilespmem:v5+s14+$0x0], $0xffff;
	v3 =	vor.u32 v36, v3  }
0x12c: {  	v3 =	vor.u32 v10, v3;
	[tilespmem:s9+$0x40] =	vst v7  }
0x12d: {  	v7 =	vld.idx.msk [tilespmem:v43+s14+$0x0], $0xffff;
	_ =	sdelay $0x2  }
0x12e: {  	v45 =	vadd.s32 v14, v37;
	[tilespmem:s5+$0x50] =	vst v5  }
0x12f: {  	v5 =	vor.u32 v36, v45;
	v3 =	vld.idx.msk [tilespmem:v3+s14+$0x0], $0xffff  }
0x130: {  	v5 =	vor.u32 v9, v5;
	[tilespmem:s9+$0x50] =	vst v7  }
0x131: {  	v7 =	vld.idx.msk [tilespmem:v39+s14+$0x0], $0xffff;
	_ =	sdelay $0x2  }
0x132: {  	[tilespmem:s5+$0x60] =	vst v3;
	v3 =	vadd.s32 v23, v37  }
0x133: {  	[tilespmem:s3+$0x60] =	vst v47;
	v5 =	vld.idx.msk [tilespmem:v5+s14+$0x0], $0xffff;
	v3 =	vor.u32 v36, v3  }
0x134: {  	v8 =	vld.idx.msk [tilespmem:v34+s14+$0x0], $0xffff;
	v3 =	vor.u32 v16, v3;
	[tilespmem:s9+$0x60] =	vst v7  }
0x135: {  	[tilespmem:s0+$0x70] =	vst v52;
	v52 =	vld.idx.msk [tilespmem:v46+s14+$0x0], $0xffff  }
0x136: {  	v47 =	vadd.s32 v17, v29  }
0x137: {  	v53 =	vld.idx.msk [tilespmem:v53+s14+$0x0], $0xffff;
	v7 =	vor.u32 v30, v47  }
0x138: {  	v54 =	vadd.s32 v17, v37;
	v7 =	vor.u32 v6, v7;
	[tilespmem:s5+$0x70] =	vst v5  }
0x139: {  	[tilespmem:s3+$0x70] =	vst v8;
	v5 =	vor.u32 v36, v54;
	v3 =	vld.idx.msk [tilespmem:v3+s14+$0x0], $0xffff  }
0x13a: {  	v55 =	vld.idx.msk [tilespmem:v35+s14+$0x0], $0xffff;
	v5 =	vor.u32 v6, v5;
	[tilespmem:s9+$0x70] =	vst v52  }
0x13b: {  	v9 =	vld.idx.msk [tilespmem:v51+s14+$0x0], $0xffff  }
0x13c: {  	v56 =	vadd.s32 v4, v29;
	[tilespmem:s0+$0x400] =	vst v53  }
0x13d: {  	[tilespmem:s4+$0x400] =	vst v50;
	v8 =	vor.u32 v30, v56;
	v7 =	vld.idx.msk [tilespmem:v7+s14+$0x0], $0xffff  }
0x13e: {  	v58 =	vld.idx.msk [tilespmem:v28+s14+$0x0], $0xffff;
	v8 =	vor.u32 v2, v8;
	[tilespmem:s5+$0x400] =	vst v3;
	v3 =	vadd.s32 v4, v37  }
0x13f: {  	[tilespmem:s3+$0x400] =	vst v55;
	v57 =	vld.idx.msk [tilespmem:v5+s14+$0x0], $0xffff;
	v3 =	vor.u32 v36, v3  }
0x140: {  	v2 =	vor.u32 v2, v3;
	v3 =	vld.idx.msk [tilespmem:v33+s14+$0x0], $0xffff;
	[tilespmem:s9+$0x400] =	vst v9  }
0x141: {  	[tilespmem:s31+$0x420] =	vst v41;
	v60 =	vld.idx.msk [tilespmem:v48+s14+$0x0], $0xffff  }
0x142: {  	v59 =	vadd.s32 v19, v29;
	[tilespmem:s0+$0x410] =	vst v7  }
0x143: {  	[tilespmem:s4+$0x410] =	vst v58;
	v6 =	vor.u32 v30, v59;
	v8 =	vld.idx.msk [tilespmem:v8+s14+$0x0], $0xffff  }
0x144: {  	v61 =	vadd.s32 v19, v37;
	v6 =	vor.u32 v1, v6;
	v5 =	vld.idx.msk [tilespmem:v27+s14+$0x0], $0xffff;
	[tilespmem:s5+$0x410] =	vst v57  }
0x145: {  	v4 =	vor.u32 v36, v61;
	v2 =	vld.idx.msk [tilespmem:v2+s14+$0x0], $0xffff;
	[tilespmem:s3+$0x410] =	vst v3  }
0x146: {  	v1 =	vor.u32 v1, v4;
	v3 =	vld.idx.msk [tilespmem:v31+s14+$0x0], $0xffff;
	[tilespmem:s9+$0x410] =	vst v60  }
0x147: {  	s10 =	sshrl.u32 s28, $0x1;
	[tilespmem:s30+$0x430] =	vst v38;
	v62 =	vld.idx.msk [tilespmem:v49+s14+$0x0], $0xffff  }
0x148: {  	s11 =	smulhi.u32 $0x2AAAAAAB, s10;
	v63 =	vld.idx.msk [tilespmem:v25+s14+$0x0], $0xffff;
	[tilespmem:s0+$0x420] =	vst v8  }
0x149: {  	[tilespmem:s4+$0x420] =	vst v5;
	v6 =	vld.idx.msk [tilespmem:v6+s14+$0x0], $0xffff  }
0x14a: {  	s11 =	sshrl.u32 s11, $0x4;
	[tilespmem:s5+$0x420] =	vst v2;
	v2 =	vld.idx.msk [tilespmem:v26+s14+$0x0], $0xffff  }
0x14b: {  	s11 =	smul.u32 $0x60, s11;
	v1 =	vld.idx.msk [tilespmem:v1+s14+$0x0], $0xffff;
	[tilespmem:s3+$0x420] =	vst v3  }
0x14c: {  	v3 =	vld.idx.msk [tilespmem:v32+s14+$0x0], $0xffff;
	[tilespmem:s9+$0x420] =	vst v62  }
0x14d: {  	s30 =	smul.u32 $0x480000, s26;
	s29 =	ssub.s32 s10, s11;
	[tilespmem:s31+$0x430] =	vst v63;
	v4 =	vld.idx.msk [tilespmem:v42+s14+$0x0], $0xffff  }
0x14e: {  	p1 =	sne.s32 s22, $0x2F;
	[tilespmem:s0+$0x430] =	vst v6;
	s0 =	smul.u32 $0xC000, s29  }
.Ltmp1:
0x14f: {  	[tilespmem:s4+$0x430] =	vst v2;
	(pc) =	sbr.rel @p1 .LBB2_6-.Ltmp1, $4  }
0x150: {  	s0 =	sadd.s32 s30, s0;
	[tilespmem:s5+$0x430] =	vst v1  }
0x151: {  	s0 =	sshrl.u32 s0, $0x3;
	[tilespmem:s3+$0x430] =	vst v3  }
0x152: {  	s0 =	sadd.s32 s6, s0;
	[tilespmem:s9+$0x430] =	vst v4  }
0x153: {  	[hbm4b:s0+s7] =	stream.linear.scatter [tilespmem:s16], [sflag:$0x3], $0x6000, $0x38;
	[tilespmem:$0x19100] =	vst v63  }
.Ltmp2:
0x154: {  	(pc) =	sbr.rel .LBB2_7-.Ltmp2, $4  }
0x155: {  	_ = 	snop  }
0x156: {  	_ =	swait.ge [sflag:s17], $0x6800  }
0x157: {  	[sflag:s17] =	ssyncset.done $0x0  }
0x158: {  	[sflag:s17] =	ssyncadd.s32 $0xFFFF9800  }
.LBB2_6:
0x159: {  	s0 =	rddreg [dreg:$0x6]  }
0x15a: {  	s0 =	sadd.s32 s25, s0  }
0x15b: {  	v1 =	vld [tilespmem:$0x0];
	s3 =	smulhi.u32 $0x2AAAAAAB, s0;
	_ =	sdelay $0x1  }
0x15c: {  	s3 =	sshrl.u32 s3, $0x5  }
0x15d: {  	v2 =	vmov s3  }
0x15e: {  	vm2 =	veq.s32 v2, v0  }
0x15f: {  	v1 =	vnsel vm2, $0x0, v1  }
0x160: {  	(xrf0) =	vadd.scan.msk.s32 $0xffff, v1;
	_ =	sdelay $0x5  }
0x161: {  	v1, _, _ =	vpop (xrf0)  }
0x162: {  	(v2sf) =	vpush v1, $0xF;
	_ =	sdelay $0xe  }
0x163: {  	s0 =	sshrl.u32 s0, $0x1;
	s4 =	spop (v2sf)  }
0x164: {  	s5 =	smulhi.u32 $0x2AAAAAAB, s0;
	s9 =	sand.u32 $0x7, s4  }
0x165: {  	s30 =	sshra.s32 s4, $0x1F;
	p2 =	slt.s32 s4, $0x1;
	p1 =	sne.s32 s9, $0x0  }
0x166: {  	s5 =	sshrl.u32 s5, $0x4;
	s9 =	sshrl.u32 s30, $0x1D;
	p1 =	por !p2, !p1  }
0x167: {  	s4 =	sadd.s32 s9, s4;
	s9 =	simm.s32 $0x1;
	p1 =	por !p1, !p1  }
0x168: {  	s5 =	smul.u32 $0x60, s5;
	s4 =	sshrl.u32 s4, $0x3;
	s9 =	simm.s32 @!p1 $0x0  }
0x169: {  	s4 =	ssub.s32 s4, s9  }
0x16a: {  	s3 =	smul.u32 $0x540000, s3;
	s0 =	ssub.s32 s0, s5;
	s4 =	sshll.u32 s4, $0x3  }
0x16b: {  	s0 =	smul.u32 $0xE000, s0;
	p1 =	slt.s32 s4, $0x78  }
0x16c: {  	s4 =	simm.s32 @!p1 $0x78  }
0x16d: {  	s0 =	sadd.s32 s3, s0;
	s31 =	sshll.u32 s4, $0x8  }
0x16e: {  	s0 =	sadd.s32 s31, s0  }
0x16f: {  	s0 =	sshrl.u32 s0, $0x3  }
.Ltmp3:
0x170: {  	s0 =	sadd.s32 s2, s0;
	(pc) =	sbr.rel @p0 .LBB2_8-.Ltmp3, $4  }
0x171: {  	[tilespmem:s14], [sflag:$0x1] =	stream.linear.gather [hbm4b:s0+s7], $0x6800, $0x38;
	[tilespmem:$0x19100] =	vst v63  }
0x172: {  	_ =	swait.ge [sflag:s17], $0x6800  }
0x173: {  	[sflag:s17] =	ssyncset.done $0x0  }
0x174: {  	[sflag:s17] =	ssyncadd.s32 $0xFFFF9800  }
.LBB2_7:
0x175: {  	_ =	swait.ge [sflag:s18], $0x6000  }
0x176: {  	[sflag:s18] =	ssyncset.done $0x0  }
0x177: {  	[sflag:s18] =	ssyncadd.s32 $0xFFFFA000  }
.LBB2_8:
0x178: {  	v1 =	vld [tilespmem:$0x0];
	_ =	sdelay $0x4  }
0x179: {  	v1 =	vnsel vm1, $0x0, v1  }
0x17a: {  	(xrf0) =	vadd.scan.msk.s32 $0xffff, v1;
	v1 =	vld [tilespmem:$0x80];
	_ =	sdelay $0x4  }
0x17b: {  	v1 =	vnsel vm1, $0x0, v1  }
0x17c: {  	v2, _, _ =	vpop (xrf0);
	(xrf0) =	vadd.scan.msk.s32 $0xffff, v1;
	_ =	sdelay $0x1  }
0x17d: {  	(v2sf) =	vpush v2, $0xF;
	_ =	sdelay $0x3  }
0x17e: {  	v1, _, _ =	vpop (xrf0)  }
0x17f: {  	(v2sf) =	vpush v1, $0xF;
	_ =	sdelay $0x9  }
0x180: {  	s0 =	spop (v2sf)  }
0x181: {  	s3 =	sadd.s32 $0x60, s0;
	s4 =	sand.u32 $0x7, s0  }
0x182: {  	s5 =	sshra.s32 s3, $0x1F;
	p0 =	slt.s32 s3, $0x1;
	p1 =	sne.s32 s4, $0x0  }
0x183: {  	v1 =	vbroadcast v1, $0xF;
	s11 =	sshrl.u32 s5, $0x1D;
	p0 =	por !p0, !p1  }
0x184: {  	s4 =	simm.s32 $0x1;
	s3 =	sadd.s32 s11, s3;
	p0 =	por !p0, !p0  }
0x185: {  	v1 =	vadd.s32 v0, v1;
	s3 =	sshrl.u32 s3, $0x3;
	s4 =	simm.s32 @!p0 $0x0;
	s12 =	spop (v2sf)  }
0x186: {  	v5 =	vshll.u32 v1, $0x3;
	s3 =	ssub.s32 s3, s4;
	s13 =	sadd.s32 $0x10, s12  }
0x187: {  	v3 =	vand.u32 $0x7F, v1;
	v5 =	vand.u32 $0xFFFFFC00, v5;
	s9 =	sadd.s32 $0x20, s12;
	s10 =	sadd.s32 $0x30, s12;
	s20 =	sadd.s32 $0x40, s12;
	v2 =	vadd.s32 s13, v0  }
0x188: {  	s21 =	sadd.s32 $0x50, s12;
	s25 =	sadd.s32 $0x60, s12;
	s26 =	sadd.s32 $0x70, s12;
	v4 =	vadd.s32 s9, v0;
	v6 =	vadd.s32 s10, v0;
	v9 =	vadd.s32 s20, v0  }
0x189: {  	s29 =	sadd.s32 $0x80, s12;
	s30 =	sadd.s32 $0x90, s12;
	s31 =	sadd.s32 $0xA0, s12;
	v10 =	vadd.s32 s21, v0;
	v14 =	vadd.s32 s25, v0;
	v16 =	vadd.s32 s26, v0  }
0x18a: {  	s3 =	sshll.u32 s3, $0x3;
	s4 =	sadd.s32 $0xB0, s12;
	v17 =	vadd.s32 s29, v0;
	v19 =	vadd.s32 s30, v0;
	v25 =	vadd.s32 s31, v0  }
0x18b: {  	p0 =	slt.s32 s3, $0x78;
	v28 =	vadd.s32 s4, v0;
	v1 =	vshll.u32 v2, $0x3;
	v7 =	vand.u32 $0x7F, v2  }
0x18c: {  	s3 =	simm.s32 @!p0 $0x78;
	v11 =	vand.u32 $0x7F, v4;
	v15 =	vand.u32 $0x7F, v6;
	v2 =	vshll.u32 v6, $0x3  }
0x18d: {  	v21 =	vand.u32 $0x7F, v9;
	v13 =	vand.u32 $0x7F, v10;
	s25 =	ssub.s32 s0, s3;
	v8 =	vand.u32 $0xFFFFFC00, v1  }
0x18e: {  	v1 =	vshll.u32 v4, $0x3;
	v20 =	vand.u32 $0xFFFFFC00, v2;
	v2 =	vshll.u32 v9, $0x3;
	s0 =	sadd.s32 $0xFFFFFFFE, s25  }
0x18f: {  	v9 =	vand.u32 $0x7F, v16;
	v12 =	vand.u32 $0xFFFFFC00, v1;
	v24 =	vand.u32 $0xFFFFFC00, v2;
	s5 =	sadd.s32 $0x63, s0  }
0x190: {  	v2 =	vshll.u32 v10, $0x3;
	v10 =	vand.u32 $0x7F, v14;
	v1 =	vmov s5  }
0x191: {  	v22 =	vand.u32 $0xFFFFFC00, v2;
	v2 =	vshll.u32 v14, $0x3;
	v4 =	vshll.u32 v1, $0x8  }
0x192: {  	v18 =	vand.u32 $0xFFFFFC00, v2;
	v1 =	vshll.u32 v1, $0x7;
	v27 =	vand.u32 $0xFFFFF800, v4  }
0x193: {  	s0 =	sadd.s32 $0x62, s0;
	v2 =	vshll.u32 v16, $0x3;
	v26 =	vand.u32 $0x380, v1;
	v4 =	vadd.s32 v5, v27  }
0x194: {  	v16 =	vand.u32 $0x7F, v17;
	v1 =	vor.u32 v26, v4;
	v4 =	vmov s0  }
0x195: {  	s9 =	simm.s32 $0x0;
	v14 =	vand.u32 $0xFFFFFC00, v2;
	v1 =	vor.u32 v3, v1;
	v2 =	vshll.u32 v4, $0x8  }
0x196: {  	s13 =	simm.s32 $0x0;
	s0 =	sand.u32 $0x7800, s9;
	v31 =	vand.u32 $0xFFFFF800, v2;
	v2 =	vshll.u32 v4, $0x7;
	v4 =	vadd.s32 v8, v27  }
0x197: {  	s3 =	sand.u32 $0x300, s13;
	s20 =	sadd.s32 $0x0, s25;
	s11 =	sadd.s32 $0x13100, s0;
	v6 =	vadd.s32 v5, v31;
	v34 =	vand.u32 $0x380, v2;
	v2 =	vshll.u32 v17, $0x3  }
0x198: {  	s26 =	sadd.s32 s3, s11;
	s3 =	sadd.s32 $0x62, s20;
	v33 =	vadd.s32 v20, v31;
	v43 =	vadd.s32 v24, v31;
	v35 =	vadd.s32 v22, v31  }
0x199: {  	v45 =	vadd.s32 v14, v31;
	v42 =	vmov s3;
	v23 =	vand.u32 $0xFFFFFC00, v2  }
0x19a: {  	v2 =	vand.u32 $0x7F, v25;
	v44 =	vor.u32 v34, v35;
	v29 =	vld.idx.msk [tilespmem:v1+s15+$0x0], $0xffff;
	v1 =	vor.u32 v26, v4  }
0x19b: {  	v39 =	vor.u32 v13, v44;
	v4 =	vor.u32 v34, v6;
	v30 =	vor.u32 v7, v1  }
0x19c: {  	s10 =	simm.s32 $0x80;
	v6 =	vand.u32 $0x7F, v19;
	v32 =	vor.u32 v3, v4;
	v1 =	vshll.u32 v19, $0x3  }
0x19d: {  	s12 =	sand.u32 $0x380, s10;
	v4 =	vshll.u32 v25, $0x3;
	v19 =	vshll.u32 v28, $0x3;
	v25 =	vadd.s32 v12, v27  }
0x19e: {  	s0 =	sadd.s32 s12, s11;
	v17 =	vand.u32 $0xFFFFFC00, v1;
	v4 =	vand.u32 $0xFFFFFC00, v4;
	v1 =	vand.u32 $0x7F, v28  }
0x19f: {  	v28 =	vadd.s32 v8, v31;
	v25 =	vor.u32 v26, v25;
	[tilespmem:s0+$0x0] =	vst v29;
	v29 =	vadd.s32 v12, v31  }
0x1a0: {  	v19 =	vand.u32 $0xFFFFFC00, v19;
	v28 =	vor.u32 v34, v28;
	v30 =	vld.idx.msk [tilespmem:v30+s15+$0x0], $0xffff;
	v29 =	vor.u32 v34, v29  }
0x1a1: {  	v25 =	vor.u32 v11, v25;
	v32 =	vld.idx.msk [tilespmem:v32+s15+$0x0], $0xffff;
	v36 =	vor.u32 v11, v29;
	v29 =	vor.u32 v34, v33  }
0x1a2: {  	v28 =	vor.u32 v7, v28;
	v37 =	vor.u32 v15, v29;
	v29 =	vor.u32 v34, v43  }
0x1a3: {  	v47 =	vadd.s32 v17, v31;
	v38 =	vor.u32 v21, v29;
	v29 =	vadd.s32 v20, v27  }
0x1a4: {  	v48 =	vadd.s32 v4, v31;
	v41 =	vadd.s32 v19, v31;
	v29 =	vor.u32 v26, v29  }
0x1a5: {  	s21 =	sadd.s32 $0x63, s20;
	v43 =	vshll.u32 v42, $0x8;
	[tilespmem:s0+$0x10] =	vst v30;
	v30 =	vadd.s32 v18, v31;
	v40 =	vor.u32 v15, v29  }
0x1a6: {  	[tilespmem:s26+$0x0] =	vst v32;
	v29 =	vadd.s32 v23, v31;
	v32 =	vor.u32 v34, v48;
	v31 =	vmov s21;
	v25 =	vld.idx.msk [tilespmem:v25+s15+$0x0], $0xffff  }
0x1a7: {  	v30 =	vor.u32 v34, v30;
	v46 =	vld.idx.msk [tilespmem:v28+s15+$0x0], $0xffff;
	v28 =	vor.u32 v34, v45;
	v29 =	vor.u32 v34, v29  }
0x1a8: {  	v33 =	vor.u32 v2, v32;
	v49 =	vshll.u32 v31, $0x8;
	v31 =	vshll.u32 v31, $0x7  }
0x1a9: {  	v35 =	vor.u32 v10, v30;
	v30 =	vor.u32 v16, v29;
	v32 =	vand.u32 $0xFFFFF800, v49  }
0x1aa: {  	v29 =	vor.u32 v34, v47;
	v31 =	vand.u32 $0x380, v31;
	v44 =	vadd.s32 v5, v32  }
0x1ab: {  	v34 =	vor.u32 v34, v41;
	v50 =	vor.u32 v31, v44;
	[tilespmem:s0+$0x20] =	vst v25;
	v25 =	vadd.s32 v24, v27  }
0x1ac: {  	v41 =	vand.u32 $0xFFFFF800, v43;
	v43 =	vor.u32 v3, v50;
	[tilespmem:s26+$0x10] =	vst v46;
	v40 =	vld.idx.msk [tilespmem:v40+s15+$0x0], $0xffff;
	v25 =	vor.u32 v26, v25  }
0x1ad: {  	v51 =	vadd.s32 v22, v27;
	v42 =	vshll.u32 v42, $0x7;
	v36 =	vld.idx.msk [tilespmem:v36+s15+$0x0], $0xffff;
	v25 =	vor.u32 v21, v25  }
0x1ae: {  	v28 =	vor.u32 v9, v28;
	v29 =	vor.u32 v6, v29;
	v52 =	vadd.s32 v5, v41  }
0x1af: {  	v53 =	vadd.s32 v8, v41;
	v56 =	vadd.s32 v12, v41;
	v44 =	vand.u32 $0x380, v42  }
0x1b0: {  	v47 =	vadd.s32 v20, v41;
	v45 =	vor.u32 v44, v52;
	v46 =	vadd.s32 v8, v32  }
0x1b1: {  	v55 =	vor.u32 v3, v45;
	v46 =	vor.u32 v31, v46;
	v43 =	vld.idx.msk [tilespmem:v43+s15+$0x0], $0xffff;
	[tilespmem:s0+$0x30] =	vst v40  }
0x1b2: {  	s29 =	simm.s32 $0x200;
	v57 =	vor.u32 v7, v46;
	[tilespmem:s26+$0x20] =	vst v36;
	v40 =	vor.u32 v26, v51;
	v25 =	vld.idx.msk [tilespmem:v25+s15+$0x0], $0xffff  }
0x1b3: {  	s30 =	simm.s32 $0x180;
	s3 =	sand.u32 $0x7800, s29;
	v58 =	vadd.s32 v24, v41;
	v61 =	vadd.s32 v22, v41;
	v37 =	vld.idx.msk [tilespmem:v37+s15+$0x0], $0xffff;
	v40 =	vor.u32 v13, v40  }
0x1b4: {  	s4 =	sand.u32 $0x380, s30;
	s3 =	sadd.s32 $0x13100, s3;
	v62 =	vadd.s32 v18, v41;
	v54 =	vor.u32 v44, v53;
	v59 =	vor.u32 v44, v47  }
0x1b5: {  	s5 =	sadd.s32 s4, s3;
	v50 =	vadd.s32 v12, v32;
	v45 =	vor.u32 v44, v56;
	v56 =	vadd.s32 v14, v27  }
0x1b6: {  	v60 =	vld.idx.msk [tilespmem:v55+s15+$0x0], $0xffff;
	v36 =	vor.u32 v1, v34;
	v34 =	vor.u32 v7, v54;
	[tilespmem:s5+$0x0] =	vst v43  }
0x1b7: {  	v54 =	vor.u32 v31, v50;
	v63 =	vld.idx.msk [tilespmem:v57+s15+$0x0], $0xffff;
	[tilespmem:s0+$0x40] =	vst v25;
	v25 =	vadd.s32 v18, v27  }
0x1b8: {  	s31 =	simm.s32 $0x100;
	v51 =	vor.u32 v11, v54;
	[tilespmem:s26+$0x30] =	vst v37;
	v40 =	vld.idx.msk [tilespmem:v40+s15+$0x0], $0xffff;
	v25 =	vor.u32 v26, v25  }
0x1b9: {  	s4 =	sand.u32 $0x300, s31;
	v48 =	vor.u32 v11, v45;
	v46 =	vor.u32 v15, v59;
	v38 =	vld.idx.msk [tilespmem:v38+s15+$0x0], $0xffff;
	v25 =	vor.u32 v10, v25  }
0x1ba: {  	s28 =	sadd.s32 s4, s3;
	v59 =	vadd.s32 v23, v41;
	v55 =	vadd.s32 v14, v41;
	v43 =	vor.u32 v44, v62  }
0x1bb: {  	[tilespmem:s28+$0x0] =	vst v60;
	v57 =	vor.u32 v44, v55;
	v45 =	vor.u32 v10, v43;
	v37 =	vor.u32 v44, v58  }
0x1bc: {  	s4 =	sadd.s32 $0x2, s25;
	v60 =	vadd.s32 v17, v41;
	v58 =	vld.idx.msk [tilespmem:v34+s15+$0x0], $0xffff;
	v49 =	vor.u32 v21, v37;
	[tilespmem:s5+$0x10] =	vst v63  }
0x1bd: {  	s9 =	sadd.s32 $0x62, s4;
	v37 =	vor.u32 v44, v61;
	v61 =	vadd.s32 v20, v32;
	v62 =	vld.idx.msk [tilespmem:v51+s15+$0x0], $0xffff;
	[tilespmem:s0+$0x50] =	vst v40  }
0x1be: {  	v47 =	vmov s9;
	v43 =	vor.u32 v44, v60;
	v52 =	vor.u32 v31, v61;
	[tilespmem:s26+$0x40] =	vst v38;
	v25 =	vld.idx.msk [tilespmem:v25+s15+$0x0], $0xffff  }
0x1bf: {  	v34 =	vor.u32 v9, v57;
	v55 =	vor.u32 v15, v52;
	v40 =	vor.u32 v26, v56;
	v39 =	vld.idx.msk [tilespmem:v39+s15+$0x0], $0xffff  }
0x1c0: {  	v42 =	vor.u32 v13, v37;
	v63 =	vadd.s32 v4, v41;
	v40 =	vor.u32 v9, v40  }
0x1c1: {  	v37 =	vor.u32 v6, v43;
	v61 =	vshll.u32 v47, $0x8;
	v54 =	vor.u32 v44, v63;
	[tilespmem:s28+$0x10] =	vst v58  }
0x1c2: {  	v63 =	vadd.s32 v17, v27;
	v51 =	vand.u32 $0xFFFFF800, v61;
	v61 =	vadd.s32 v22, v32;
	[tilespmem:s5+$0x20] =	vst v62  }
0x1c3: {  	v58 =	vadd.s32 v24, v32;
	v52 =	vor.u32 v31, v61;
	v38 =	vor.u32 v44, v59;
	[tilespmem:s0+$0x60] =	vst v25  }
0x1c4: {  	v47 =	vshll.u32 v47, $0x7;
	v56 =	vadd.s32 v23, v27;
	v60 =	vld.idx.msk [tilespmem:v55+s15+$0x0], $0xffff;
	[tilespmem:s26+$0x50] =	vst v39;
	v39 =	vor.u32 v31, v58  }
0x1c5: {  	s3 =	sadd.s32 $0x63, s4;
	v57 =	vor.u32 v26, v56;
	v25 =	vadd.s32 v19, v41;
	v40 =	vld.idx.msk [tilespmem:v40+s15+$0x0], $0xffff;
	v53 =	vor.u32 v21, v39  }
0x1c6: {  	v59 =	vmov s3;
	v25 =	vor.u32 v44, v25;
	v44 =	vor.u32 v16, v57;
	v35 =	vld.idx.msk [tilespmem:v35+s15+$0x0], $0xffff  }
0x1c7: {  	v43 =	vld.idx.msk [tilespmem:v48+s15+$0x0], $0xffff;
	v52 =	vor.u32 v13, v52;
	v38 =	vor.u32 v16, v38;
	v48 =	vshll.u32 v59, $0x7  }
0x1c8: {  	v56 =	vor.u32 v26, v63;
	v63 =	vadd.s32 v20, v51;
	v62 =	vshll.u32 v59, $0x8  }
0x1c9: {  	v59 =	vadd.s32 v5, v51;
	v55 =	vadd.s32 v4, v27;
	v27 =	vadd.s32 v19, v27;
	[tilespmem:s5+$0x30] =	vst v60  }
0x1ca: {  	v47 =	vand.u32 $0x380, v47;
	v55 =	vor.u32 v26, v55;
	v26 =	vor.u32 v26, v27;
	[tilespmem:s0+$0x70] =	vst v40;
	v53 =	vld.idx.msk [tilespmem:v53+s15+$0x0], $0xffff  }
0x1cb: {  	v41 =	vor.u32 v2, v54;
	v39 =	vand.u32 $0xFFFFF800, v62;
	[tilespmem:s26+$0x60] =	vst v35;
	v35 =	vor.u32 v47, v59;
	v57 =	vld.idx.msk [tilespmem:v44+s15+$0x0], $0xffff  }
0x1cc: {  	v54 =	vadd.s32 v5, v39;
	v40 =	vand.u32 $0x380, v48;
	v35 =	vor.u32 v3, v35  }
0x1cd: {  	[tilespmem:s28+$0x20] =	vst v43;
	v62 =	vadd.s32 v12, v51;
	v48 =	vor.u32 v6, v56;
	v58 =	vor.u32 v40, v54  }
0x1ce: {  	v46 =	vld.idx.msk [tilespmem:v46+s15+$0x0], $0xffff;
	v43 =	vor.u32 v47, v62;
	v60 =	vadd.s32 v8, v51;
	v44 =	vor.u32 v3, v58  }
0x1cf: {  	v50 =	vor.u32 v47, v60;
	v60 =	vadd.s32 v18, v32;
	v28 =	vld.idx.msk [tilespmem:v28+s15+$0x0], $0xffff;
	[tilespmem:s5+$0x40] =	vst v53  }
0x1d0: {  	[tilespmem:s0+$0x400] =	vst v57;
	v57 =	vor.u32 v11, v43;
	v43 =	vld.idx.msk [tilespmem:v52+s15+$0x0], $0xffff;
	v52 =	vor.u32 v31, v60  }
0x1d1: {  	s10 =	simm.s32 $0x400;
	v55 =	vor.u32 v2, v55;
	v26 =	vor.u32 v1, v26;
	v61 =	vld.idx.msk [tilespmem:v35+s15+$0x0], $0xffff;
	v52 =	vor.u32 v10, v52  }
0x1d2: {  	s11 =	simm.s32 $0x280;
	s3 =	sand.u32 $0x7800, s10;
	v25 =	vor.u32 v1, v25;
	v50 =	vor.u32 v7, v50;
	v56 =	vadd.s32 v8, v39;
	v48 =	vld.idx.msk [tilespmem:v48+s15+$0x0], $0xffff  }
0x1d3: {  	s12 =	simm.s32 $0x200;
	s4 =	sand.u32 $0x380, s11;
	s3 =	sadd.s32 $0x13100, s3;
	v62 =	vadd.s32 v22, v51;
	[tilespmem:s28+$0x30] =	vst v46;
	v56 =	vor.u32 v40, v56;
	v44 =	vld.idx.msk [tilespmem:v44+s15+$0x0], $0xffff  }
0x1d4: {  	s13 =	sadd.s32 s4, s3;
	s4 =	sand.u32 $0x300, s12;
	v59 =	vadd.s32 v24, v51;
	v49 =	vld.idx.msk [tilespmem:v49+s15+$0x0], $0xffff;
	v54 =	vor.u32 v7, v56;
	[tilespmem:s26+$0x70] =	vst v28  }
0x1d5: {  	s4 =	sadd.s32 s4, s3;
	v46 =	vor.u32 v47, v59;
	v59 =	vadd.s32 v14, v32;
	v30 =	vld.idx.msk [tilespmem:v30+s15+$0x0], $0xffff;
	[tilespmem:s5+$0x50] =	vst v43  }
0x1d6: {  	v58 =	vor.u32 v47, v63;
	v63 =	vadd.s32 v18, v51;
	[tilespmem:s4+$0x0] =	vst v61;
	v52 =	vld.idx.msk [tilespmem:v52+s15+$0x0], $0xffff  }
0x1d7: {  	v46 =	vor.u32 v21, v46;
	v27 =	vor.u32 v47, v63;
	[tilespmem:s0+$0x410] =	vst v48;
	v50 =	vld.idx.msk [tilespmem:v50+s15+$0x0], $0xffff  }
0x1d8: {  	v53 =	vor.u32 v15, v58;
	v58 =	vadd.s32 v12, v39;
	[tilespmem:s13+$0x0] =	vst v44;
	v48 =	vld.idx.msk [tilespmem:v55+s15+$0x0], $0xffff  }
0x1d9: {  	[tilespmem:s28+$0x40] =	vst v49;
	v35 =	vor.u32 v47, v62;
	v60 =	vor.u32 v31, v59;
	v54 =	vld.idx.msk [tilespmem:v54+s15+$0x0], $0xffff  }
0x1da: {  	v59 =	vadd.s32 v23, v32;
	v35 =	vor.u32 v13, v35;
	[tilespmem:s26+$0x400] =	vst v30;
	v55 =	vor.u32 v40, v58  }
0x1db: {  	v44 =	vor.u32 v10, v27;
	v27 =	vadd.s32 v14, v51;
	v28 =	vor.u32 v11, v55;
	[tilespmem:s5+$0x60] =	vst v52  }
0x1dc: {  	v49 =	vor.u32 v9, v60;
	v60 =	vor.u32 v31, v59;
	v27 =	vor.u32 v47, v27;
	[tilespmem:s4+$0x10] =	vst v50  }
0x1dd: {  	v43 =	vor.u32 v9, v27;
	v27 =	vadd.s32 v23, v51;
	[tilespmem:s0+$0x420] =	vst v48;
	v48 =	vld.idx.msk [tilespmem:v42+s15+$0x0], $0xffff  }
0x1de: {  	v61 =	vadd.s32 v17, v51;
	v27 =	vor.u32 v47, v27;
	[tilespmem:s13+$0x10] =	vst v54;
	v52 =	vld.idx.msk [tilespmem:v57+s15+$0x0], $0xffff  }
0x1df: {  	v42 =	vor.u32 v16, v27;
	v27 =	vadd.s32 v20, v39;
	v54 =	vld.idx.msk [tilespmem:v26+s15+$0x0], $0xffff;
	v26 =	vor.u32 v47, v61  }
0x1e0: {  	v62 =	vld.idx.msk [tilespmem:v28+s15+$0x0], $0xffff;
	v27 =	vor.u32 v40, v27;
	v28 =	vor.u32 v6, v26;
	v26 =	vadd.s32 v4, v51  }
0x1e1: {  	v49 =	vld.idx.msk [tilespmem:v49+s15+$0x0], $0xffff;
	v63 =	vor.u32 v15, v27;
	v51 =	vadd.s32 v19, v51;
	v26 =	vor.u32 v47, v26  }
0x1e2: {  	s20 =	sadd.s32 $0x4, s25;
	v61 =	vadd.s32 v24, v39;
	v27 =	vor.u32 v2, v26;
	v26 =	vor.u32 v47, v51;
	[tilespmem:s28+$0x50] =	vst v48  }
0x1e3: {  	s21 =	sadd.s32 $0x62, s20;
	v47 =	vor.u32 v16, v60;
	v60 =	vadd.s32 v17, v32;
	[tilespmem:s4+$0x20] =	vst v52;
	v45 =	vld.idx.msk [tilespmem:v45+s15+$0x0], $0xffff  }
0x1e4: {  	s3 =	sadd.s32 $0x63, s20;
	v50 =	vmov s21;
	v48 =	vor.u32 v40, v61;
	v51 =	vor.u32 v31, v60;
	[tilespmem:s0+$0x430] =	vst v54;
	v54 =	vld.idx.msk [tilespmem:v29+s15+$0x0], $0xffff  }
0x1e5: {  	v60 =	vadd.s32 v22, v39;
	[tilespmem:s13+$0x20] =	vst v62;
	v62 =	vmov s3;
	v48 =	vor.u32 v21, v48;
	v53 =	vld.idx.msk [tilespmem:v53+s15+$0x0], $0xffff  }
0x1e6: {  	v51 =	vor.u32 v6, v51;
	v55 =	vld.idx.msk [tilespmem:v63+s15+$0x0], $0xffff;
	v63 =	vshll.u32 v50, $0x8;
	v30 =	vshll.u32 v62, $0x8  }
0x1e7: {  	v50 =	vshll.u32 v50, $0x7;
	v29 =	vand.u32 $0xFFFFF800, v30;
	v30 =	vshll.u32 v62, $0x7  }
0x1e8: {  	[tilespmem:s5+$0x70] =	vst v49;
	v52 =	vand.u32 $0xFFFFF800, v63;
	v50 =	vand.u32 $0x380, v50;
	v61 =	vadd.s32 v5, v29  }
0x1e9: {  	v30 =	vand.u32 $0x380, v30;
	v47 =	vld.idx.msk [tilespmem:v47+s15+$0x0], $0xffff;
	v62 =	vadd.s32 v5, v52;
	v63 =	vadd.s32 v8, v52;
	[tilespmem:s28+$0x60] =	vst v45  }
0x1ea: {  	v49 =	vor.u32 v30, v61;
	v61 =	vor.u32 v40, v60;
	v60 =	vadd.s32 v8, v29;
	[tilespmem:s26+$0x410] =	vst v54  }
0x1eb: {  	v49 =	vor.u32 v3, v49;
	v45 =	vor.u32 v50, v62;
	v62 =	vadd.s32 v12, v52;
	[tilespmem:s4+$0x30] =	vst v53  }
0x1ec: {  	v57 =	vor.u32 v30, v60;
	v60 =	vadd.s32 v18, v39;
	v34 =	vld.idx.msk [tilespmem:v34+s15+$0x0], $0xffff;
	[tilespmem:s13+$0x30] =	vst v55  }
0x1ed: {  	v55 =	vor.u32 v50, v63;
	v56 =	vld.idx.msk [tilespmem:v33+s15+$0x0], $0xffff;
	v33 =	vor.u32 v3, v45;
	v45 =	vor.u32 v13, v61  }
0x1ee: {  	v63 =	vadd.s32 v4, v32;
	v61 =	vadd.s32 v20, v52;
	v32 =	vadd.s32 v19, v32;
	v48 =	vld.idx.msk [tilespmem:v48+s15+$0x0], $0xffff  }
0x1ef: {  	v54 =	vor.u32 v7, v55;
	v55 =	vor.u32 v31, v63;
	v63 =	vadd.s32 v24, v52;
	[tilespmem:s5+$0x400] =	vst v47  }
0x1f0: {  	v47 =	vor.u32 v50, v62;
	v53 =	vor.u32 v2, v55;
	v55 =	vor.u32 v40, v60;
	v60 =	vld.idx.msk [tilespmem:v46+s15+$0x0], $0xffff  }
0x1f1: {  	v31 =	vor.u32 v31, v32;
	v62 =	vor.u32 v50, v61;
	v51 =	vld.idx.msk [tilespmem:v51+s15+$0x0], $0xffff;
	v58 =	vor.u32 v11, v47  }
0x1f2: {  	v47 =	vor.u32 v7, v57;
	v59 =	vor.u32 v15, v62;
	v57 =	vadd.s32 v22, v52;
	v49 =	vld.idx.msk [tilespmem:v49+s15+$0x0], $0xffff  }
0x1f3: {  	s29 =	simm.s32 $0x600;
	v62 =	vadd.s32 v18, v52;
	v61 =	vor.u32 v50, v57;
	v33 =	vld.idx.msk [tilespmem:v33+s15+$0x0], $0xffff;
	[tilespmem:s13+$0x40] =	vst v48  }
0x1f4: {  	s30 =	simm.s32 $0x380;
	s0 =	sand.u32 $0x7800, s29;
	v57 =	vor.u32 v50, v62;
	v62 =	vadd.s32 v14, v52;
	[tilespmem:s28+$0x70] =	vst v34;
	v45 =	vld.idx.msk [tilespmem:v45+s15+$0x0], $0xffff  }
0x1f5: {  	s11 =	simm.s32 $0x300;
	s10 =	sand.u32 $0x380, s30;
	s31 =	sadd.s32 $0x13100, s0;
	v31 =	vor.u32 v1, v31;
	v55 =	vor.u32 v10, v55;
	v32 =	vor.u32 v50, v62;
	[tilespmem:s26+$0x420] =	vst v56  }
0x1f6: {  	s3 =	sand.u32 $0x300, s11;
	s0 =	sadd.s32 s10, s31;
	v62 =	vadd.s32 v20, v29;
	v48 =	vor.u32 v50, v63;
	v38 =	vld.idx.msk [tilespmem:v38+s15+$0x0], $0xffff;
	[tilespmem:s5+$0x410] =	vst v51  }
0x1f7: {  	s3 =	sadd.s32 s3, s31;
	v63 =	vadd.s32 v12, v29;
	v46 =	vor.u32 v21, v48;
	[tilespmem:s0+$0x0] =	vst v49;
	v49 =	vld.idx.msk [tilespmem:v53+s15+$0x0], $0xffff  }
0x1f8: {  	v48 =	vor.u32 v13, v61;
	v61 =	vor.u32 v30, v63;
	v53 =	vld.idx.msk [tilespmem:v47+s15+$0x0], $0xffff;
	[tilespmem:s3+$0x0] =	vst v33  }
0x1f9: {  	v34 =	vor.u32 v9, v32;
	v54 =	vld.idx.msk [tilespmem:v54+s15+$0x0], $0xffff;
	[tilespmem:s13+$0x50] =	vst v45;
	v45 =	vor.u32 v11, v61  }
0x1fa: {  	v63 =	vadd.s32 v14, v39;
	[tilespmem:s4+$0x40] =	vst v60;
	v60 =	vadd.s32 v23, v52;
	v47 =	vor.u32 v10, v57  }
0x1fb: {  	v57 =	vor.u32 v40, v63;
	v33 =	vor.u32 v50, v60;
	v63 =	vadd.s32 v4, v52;
	v51 =	vld.idx.msk [tilespmem:v55+s15+$0x0], $0xffff  }
0x1fc: {  	v32 =	vor.u32 v9, v57;
	v61 =	vadd.s32 v17, v52;
	v55 =	vld.idx.msk [tilespmem:v35+s15+$0x0], $0xffff;
	[tilespmem:s5+$0x420] =	vst v49  }
0x1fd: {  	v35 =	vor.u32 v16, v33;
	[tilespmem:s0+$0x10] =	vst v53;
	v49 =	vld.idx.msk [tilespmem:v31+s15+$0x0], $0xffff;
	v31 =	vor.u32 v50, v61  }
0x1fe: {  	v33 =	vor.u32 v6, v31;
	v31 =	vor.u32 v30, v62;
	[tilespmem:s3+$0x10] =	vst v54;
	v45 =	vld.idx.msk [tilespmem:v45+s15+$0x0], $0xffff  }
0x1ff: {  	[tilespmem:s28+$0x400] =	vst v38;
	v61 =	vadd.s32 v19, v52;
	v60 =	vor.u32 v15, v31;
	v52 =	vld.idx.msk [tilespmem:v58+s15+$0x0], $0xffff  }
0x200: {  	s12 =	sadd.s32 $0x6, s25;
	v26 =	vor.u32 v1, v26;
	v62 =	vadd.s32 v23, v39;
	v31 =	vor.u32 v50, v63;
	[tilespmem:s13+$0x60] =	vst v51  }
0x201: {  	s20 =	sadd.s32 $0x62, s12;
	v63 =	vor.u32 v40, v62;
	v50 =	vor.u32 v50, v61;
	[tilespmem:s4+$0x50] =	vst v55;
	v53 =	vld.idx.msk [tilespmem:v32+s15+$0x0], $0xffff  }
0x202: {  	v58 =	vadd.s32 v24, v29;
	v32 =	vor.u32 v1, v50;
	v44 =	vld.idx.msk [tilespmem:v44+s15+$0x0], $0xffff;
	v50 =	vmov s20;
	[tilespmem:s5+$0x430] =	vst v49  }
0x203: {  	v51 =	vor.u32 v16, v63;
	v61 =	vor.u32 v30, v58;
	v62 =	vshll.u32 v50, $0x8;
	[tilespmem:s0+$0x20] =	vst v45;
	v45 =	vld.idx.msk [tilespmem:v37+s15+$0x0], $0xffff  }
0x204: {  	v31 =	vor.u32 v2, v31;
	v56 =	vor.u32 v21, v61;
	s5 =	sadd.s32 $0x63, s12;
	v57 =	vand.u32 $0xFFFFF800, v62;
	[tilespmem:s3+$0x20] =	vst v52;
	v49 =	vld.idx.msk [tilespmem:v60+s15+$0x0], $0xffff  }
0x205: {  	v50 =	vshll.u32 v50, $0x7;
	v60 =	vmov s5;
	v54 =	vld.idx.msk [tilespmem:v59+s15+$0x0], $0xffff;
	v59 =	vadd.s32 v8, v57  }
0x206: {  	v63 =	vshll.u32 v60, $0x8;
	v58 =	vshll.u32 v60, $0x7;
	v60 =	vadd.s32 v17, v39  }
0x207: {  	v38 =	vld.idx.msk [tilespmem:v36+s15+$0x0], $0xffff;
	[tilespmem:s13+$0x70] =	vst v53;
	v37 =	vand.u32 $0xFFFFF800, v63;
	v36 =	vand.u32 $0x380, v58;
	v53 =	vor.u32 v40, v60  }
0x208: {  	[tilespmem:s4+$0x60] =	vst v44;
	v51 =	vld.idx.msk [tilespmem:v51+s15+$0x0], $0xffff;
	v63 =	vadd.s32 v5, v57;
	v58 =	vand.u32 $0x380, v50;
	v60 =	vadd.s32 v22, v29  }
0x209: {  	v61 =	vadd.s32 v5, v37;
	v52 =	vor.u32 v6, v53;
	v53 =	vld.idx.msk [tilespmem:v43+s15+$0x0], $0xffff;
	v43 =	vor.u32 v58, v63  }
0x20a: {  	v63 =	vadd.s32 v12, v57;
	v62 =	vor.u32 v36, v61;
	[tilespmem:s28+$0x410] =	vst v45;
	v43 =	vor.u32 v3, v43  }
0x20b: {  	v61 =	vor.u32 v58, v59;
	v45 =	vor.u32 v58, v63;
	v44 =	vor.u32 v3, v62;
	[tilespmem:s0+$0x30] =	vst v49  }
0x20c: {  	v62 =	vor.u32 v30, v60;
	v55 =	vor.u32 v7, v61;
	v60 =	vadd.s32 v4, v39;
	[tilespmem:s3+$0x30] =	vst v54  }
0x20d: {  	v39 =	vadd.s32 v19, v39;
	v50 =	vld.idx.msk [tilespmem:v56+s15+$0x0], $0xffff;
	v49 =	vor.u32 v13, v62;
	[tilespmem:s13+$0x400] =	vst v51  }
0x20e: {  	v56 =	vor.u32 v40, v60;
	v60 =	vor.u32 v11, v45;
	v51 =	vadd.s32 v20, v57;
	v52 =	vld.idx.msk [tilespmem:v52+s15+$0x0], $0xffff  }
0x20f: {  	v62 =	vadd.s32 v24, v57;
	v39 =	vor.u32 v40, v39;
	v61 =	vor.u32 v58, v51;
	v51 =	vld.idx.msk [tilespmem:v43+s15+$0x0], $0xffff  }
0x210: {  	v54 =	vor.u32 v2, v56;
	v63 =	vor.u32 v58, v62;
	v59 =	vld.idx.msk [tilespmem:v44+s15+$0x0], $0xffff;
	v44 =	vadd.s32 v8, v37  }
0x211: {  	s11 =	simm.s32 $0x800;
	v62 =	vadd.s32 v22, v57;
	[tilespmem:s4+$0x70] =	vst v53;
	v53 =	vor.u32 v1, v39;
	v44 =	vor.u32 v36, v44  }
0x212: {  	s21 =	sand.u32 $0x7800, s11;
	s31 =	simm.s32 $0x400;
	v41 =	vld.idx.msk [tilespmem:v41+s15+$0x0], $0xffff;
	v45 =	vor.u32 v15, v61;
	v61 =	vadd.s32 v18, v29;
	v56 =	vor.u32 v7, v44  }
0x213: {  	s29 =	sadd.s32 $0x13100, s21;
	s10 =	sand.u32 $0x300, s31;
	s20 =	simm.s32 $0x480;
	v43 =	vor.u32 v58, v62;
	[tilespmem:s0+$0x40] =	vst v50;
	v50 =	vor.u32 v30, v61;
	v61 =	vld.idx.msk [tilespmem:v46+s15+$0x0], $0xffff  }
0x214: {  	s9 =	sadd.s32 s10, s29;
	s30 =	sand.u32 $0x380, s20;
	v49 =	vld.idx.msk [tilespmem:v49+s15+$0x0], $0xffff;
	v44 =	vor.u32 v21, v63;
	v63 =	vadd.s32 v18, v57;
	[tilespmem:s13+$0x410] =	vst v52  }
0x215: {  	s5 =	sadd.s32 s30, s29;
	v62 =	vadd.s32 v12, v37;
	v46 =	vor.u32 v10, v50;
	v63 =	vor.u32 v58, v63;
	[tilespmem:s9+$0x0] =	vst v51  }
0x216: {  	v43 =	vor.u32 v13, v43;
	v50 =	vld.idx.msk [tilespmem:v54+s15+$0x0], $0xffff;
	v39 =	vor.u32 v10, v63;
	[tilespmem:s5+$0x0] =	vst v59  }
0x217: {  	v63 =	vadd.s32 v14, v29;
	v59 =	vor.u32 v36, v62;
	v62 =	vadd.s32 v14, v57;
	v54 =	vld.idx.msk [tilespmem:v56+s15+$0x0], $0xffff  }
0x218: {  	v52 =	vor.u32 v11, v59;
	v40 =	vor.u32 v58, v62;
	v59 =	vld.idx.msk [tilespmem:v55+s15+$0x0], $0xffff;
	[tilespmem:s3+$0x40] =	vst v61  }
0x219: {  	v55 =	vor.u32 v30, v63;
	v63 =	vadd.s32 v20, v37;
	[tilespmem:s0+$0x50] =	vst v49;
	v61 =	vld.idx.msk [tilespmem:v48+s15+$0x0], $0xffff  }
0x21a: {  	v56 =	vadd.s32 v23, v57;
	v63 =	vor.u32 v36, v63;
	v49 =	vld.idx.msk [tilespmem:v46+s15+$0x0], $0xffff;
	v46 =	vor.u32 v9, v40  }
0x21b: {  	v40 =	vor.u32 v9, v55;
	v55 =	vor.u32 v58, v56;
	[tilespmem:s13+$0x420] =	vst v50;
	v50 =	vld.idx.msk [tilespmem:v42+s15+$0x0], $0xffff  }
0x21c: {  	v56 =	vadd.s32 v17, v57;
	v51 =	vor.u32 v16, v55;
	v62 =	vld.idx.msk [tilespmem:v53+s15+$0x0], $0xffff;
	[tilespmem:s5+$0x10] =	vst v54  }
0x21d: {  	v48 =	vor.u32 v58, v56;
	v56 =	vadd.s32 v4, v57;
	[tilespmem:s9+$0x10] =	vst v59;
	v55 =	vld.idx.msk [tilespmem:v52+s15+$0x0], $0xffff  }
0x21e: {  	v57 =	vadd.s32 v19, v57;
	[tilespmem:s3+$0x50] =	vst v61;
	v52 =	vor.u32 v58, v56;
	v56 =	vor.u32 v15, v63  }
0x21f: {  	v48 =	vor.u32 v6, v48;
	v59 =	vadd.s32 v23, v29;
	v54 =	vld.idx.msk [tilespmem:v60+s15+$0x0], $0xffff;
	[tilespmem:s0+$0x60] =	vst v49  }
0x220: {  	v63 =	vor.u32 v58, v57;
	v49 =	vor.u32 v2, v52;
	v52 =	vld.idx.msk [tilespmem:v40+s15+$0x0], $0xffff;
	v40 =	vor.u32 v30, v59  }
0x221: {  	s12 =	simm.s32 $0x8;
	v47 =	vld.idx.msk [tilespmem:v47+s15+$0x0], $0xffff;
	v42 =	vor.u32 v1, v63;
	v53 =	vor.u32 v16, v40;
	[tilespmem:s13+$0x430] =	vst v62  }
.LBB2_9:
0x222: {  	s10 =	sadd.s32 s12, s25;
	s12 =	sadd.s32 $0x2, s12;
	[tilespmem:s5+$0x20] =	vst v55;
	v40 =	vmovc v51;
	v51 =	vmovc v27;
	v27 =	vmov v31;
	v31 =	vmov v49;
	v49 =	vmov v32  }
0x223: {  	v32 =	vmov v42;
	s13 =	sadd.s32 $0x62, s10;
	s10 =	sadd.s32 $0x63, s10;
	p0 =	slt.u32 s12, $0x5E;
	v55 =	vld.idx.msk [tilespmem:v56+s15+$0x0], $0xffff;
	v56 =	vadd.s32 v24, v37;
	[tilespmem:s4+$0x400] =	vst v50  }
0x224: {  	v50 =	vmov s13;
	v42 =	vmov s10;
	v56 =	vor.u32 v36, v56;
	v57 =	vld.idx.msk [tilespmem:v28+s15+$0x0], $0xffff;
	[tilespmem:s28+$0x420] =	vst v41;
	v28 =	vmovc v33;
	v33 =	vmovc v48  }
0x225: {  	v41 =	vshll.u32 v50, $0x8;
	v48 =	vshll.u32 v42, $0x8;
	v56 =	vor.u32 v21, v56;
	[tilespmem:s0+$0x70] =	vst v52;
	v52 =	vld.idx.msk [tilespmem:v25+s15+$0x0], $0xffff;
	v25 =	vmovc v26  }
0x226: {  	v42 =	vshll.u32 v42, $0x7;
	v26 =	vmovc v49;
	v48 =	vand.u32 $0xFFFFF800, v48;
	[tilespmem:s9+$0x20] =	vst v54;
	v53 =	vld.idx.msk [tilespmem:v53+s15+$0x0], $0xffff;
	v54 =	vadd.s32 v17, v29  }
0x227: {  	v58 =	vand.u32 $0x380, v42;
	v49 =	vadd.s32 v5, v48;
	v45 =	vld.idx.msk [tilespmem:v45+s15+$0x0], $0xffff;
	[tilespmem:s3+$0x60] =	vst v47;
	v47 =	vor.u32 v30, v54  }
0x228: {  	v42 =	vand.u32 $0xFFFFF800, v41;
	v41 =	vor.u32 v58, v49;
	v49 =	vld.idx.msk [tilespmem:v34+s15+$0x0], $0xffff;
	v47 =	vor.u32 v6, v47;
	[tilespmem:s26+$0x430] =	vst v38;
	s26 =	smov.u32 s28;
	s28 =	smov.u32 s4;
	s4 =	smov.u32 s3  }
0x229: {  	v50 =	vshll.u32 v50, $0x7;
	v38 =	vadd.s32 v5, v42;
	v34 =	vmovc v46;
	s3 =	smov.u32 s9;
	v54 =	vor.u32 v3, v41;
	[tilespmem:s5+$0x30] =	vst v55  }
0x22a: {  	v59 =	vand.u32 $0x380, v50;
	v50 =	vadd.s32 v22, v37;
	v41 =	vadd.s32 v8, v42;
	v46 =	vld.idx.msk [tilespmem:v56+s15+$0x0], $0xffff;
	[tilespmem:s28+$0x410] =	vst v57  }
0x22b: {  	v50 =	vor.u32 v36, v50;
	v38 =	vor.u32 v59, v38;
	v55 =	vor.u32 v59, v41;
	v41 =	vld.idx.msk [tilespmem:v51+s15+$0x0], $0xffff  }
0x22c: {  	v50 =	vor.u32 v13, v50;
	v38 =	vor.u32 v3, v38;
	v51 =	vor.u32 v7, v55;
	[tilespmem:s0+$0x400] =	vst v53  }
0x22d: {  	v56 =	vadd.s32 v4, v29;
	v55 =	vadd.s32 v20, v42;
	v53 =	vadd.s32 v12, v42;
	v47 =	vld.idx.msk [tilespmem:v47+s15+$0x0], $0xffff  }
0x22e: {  	v57 =	vadd.s32 v8, v48;
	v56 =	vor.u32 v30, v56;
	v53 =	vor.u32 v59, v53;
	v54 =	vld.idx.msk [tilespmem:v54+s15+$0x0], $0xffff  }
0x22f: {  	v57 =	vor.u32 v58, v57;
	v56 =	vor.u32 v2, v56;
	v53 =	vor.u32 v11, v53;
	[tilespmem:s3+$0x30] =	vst v45  }
0x230: {  	s11 =	sadd.s32 $0x200, s11;
	v57 =	vor.u32 v7, v57;
	v45 =	vor.u32 v59, v55;
	v55 =	vadd.s32 v24, v42;
	[tilespmem:s5+$0x40] =	vst v46  }
0x231: {  	s20 =	sadd.s32 $0x100, s20;
	s9 =	sand.u32 $0x7800, s11;
	v45 =	vor.u32 v15, v45;
	v46 =	vor.u32 v59, v55;
	v55 =	vadd.s32 v18, v37;
	v50 =	vld.idx.msk [tilespmem:v50+s15+$0x0], $0xffff  }
0x232: {  	s10 =	sadd.s32 $0xFFFFFF80, s20;
	s13 =	sand.u32 $0x380, s20;
	v62 =	vadd.s32 v22, v42;
	s9 =	sadd.s32 $0x13100, s9;
	v61 =	vor.u32 v21, v46;
	v46 =	vor.u32 v36, v55;
	v60 =	vld.idx.msk [tilespmem:v38+s15+$0x0], $0xffff  }
0x233: {  	s10 =	sand.u32 $0x300, s10;
	s13 =	sadd.s32 s13, s9;
	v55 =	vor.u32 v59, v62;
	v46 =	vor.u32 v10, v46;
	v38 =	vmov v52;
	v44 =	vld.idx.msk [tilespmem:v44+s15+$0x0], $0xffff;
	[tilespmem:s0+$0x410] =	vst v47  }
0x234: {  	s9 =	sadd.s32 s10, s9;
	v47 =	vor.u32 v13, v55;
	[tilespmem:s13+$0x0] =	vst v54;
	v52 =	vld.idx.msk [tilespmem:v56+s15+$0x0], $0xffff;
	v54 =	vadd.s32 v19, v29;
	v29 =	vmov v37  }
0x235: {  	v37 =	vadd.s32 v18, v42;
	v56 =	vadd.s32 v12, v48;
	v55 =	vld.idx.msk [tilespmem:v57+s15+$0x0], $0xffff;
	v30 =	vor.u32 v30, v54  }
0x236: {  	v62 =	vor.u32 v59, v37;
	v54 =	vor.u32 v58, v56;
	[tilespmem:s4+$0x70] =	vst v49;
	v49 =	vor.u32 v1, v30  }
0x237: {  	v63 =	vadd.s32 v14, v42;
	v57 =	vor.u32 v10, v62;
	v54 =	vor.u32 v11, v54;
	[tilespmem:s5+$0x50] =	vst v50  }
0x238: {  	v56 =	vor.u32 v59, v63;
	v50 =	vadd.s32 v14, v29;
	v37 =	vmov v48;
	[tilespmem:s9+$0x0] =	vst v60;
	v60 =	vld.idx.msk [tilespmem:v46+s15+$0x0], $0xffff  }
0x239: {  	v46 =	vor.u32 v9, v56;
	v30 =	vmov v36;
	v62 =	vld.idx.msk [tilespmem:v51+s15+$0x0], $0xffff;
	[tilespmem:s3+$0x40] =	vst v44;
	v51 =	vor.u32 v36, v50  }
0x23a: {  	v48 =	vadd.s32 v23, v42;
	v36 =	vmov v58;
	v63 =	vld.idx.msk [tilespmem:v43+s15+$0x0], $0xffff;
	v43 =	vor.u32 v9, v51;
	[tilespmem:s0+$0x420] =	vst v52  }
0x23b: {  	v48 =	vor.u32 v59, v48;
	v50 =	vadd.s32 v17, v42;
	v44 =	vmov v61;
	[tilespmem:s13+$0x10] =	vst v55;
	v58 =	vld.idx.msk [tilespmem:v49+s15+$0x0], $0xffff  }
0x23c: {  	v51 =	vor.u32 v16, v48;
	v48 =	vor.u32 v59, v50;
	v49 =	vadd.s32 v20, v37;
	v55 =	vld.idx.msk [tilespmem:v54+s15+$0x0], $0xffff  }
.Ltmp4:
0x23d: {  	v52 =	vadd.s32 v4, v42;
	v48 =	vor.u32 v6, v48;
	v49 =	vor.u32 v36, v49;
	v50 =	vld.idx.msk [tilespmem:v35+s15+$0x0], $0xffff;
	(pc) =	sbr.rel @p0 .LBB2_9-.Ltmp4, $4  }
0x23e: {  	v42 =	vadd.s32 v19, v42;
	v61 =	vor.u32 v59, v52;
	v56 =	vor.u32 v15, v49;
	[tilespmem:s5+$0x60] =	vst v60  }
0x23f: {  	v49 =	vor.u32 v2, v61;
	v60 =	vadd.s32 v23, v29;
	[tilespmem:s9+$0x10] =	vst v62;
	v52 =	vld.idx.msk [tilespmem:v43+s15+$0x0], $0xffff;
	v43 =	vmov v47  }
0x240: {  	v42 =	vor.u32 v59, v42;
	v35 =	vmov v40;
	v54 =	vld.idx.msk [tilespmem:v53+s15+$0x0], $0xffff;
	[tilespmem:s3+$0x50] =	vst v63;
	v53 =	vor.u32 v30, v60  }
0x241: {  	v42 =	vor.u32 v1, v42;
	v47 =	vld.idx.msk [tilespmem:v39+s15+$0x0], $0xffff;
	v53 =	vor.u32 v16, v53;
	[tilespmem:s0+$0x430] =	vst v58;
	v39 =	vmov v57;
	s0 =	smov.u32 s5;
	s5 =	smov.u32 s13  }
0x242: {  	_ =	sdelay $0x2  }
0x243: {  	[tilespmem:s5+$0x20] =	vst v55;
	v3 =	vadd.s32 v24, v37  }
0x244: {  	v5 =	vld.idx.msk [tilespmem:v56+s15+$0x0], $0xffff;
	v3 =	vor.u32 v36, v3  }
0x245: {  	v3 =	vor.u32 v21, v3;
	[tilespmem:s9+$0x20] =	vst v54  }
0x246: {  	v7 =	vld.idx.msk [tilespmem:v45+s15+$0x0], $0xffff;
	_ =	sdelay $0x2  }
0x247: {  	v40 =	vadd.s32 v22, v37;
	[tilespmem:s5+$0x30] =	vst v5  }
0x248: {  	v5 =	vor.u32 v36, v40;
	v3 =	vld.idx.msk [tilespmem:v3+s15+$0x0], $0xffff  }
0x249: {  	v5 =	vor.u32 v13, v5;
	[tilespmem:s9+$0x30] =	vst v7  }
0x24a: {  	v7 =	vld.idx.msk [tilespmem:v44+s15+$0x0], $0xffff;
	_ =	sdelay $0x2  }
0x24b: {  	[tilespmem:s5+$0x40] =	vst v3;
	v3 =	vadd.s32 v18, v37  }
0x24c: {  	v5 =	vld.idx.msk [tilespmem:v5+s15+$0x0], $0xffff;
	v3 =	vor.u32 v36, v3  }
0x24d: {  	v3 =	vor.u32 v10, v3;
	[tilespmem:s9+$0x40] =	vst v7  }
0x24e: {  	v7 =	vld.idx.msk [tilespmem:v43+s15+$0x0], $0xffff;
	_ =	sdelay $0x2  }
0x24f: {  	v45 =	vadd.s32 v14, v37;
	[tilespmem:s5+$0x50] =	vst v5  }
0x250: {  	v5 =	vor.u32 v36, v45;
	v3 =	vld.idx.msk [tilespmem:v3+s15+$0x0], $0xffff  }
0x251: {  	v5 =	vor.u32 v9, v5;
	[tilespmem:s9+$0x50] =	vst v7  }
0x252: {  	v7 =	vld.idx.msk [tilespmem:v39+s15+$0x0], $0xffff;
	_ =	sdelay $0x2  }
0x253: {  	[tilespmem:s5+$0x60] =	vst v3;
	v3 =	vadd.s32 v23, v37  }
0x254: {  	[tilespmem:s3+$0x60] =	vst v47;
	v5 =	vld.idx.msk [tilespmem:v5+s15+$0x0], $0xffff;
	v3 =	vor.u32 v36, v3  }
0x255: {  	v8 =	vld.idx.msk [tilespmem:v34+s15+$0x0], $0xffff;
	v3 =	vor.u32 v16, v3;
	[tilespmem:s9+$0x60] =	vst v7  }
0x256: {  	[tilespmem:s0+$0x70] =	vst v52;
	v52 =	vld.idx.msk [tilespmem:v46+s15+$0x0], $0xffff  }
0x257: {  	v47 =	vadd.s32 v17, v29  }
0x258: {  	v53 =	vld.idx.msk [tilespmem:v53+s15+$0x0], $0xffff;
	v7 =	vor.u32 v30, v47  }
0x259: {  	v54 =	vadd.s32 v17, v37;
	v7 =	vor.u32 v6, v7;
	[tilespmem:s5+$0x70] =	vst v5  }
0x25a: {  	[tilespmem:s3+$0x70] =	vst v8;
	v5 =	vor.u32 v36, v54;
	v3 =	vld.idx.msk [tilespmem:v3+s15+$0x0], $0xffff  }
0x25b: {  	v55 =	vld.idx.msk [tilespmem:v35+s15+$0x0], $0xffff;
	v5 =	vor.u32 v6, v5;
	[tilespmem:s9+$0x70] =	vst v52  }
0x25c: {  	v9 =	vld.idx.msk [tilespmem:v51+s15+$0x0], $0xffff  }
0x25d: {  	v56 =	vadd.s32 v4, v29;
	[tilespmem:s0+$0x400] =	vst v53  }
0x25e: {  	[tilespmem:s4+$0x400] =	vst v50;
	v8 =	vor.u32 v30, v56;
	v7 =	vld.idx.msk [tilespmem:v7+s15+$0x0], $0xffff  }
0x25f: {  	v58 =	vld.idx.msk [tilespmem:v28+s15+$0x0], $0xffff;
	v8 =	vor.u32 v2, v8;
	[tilespmem:s5+$0x400] =	vst v3;
	v3 =	vadd.s32 v4, v37  }
0x260: {  	[tilespmem:s3+$0x400] =	vst v55;
	v57 =	vld.idx.msk [tilespmem:v5+s15+$0x0], $0xffff;
	v3 =	vor.u32 v36, v3  }
0x261: {  	v2 =	vor.u32 v2, v3;
	v3 =	vld.idx.msk [tilespmem:v33+s15+$0x0], $0xffff;
	[tilespmem:s9+$0x400] =	vst v9  }
0x262: {  	[tilespmem:s28+$0x420] =	vst v41;
	v60 =	vld.idx.msk [tilespmem:v48+s15+$0x0], $0xffff  }
0x263: {  	v59 =	vadd.s32 v19, v29;
	[tilespmem:s0+$0x410] =	vst v7  }
0x264: {  	[tilespmem:s4+$0x410] =	vst v58;
	v6 =	vor.u32 v30, v59;
	v8 =	vld.idx.msk [tilespmem:v8+s15+$0x0], $0xffff  }
0x265: {  	v61 =	vadd.s32 v19, v37;
	v6 =	vor.u32 v1, v6;
	v5 =	vld.idx.msk [tilespmem:v27+s15+$0x0], $0xffff;
	[tilespmem:s5+$0x410] =	vst v57  }
0x266: {  	v4 =	vor.u32 v36, v61;
	v2 =	vld.idx.msk [tilespmem:v2+s15+$0x0], $0xffff;
	[tilespmem:s3+$0x410] =	vst v3  }
0x267: {  	v1 =	vor.u32 v1, v4;
	v3 =	vld.idx.msk [tilespmem:v31+s15+$0x0], $0xffff;
	[tilespmem:s9+$0x410] =	vst v60  }
0x268: {  	[tilespmem:s26+$0x430] =	vst v38;
	v62 =	vld.idx.msk [tilespmem:v49+s15+$0x0], $0xffff  }
0x269: {  	v63 =	vld.idx.msk [tilespmem:v25+s15+$0x0], $0xffff;
	[tilespmem:s0+$0x420] =	vst v8  }
0x26a: {  	[tilespmem:s4+$0x420] =	vst v5;
	v6 =	vld.idx.msk [tilespmem:v6+s15+$0x0], $0xffff  }
0x26b: {  	[tilespmem:s5+$0x420] =	vst v2;
	v2 =	vld.idx.msk [tilespmem:v26+s15+$0x0], $0xffff  }
0x26c: {  	v1 =	vld.idx.msk [tilespmem:v1+s15+$0x0], $0xffff;
	[tilespmem:s3+$0x420] =	vst v3  }
0x26d: {  	s10 =	smul.u32 $0x480000, s23;
	v3 =	vld.idx.msk [tilespmem:v32+s15+$0x0], $0xffff;
	[tilespmem:s9+$0x420] =	vst v62  }
0x26e: {  	s31 =	smul.u32 $0xC000, s24;
	s22 =	sadd.s32 $0x1, s22;
	[tilespmem:s28+$0x430] =	vst v63;
	v4 =	vld.idx.msk [tilespmem:v42+s15+$0x0], $0xffff  }
0x26f: {  	p0 =	sne.s32 s22, $0x30;
	[tilespmem:s0+$0x430] =	vst v6  }
.Ltmp5:
0x270: {  	s0 =	sadd.s32 s10, s31;
	[tilespmem:s4+$0x430] =	vst v2;
	(pc) =	sbr.rel @p0 .LBB2_2-.Ltmp5, $4  }
0x271: {  	s0 =	sadd.s32 $0x6000, s0;
	[tilespmem:s5+$0x430] =	vst v1  }
0x272: {  	s0 =	sshrl.u32 s0, $0x3;
	[tilespmem:s3+$0x430] =	vst v3  }
0x273: {  	s0 =	sadd.s32 s6, s0;
	[tilespmem:s9+$0x430] =	vst v4  }
0x274: {  	[hbm4b:s0+s7] =	stream.linear.scatter [tilespmem:s19], [sflag:$0x4], $0x6000, $0x38;
	[tilespmem:$0x19100] =	vst v63  }
0x275: {  	s0 =	simm.s32 $0x3  }
0x276: {  	_ =	swait.ge [sflag:s0], $0x6000  }
0x277: {  	[sflag:s0] =	ssyncset.done $0x0  }
0x278: {  	[sflag:s0] =	ssyncadd.s32 $0xFFFFA000  }
0x279: {  	_ =	swait.ge [sflag:s18], $0x6000  }
0x27a: {  	s3 =	rddreg [dreg:$0x8]  }
0x27b: {  	s31 =	rddreg [dreg:$0x7];
	s3 =	sadd.s32 $0x1, s3  }
0x27c: {  	p0 =	sne.s32 s3, s31  }
.Ltmp6:
0x27d: {  	_ = 	snop;
	(pc) =	sbr.rel @p0 .LBB2_1-.Ltmp6, $3  }
0x27e: {  	_ =	sdelay $0x1  }
0x27f: {  	[sflag:s18] =	ssyncset.done $0x0  }
0x280: {  	[sflag:s18] =	ssyncadd.s32 $0xFFFFA000  }
0x281: {  	_ =	sfence.sel $0x180000  }
0x282: {  	[bflag:$0x0] =	sbarrier.arrive $0xFFFF  }
0x283: {  	_ =	strace $0x90000047  }
0x284: {  	s0 =	stileid.u32;
	[bflag:$0x2] =	sbarrier.arrive $0xFFFF  }
0x285: {  	p0 =	sne.s32 s0, $0x0;
	s0 =	rddreg [dreg:$0x4]  }
0x286: {  	s0 =	sadd.s32 @!p0 $0x100000, s0  }
0x287: {  	[sflag:s0] =	ssyncadd.tile.s32 @!p0 $0x1;
	_ =	shalt  }
.Lfunc_end2:
_tile_overlayer_lowered:
.L_overlay_start_2:
0x288: {  	(tag) =	ssettag $0x2  }
0x289: {  	s0 =	rddreg [dreg:$0x0];
	s2 =	stileid.u32  }
0x28a: {  	s1 =	rddreg [dreg:$0x1];
	p0 =	sne.s32 s2, $0x0  }
0x28b: {  	s3 =	rddreg [dreg:$0x2];
	[bflag:$0x3] =	sbarrier.arrive $0xFFFF;
	s2 =	simm.s32 @!p0 $0x1C05  }
0x28c: {  	[timem:s3], [sflag:s2] =	dma.local @!p0 [hbm:s0], s1  }
0x28d: {  	s0 =	simm.s32 @!p0 $0x5  }
0x28e: {  	_ =	swait.ge @!p0 [sflag:s0], s1  }
0x28f: {  	s1 =	ssub.s32 @!p0 $0x0, s1;
	[sflag:s0] =	ssyncset.done @!p0 $0x0  }
0x290: {  	[sflag:s0] =	ssyncadd.s32 @!p0 s1  }
0x291: {  	[bflag:$0x3] =	sbarrier.arrive $0xFFFF  }
0x292: {  	_ =	shalt  }

</sc_bundles>
